<compile_context>
chip_gen: v7x
topology: tpu7x:2x2x1
jax: 0.10.2.dev20260603
libtpu: 0.0.44.dev20260713+nightly
codegen_flags: <defaults>
</compile_context>

<pallas_src>
import functools

import jax
import jax.numpy as jnp
import numpy as np
from jax import lax
from jax.experimental import pallas as pl
from jax.experimental.pallas import tpu as pltpu
from jax.experimental.pallas import tpu_sc as plsc

B, N, C = 1, 2048, 768
H, D = 12, 64
TOKEEP = 50
WIN = 4
SCALE_P = 3.0
ALPHA_P = 2.0

NW_CHUNKS = N // WIN
NSEL = H * NW_CHUNKS * TOKEEP
PB_ROWS = 2 * N
CB = 32
BM = CB * WIN
BZ = CB * TOKEEP
NBLK = NW_CHUNKS // CB

SC_NW = 32
PER_W = NSEL // SC_NW
KV_G = 120
KV_NG = PER_W // KV_G

_CONSTS = {}


def _np_exponential_key1234(shape):
    size = int(np.prod(shape))
    k1, k2 = np.uint32(0), np.uint32(1234)
    c64 = np.arange(size, dtype=np.uint64)
    x0 = (c64 >> np.uint64(32)).astype(np.uint32)
    x1 = (c64 & np.uint64(0xFFFFFFFF)).astype(np.uint32)

    def rotl(x, d):
        d = np.uint32(d)
        return (x << d) | (x >> np.uint32(32 - d))

    ks0, ks1 = k1, k2
    ks2 = np.uint32(k1 ^ k2 ^ np.uint32(0x1BD11BDA))
    x0 = x0 + ks0
    x1 = x1 + ks1

    def rounds(x0, x1, rots, ka, kb, i):
        for r in rots:
            x0 = x0 + x1
            x1 = rotl(x1, r) ^ x0
        return x0 + ka, x1 + np.uint32(kb + np.uint32(i))

    rot1, rot2 = (13, 15, 26, 6), (17, 29, 16, 24)
    x0, x1 = rounds(x0, x1, rot1, ks1, ks2, 1)
    x0, x1 = rounds(x0, x1, rot2, ks2, ks0, 2)
    x0, x1 = rounds(x0, x1, rot1, ks0, ks1, 3)
    x0, x1 = rounds(x0, x1, rot2, ks1, ks2, 4)
    x0, x1 = rounds(x0, x1, rot1, ks2, ks0, 5)
    bits = (x0 ^ x1).reshape(shape)
    float_bits = (bits >> np.uint32(9)) | np.uint32(0x3F800000)
    u = float_bits.view(np.float32) - np.float32(1.0)
    return -np.log1p(-u)


def _get_consts():
    if _CONSTS:
        return _CONSTS
    grid = np.repeat(
        np.abs(np.arange(NW_CHUNKS)[None, :] - np.arange(NW_CHUNKS)[:, None]),
        WIN, axis=1).astype(np.float32)
    e = _np_exponential_key1234((B, H, NW_CHUNKS, N)) / np.float32(ALPHA_P)
    pareto = (np.float32(SCALE_P) * np.exp(e.astype(np.float32))).astype(np.float32)
    cg = grid[None, None, :, :] - pareto
    idx = np.sort(np.argsort(cg, axis=-1, kind="stable")[..., :TOKEEP], axis=-1)
    idx = idx[0].astype(np.int64)

    hh = np.arange(H)[:, None, None]
    cc = np.arange(NW_CHUNKS)[None, :, None]
    gidx = (idx * H + hh).reshape(-1).astype(np.int32)
    pbase = (hh * PB_ROWS + (WIN * cc - idx + (N - 1))).reshape(-1).astype(np.int32)
    mask = np.full((BM, BZ), -1e30, np.float32)
    for c in range(CB):
        mask[c * WIN:(c + 1) * WIN, c * TOKEEP:(c + 1) * TOKEEP] = 0.0
    i4 = np.zeros((BM, WIN), np.float32)
    i4[np.arange(BM), np.arange(BM) % WIN] = 1.0
    _CONSTS.update(gidx=gidx, pbase=pbase, mask=mask, i4=i4)
    return _CONSTS



def _qkv_body(x_ref, w_ref, b_ref, q_ref, kv_ref):
    o = lax.dot_general(x_ref[...], w_ref[...], (((1,), (1,)), ((), ())),
                        preferred_element_type=jnp.float32)
    o = o + b_ref[...]
    for h in range(H):
        q_ref[h] = o[:, h * D:(h + 1) * D]
    kv_ref[...] = o[:, C:]


def _qkv_proj(x2d, w_r, b_r):
    m_blk = 256
    return pl.pallas_call(
        _qkv_body,
        grid=(N // m_blk,),
        in_specs=[
            pl.BlockSpec((m_blk, C), lambda i: (i, 0)),
            pl.BlockSpec((3 * C, C), lambda i: (0, 0)),
            pl.BlockSpec((1, 3 * C), lambda i: (0, 0)),
        ],
        out_specs=[
            pl.BlockSpec((H, m_blk, D), lambda i: (0, i, 0)),
            pl.BlockSpec((m_blk, 2 * C), lambda i: (i, 0)),
        ],
        out_shape=[
            jax.ShapeDtypeStruct((H, N, D), jnp.float32),
            jax.ShapeDtypeStruct((N, 2 * C), jnp.float32),
        ],
    )(x2d, w_r, b_r)


def _mlp_body(w0_ref, b0_ref, w1_ref, b1_ref, w2_ref, b2_ref, o_ref):
    i = pl.program_id(0)
    r_blk = o_ref.shape[0]
    rows = lax.broadcasted_iota(jnp.int32, (r_blk, C), 0)
    pos = rows.astype(jnp.float32) + (i * r_blk - (N - 1)).astype(jnp.float32)
    h1 = jnp.maximum(pos * w0_ref[...] + b0_ref[...], 0.0)
    h2 = lax.dot_general(h1, w1_ref[...], (((1,), (1,)), ((), ())),
                         preferred_element_type=jnp.float32)
    h2 = jnp.maximum(h2 + b1_ref[...], 0.0)
    o = lax.dot_general(h2, w2_ref[...], (((1,), (1,)), ((), ())),
                        preferred_element_type=jnp.float32)
    o_ref[...] = o + b2_ref[...]


def _pos_mlp(w0r, b0r, w1t, b1r, w2t, b2r):
    r_blk = 1024
    return pl.pallas_call(
        _mlp_body,
        grid=(PB_ROWS // r_blk,),
        in_specs=[
            pl.BlockSpec((1, C), lambda i: (0, 0)),
            pl.BlockSpec((1, C), lambda i: (0, 0)),
            pl.BlockSpec((C, C), lambda i: (0, 0)),
            pl.BlockSpec((1, C), lambda i: (0, 0)),
            pl.BlockSpec((H, C), lambda i: (0, 0)),
            pl.BlockSpec((1, H), lambda i: (0, 0)),
        ],
        out_specs=pl.BlockSpec((r_blk, H), lambda i: (i, 0)),
        out_shape=jax.ShapeDtypeStruct((PB_ROWS, H), jnp.float32),
    )(w0r, b0r, w1t, b1r, w2t, b2r)


def _attn_body(q_ref, kv_ref, p_ref, m_ref, i4_ref, o_ref):
    q = q_ref[...].reshape(BM, D)
    kv = kv_ref[...]
    k = kv[:, :D]
    v = kv[:, D:]
    s = lax.dot_general(q, k, (((1,), (1,)), ((), ())),
                        preferred_element_type=jnp.float32)
    s = s * (D ** -0.5)
    p = p_ref[...].reshape(WIN, BZ)
    s = s + jnp.dot(i4_ref[...], p, preferred_element_type=jnp.float32)
    s = s + m_ref[...]
    mx = jnp.max(s, axis=1, keepdims=True)
    e = jnp.exp(s - mx)
    sm = jnp.sum(e, axis=1, keepdims=True)
    attn = e / sm
    o = jnp.dot(attn, v, preferred_element_type=jnp.float32)
    o_ref[...] = o.reshape(1, BM, D)


def _attention(q3, kvsel, psel4, mask, i4, h0, nh):
    return pl.pallas_call(
        _attn_body,
        grid=(nh, NBLK),
        in_specs=[
            pl.BlockSpec((1, BM, D), lambda h, b: (h0 + h, b, 0)),
            pl.BlockSpec((BZ, 2 * D), lambda h, b: (h * NBLK + b, 0)),
            pl.BlockSpec((1, WIN, BZ),
                         lambda h, b: ((h0 + h) * NBLK + b, 0, 0)),
            pl.BlockSpec((BM, BZ), lambda h, b: (0, 0)),
            pl.BlockSpec((BM, WIN), lambda h, b: (0, 0)),
        ],
        out_specs=pl.BlockSpec((1, BM, D), lambda h, b: (h, b, 0)),
        out_shape=jax.ShapeDtypeStruct((nh, N, D), jnp.float32),
    )(q3, kvsel, psel4, mask, i4)


def _proj_body(a_ref, b_ref2, w_ref, b_ref, o_ref):
    nh = a_ref.shape[0]
    x = jnp.concatenate([a_ref[h] for h in range(nh)]
                        + [b_ref2[h] for h in range(H - nh)], axis=1)
    o = lax.dot_general(x, w_ref[...], (((1,), (1,)), ((), ())),
                        preferred_element_type=jnp.float32)
    o_ref[...] = o + b_ref[...]


def _out_proj(a3a, a3b, w, b_r):
    m_blk = 512
    nha = a3a.shape[0]
    nhb = a3b.shape[0]
    return pl.pallas_call(
        _proj_body,
        grid=(N // m_blk,),
        in_specs=[
            pl.BlockSpec((nha, m_blk, D), lambda i: (0, i, 0)),
            pl.BlockSpec((nhb, m_blk, D), lambda i: (0, i, 0)),
            pl.BlockSpec((C, C), lambda i: (0, 0)),
            pl.BlockSpec((1, C), lambda i: (0, 0)),
        ],
        out_specs=pl.BlockSpec((m_blk, C), lambda i: (i, 0)),
        out_shape=jax.ShapeDtypeStruct((N, C), jnp.float32),
    )(a3a, a3b, w, b_r)



def _sc_mesh():
    return plsc.VectorSubcoreMesh(core_axis_name="c", subcore_axis_name="s")


def _sc_wid():
    return lax.axis_index("s") * 2 + lax.axis_index("c")


def _kv_gather(kvtab, gidx, nsel):

    nbuf = 4
    per_w = nsel // SC_NW
    n_g = per_w // KV_G

    @functools.partial(
        pl.kernel,
        out_type=jax.ShapeDtypeStruct((nsel, 2 * D), jnp.float32),
        mesh=_sc_mesh(),
        scratch_types=[
            pltpu.VMEM((per_w,), jnp.int32),
        ] + [pltpu.VMEM((KV_G, 2 * D), jnp.float32) for _ in range(nbuf)]
          + [pltpu.SemaphoreType.DMA for _ in range(nbuf)]
          + [pltpu.SemaphoreType.DMA for _ in range(nbuf)],
    )
    def body(tab_hbm, idx_hbm, out_hbm, idx_v, *bufsem):
        bufs = bufsem[:nbuf]
        gsem = bufsem[nbuf:2 * nbuf]
        osem = bufsem[2 * nbuf:]
        base = _sc_wid() * per_w
        pltpu.sync_copy(idx_hbm.at[pl.ds(base, per_w)], idx_v)

        def gather(t, b):
            return pltpu.make_async_copy(
                tab_hbm.at[idx_v.at[pl.ds(t * KV_G, KV_G)]], bufs[b], gsem[b])

        def out_cp(t, b):
            return pltpu.make_async_copy(
                bufs[b], out_hbm.at[pl.ds(base + t * KV_G, KV_G)], osem[b])

        for b in range(nbuf):
            gather(b, b).start()

        def step(g, _):
            for b in range(nbuf):
                t = g * nbuf + b
                gather(t, b).wait()
                out_cp(t, b).start()
                nxt = t + nbuf

                @pl.when(nxt < n_g)
                def _(b=b, t=t, nxt=nxt):
                    out_cp(t, b).wait()
                    gather(nxt, b).start()
            return 0

        lax.fori_loop(0, n_g // nbuf, step, 0)
        for b in range(nbuf):
            out_cp(n_g - nbuf + b, b).wait()

    return body(kvtab, gidx)


def _pos_gather(pbh_t, pbase):

    blks = PER_W // BZ

    @functools.partial(
        pl.kernel,
        out_type=jax.ShapeDtypeStruct((H * NBLK, WIN, BZ), jnp.float32),
        mesh=_sc_mesh(),
        scratch_types=[
            pltpu.VMEM((H * PB_ROWS,), jnp.float32),
            pltpu.VMEM((PER_W,), jnp.int32),
            pltpu.VMEM((blks, WIN, BZ), jnp.float32),
        ],
        compiler_params=pltpu.CompilerParams(needs_layout_passes=False),
    )
    def body(tab_hbm, idx_hbm, out_hbm, tab_v, idx_v, out_v):
        wid = _sc_wid()
        pltpu.sync_copy(tab_hbm, tab_v)
        pltpu.sync_copy(idx_hbm.at[pl.ds(wid * PER_W, PER_W)], idx_v)

        for blk in range(blks):
            def step(t, _, blk=blk):
                iv = idx_v[pl.ds((blk * (BZ // 16) + t) * 16, 16)]
                for j in range(WIN):
                    out_v[blk, j, pl.ds(t * 16, 16)] = \
                        plsc.load_gather(tab_v, [iv + j])
                return 0

            lax.fori_loop(0, BZ // 16, step, 0)
        pltpu.sync_copy(out_v, out_hbm.at[pl.ds(wid * blks, blks)])

    return body(pbh_t, pbase)



def kernel(x, qkv_w, qkv_b, out_w, out_b, pb_w0, pb_b0, pb_w1, pb_b1, pb_w2, pb_b2):
    cst = _get_consts()
    gidx = jnp.asarray(cst["gidx"])
    pbase = jnp.asarray(cst["pbase"])
    mask = jnp.asarray(cst["mask"])
    i4 = jnp.asarray(cst["i4"])

    w4 = qkv_w.reshape(H, D, 3, C)
    qw = w4[:, :, 0, :].reshape(H * D, C)
    kvw = jnp.transpose(w4[:, :, 1:, :], (0, 2, 1, 3)).reshape(2 * H * D, C)
    w_r = jnp.concatenate([qw, kvw], axis=0)
    b4 = qkv_b.reshape(H, D, 3)
    qb = b4[:, :, 0].reshape(-1)
    kvb = jnp.transpose(b4[:, :, 1:], (0, 2, 1)).reshape(-1)
    b_r = jnp.concatenate([qb, kvb])[None, :]

    q3, kv2d = _qkv_proj(x[0], w_r, b_r)
    kvtab = kv2d.reshape(N * H, 2 * D)

    pbh = _pos_mlp(pb_w0.T, pb_b0[None, :], pb_w1, pb_b1[None, :],
                   pb_w2, pb_b2[None, :])
    pbh_t = pbh.T.reshape(-1)

    hg = H // 2
    nsh = NSEL // 2
    kvsel_a = _kv_gather(kvtab, gidx[:nsh], nsh)
    kvsel_b = _kv_gather(kvtab, gidx[nsh:], nsh)
    psel4 = _pos_gather(pbh_t, pbase)

    a3a = _attention(q3, kvsel_a, psel4, mask, i4, 0, hg)
    a3b = _attention(q3, kvsel_b, psel4, mask, i4, hg, hg)
    y = _out_proj(a3a, a3b, out_w, out_b[None, :])
    return y[None]

# --- scband reference (transcript-rebuilt; emitter-appended) ---
"""Pipeline reference for scband-myopic-attention-36361193128319 (READ-ONLY COPY).

The authoritative reference and input builder live on the scoring server;
editing this copy changes nothing except your own understanding.
"""

import jax, jax.numpy as jnp
import numpy as np

B, N, C = 1, 2048, 768
H, D = 12, 64
TOKEEP = 50
WIN = 4
SCALE_P = 3.0
ALPHA_P = 2.0


def setup_inputs(seed: int = 0):
    key = jax.random.key(seed)
    ks = jax.random.split(key, 12)

    def u(k, shape, fan_in):
        b = 1.0 / float(np.sqrt(fan_in))
        return jax.random.uniform(k, shape, minval=-b, maxval=b, dtype=jnp.float32)

    return {
        'x': jax.random.normal(ks[0], (B, N, C), dtype=jnp.float32),
        'qkv_w': u(ks[1], (3 * H * D, C), C),
        'qkv_b': u(ks[2], (3 * H * D,), C),
        'out_w': u(ks[3], (C, H * D), H * D),
        'out_b': u(ks[4], (C,), H * D),
        'pb_w0': u(ks[5], (C, 1), 1),
        'pb_b0': u(ks[6], (C,), 1),
        'pb_w1': u(ks[7], (C, C), C),
        'pb_b1': u(ks[8], (C,), C),
        'pb_w2': u(ks[9], (H, C), C),
        'pb_b2': u(ks[10], (H,), C),
    }


def _pos_bias(n, pb_w0, pb_b0, pb_w1, pb_b1, pb_w2, pb_b2):
    # DynamicPositionBias (depth=2, no log distance, no norm): MLP over relative positions
    pos = jnp.arange(-n + 1, n, dtype=jnp.float32)[:, None]
    h = jax.nn.relu(pos @ pb_w0.T + pb_b0)
    h = jax.nn.relu(h @ pb_w1.T + pb_b1)
    h = h @ pb_w2.T + pb_b2  # [2n-1, H]
    i = jnp.arange(n)
    rel = i[:, None] - i[None, :] + (n - 1)  # [n, n]
    return jnp.transpose(h[rel], (2, 0, 1))  # [H, n, n]


def _forward(x, qkv_w, qkv_b, out_w, out_b, pb_w0, pb_b0, pb_w1, pb_b1, pb_w2, pb_b2):
    b, n, c = x.shape
    tokeep = min(TOKEEP, n)
    w = min(WIN, n)
    qkv = x @ qkv_w.T + qkv_b  # [B, N, 3*H*D]
    # rearrange 'B N (H D QKV) -> QKV B H N D'
    qkv = jnp.transpose(qkv.reshape(b, n, H, D, 3), (4, 0, 2, 1, 3))
    pad = (w - n % w) % w
    if pad > 0:
        qkv = jnp.pad(qkv, ((0, 0), (0, 0), (0, 0), (0, pad), (0, 0)))
    npad = n + pad
    nw = npad // w
    q = qkv[0].reshape(b, H, nw, w, D)
    k_full, v_full = qkv[1], qkv[2]  # [B, H, npad, D]
    # ChunkGrid: |chunk_i - chunk_j| repeat-interleaved over block size
    base = jnp.abs(jnp.arange(nw)[None, :] - jnp.arange(nw)[:, None])
    grid = jnp.repeat(base, w, axis=1).astype(jnp.float32)  # [nw, npad]
    # Pareto(scale=3, alpha=2) sample via exp of exponential (fixed key for determinism)
    e = jax.random.exponential(jax.random.key(1234), (b, H, nw, npad), dtype=jnp.float32) / ALPHA_P
    pareto = SCALE_P * jnp.exp(e)
    cg = grid[None, None, :, :] - pareto  # [B, H, nw, npad]
    # topk smallest, then sort indices ascending (same indices used for K and V)
    idx = jnp.sort(jnp.argsort(cg, axis=-1)[..., :tokeep], axis=-1)  # [B, H, nw, tokeep]
    k_sel = jnp.take_along_axis(k_full[:, :, None, :, :], idx[..., None], axis=3)  # [B,H,nw,tokeep,D]
    v_sel = jnp.take_along_axis(v_full[:, :, None, :, :], idx[..., None], axis=3)
    dots = jnp.einsum('bhnwd,bhnzd->bhnwz', q, k_sel) * (D ** -0.5)  # [B,H,nw,w,tokeep]
    bias = _pos_bias(npad, pb_w0, pb_b0, pb_w1, pb_b1, pb_w2, pb_b2)  # [H, npad, npad]
    bias = bias.reshape(H, nw, w, npad)[None]  # [1,H,nw,w,npad]
    idx_b = jnp.broadcast_to(idx[:, :, :, None, :], (b, H, nw, w, tokeep))
    pos_sel = jnp.take_along_axis(jnp.broadcast_to(bias, (b, H, nw, w, npad)), idx_b, axis=-1)
    dots = dots + pos_sel
    attn = jax.nn.softmax(dots, axis=-1)
    out = jnp.einsum('bhnwz,bhnzd->bhnwd', attn, v_sel)  # [B,H,nw,w,D]
    out = jnp.transpose(out, (0, 2, 3, 1, 4)).reshape(b, npad, H * D)
    if pad > 0:
        out = out[:, :-pad]
    return out @ out_w.T + out_b


def reference(x, qkv_w, qkv_b, out_w, out_b, pb_w0, pb_b0, pb_w1, pb_b1, pb_w2, pb_b2):
    return _forward(x, qkv_w, qkv_b, out_w, out_b, pb_w0, pb_b0, pb_w1, pb_b1, pb_w2, pb_b2)

if __name__ == "__main__":
    import jax
    _d = setup_inputs()
    print(jax.jit(kernel)(*tuple(_d.values())))

</pallas_src>

<mosaic_0001>
#map = affine_map<(d0, d1) -> (0)>
#map1 = affine_map<(d0, d1) -> (0, 0, 0)>
module attributes {stable_mosaic.version = 14 : i64} {
  func.func @body(%arg0: i32, %arg1: i32, %arg2: memref<49152xf32, #tpu.memory_space<hbm>>, %arg3: memref<307200xi32, #tpu.memory_space<hbm>>, %arg4: memref<192x4x1600xf32, #tpu.memory_space<hbm>>, %arg5: memref<49152xf32, #tpu.memory_space<vmem>>, %arg6: memref<9600xi32, #tpu.memory_space<vmem>>, %arg7: memref<6x4x1600xf32, #tpu.memory_space<vmem>>) attributes {dimension_semantics = [#tpu.dimension_semantics<core_parallel>, #tpu.dimension_semantics<subcore_parallel>], iteration_bounds = array<i64: 2, 16>, scalar_prefetch = 0 : i64, scratch_operands = 3 : i64, tpu.core_type = #tpu.core_type<sc_vector_subcore>, window_params = [{transform_indices = #map}, {transform_indices = #map}, {transform_indices = #map1}]} {
    %mul3A = arith.constant 2 : i32
    %mul3A_0 = arith.muli %arg1, %mul3A : i32
    %add3A = arith.addi %mul3A_0, %arg0 : i32
    "tpu.region"() ({
      %run_scoped3A = tpu.sem_alloc : memref<!tpu.dma_semaphore, #tpu.memory_space<semaphore_mem>>
      tpu.enqueue_dma source(%arg2 : memref<49152xf32, #tpu.memory_space<hbm>>) target(%arg5 : memref<49152xf32, #tpu.memory_space<vmem>>) target_semaphore(%run_scoped3A : memref<!tpu.dma_semaphore, #tpu.memory_space<semaphore_mem>>)
      tpu.wait_dma2 semaphore(%run_scoped3A : memref<!tpu.dma_semaphore, #tpu.memory_space<semaphore_mem>>) src(%arg2 : memref<49152xf32, #tpu.memory_space<hbm>>) dst(%arg5 : memref<49152xf32, #tpu.memory_space<vmem>>)
      tpu.yield
    }) : () -> ()
    %mul3A_1 = arith.constant 9600 : i32
    %mul3A_2 = arith.muli %add3A, %mul3A_1 : i32
    "tpu.region"() ({
      %run_scoped3A = tpu.sem_alloc : memref<!tpu.dma_semaphore, #tpu.memory_space<semaphore_mem>>
      %dma_start3A = tpu.memref_slice %arg3[%mul3A_2] : memref<307200xi32, #tpu.memory_space<hbm>> -> memref<9600xi32, #tpu.memory_space<hbm>>
      %dma_start3A_46 = tpu.memref_slice %arg3[%mul3A_2] : memref<307200xi32, #tpu.memory_space<hbm>> -> memref<9600xi32, #tpu.memory_space<hbm>>
      tpu.enqueue_dma source(%dma_start3A_46 : memref<9600xi32, #tpu.memory_space<hbm>>) target(%arg6 : memref<9600xi32, #tpu.memory_space<vmem>>) target_semaphore(%run_scoped3A : memref<!tpu.dma_semaphore, #tpu.memory_space<semaphore_mem>>)
      %dma_wait3A = tpu.memref_slice %arg3[%mul3A_2] : memref<307200xi32, #tpu.memory_space<hbm>> -> memref<9600xi32, #tpu.memory_space<hbm>>
      %dma_wait3A_47 = tpu.memref_slice %arg3[%mul3A_2] : memref<307200xi32, #tpu.memory_space<hbm>> -> memref<9600xi32, #tpu.memory_space<hbm>>
      tpu.wait_dma2 semaphore(%run_scoped3A : memref<!tpu.dma_semaphore, #tpu.memory_space<semaphore_mem>>) src(%dma_wait3A_47 : memref<9600xi32, #tpu.memory_space<hbm>>) dst(%arg6 : memref<9600xi32, #tpu.memory_space<vmem>>)
      tpu.yield
    }) : () -> ()
    %scan3A = arith.constant 0 : i32
    %scan3A_3 = arith.constant 0 : i32
    %scan3A_4 = arith.constant 100 : i32
    %scan3A_5 = arith.addi %scan3A_3, %scan3A_4 : i32
    %scan3A_6 = arith.constant 1 : i32
    %scan3A_7 = scf.for %scan3A_46 = %scan3A_3 to %scan3A_5 step %scan3A_6 iter_args(%scan3A_47 = %scan3A) -> (i32)  : i32 {
      %add3A_48 = arith.constant 0 : i32
      %add3A_49 = arith.addi %add3A_48, %scan3A_46 : i32
      %mul3A_50 = arith.constant 16 : i32
      %mul3A_51 = arith.muli %add3A_49, %mul3A_50 : i32
      %get3A = arith.index_cast %mul3A_51 : i32 to index
      %get3A_52 = tpu.vector_load %arg6[%get3A] {strides = array<i32>} : memref<9600xi32, #tpu.memory_space<vmem>>, vector<16xi32>,
      %add3A_53 = arith.constant 0 : i32
      %add3A_54 = vector.broadcast %add3A_53 : i32 to vector<16xi32>
      %add3A_55 = arith.addi %get3A_52, %add3A_54 : vector<16xi32>
      %gather3A = tpu.vector_load_idx %arg5[%add3A_55] : memref<49152xf32, #tpu.memory_space<vmem>>[vector<16xi32>], vector<16xf32>,
      %mul3A_56 = arith.constant 16 : i32
      %mul3A_57 = arith.muli %scan3A_46, %mul3A_56 : i32
      %swap3A = arith.constant 0 : i32
      %swap3A_58 = arith.constant 0 : i32
      %swap3A_59 = arith.index_cast %swap3A : i32 to index
      %swap3A_60 = arith.index_cast %swap3A_58 : i32 to index
      %swap3A_61 = arith.index_cast %mul3A_57 : i32 to index
      %swap3A_62 = tpu.vector_load %arg7[%swap3A_59, %swap3A_60, %swap3A_61] {strides = array<i32>} : memref<6x4x1600xf32, #tpu.memory_space<vmem>>, vector<16xf32>,
      tpu.vector_store %arg7[%swap3A_59, %swap3A_60, %swap3A_61], %gather3A {strides = array<i32>} : memref<6x4x1600xf32, #tpu.memory_space<vmem>>, vector<16xf32>,
      %add3A_63 = arith.constant 1 : i32
      %add3A_64 = vector.broadcast %add3A_63 : i32 to vector<16xi32>
      %add3A_65 = arith.addi %get3A_52, %add3A_64 : vector<16xi32>
      %gather3A_66 = tpu.vector_load_idx %arg5[%add3A_65] : memref<49152xf32, #tpu.memory_space<vmem>>[vector<16xi32>], vector<16xf32>,
      %mul3A_67 = arith.constant 16 : i32
      %mul3A_68 = arith.muli %scan3A_46, %mul3A_67 : i32
      %swap3A_69 = arith.constant 0 : i32
      %swap3A_70 = arith.constant 1 : i32
      %swap3A_71 = arith.index_cast %swap3A_69 : i32 to index
      %swap3A_72 = arith.index_cast %swap3A_70 : i32 to index
      %swap3A_73 = arith.index_cast %mul3A_68 : i32 to index
      %swap3A_74 = tpu.vector_load %arg7[%swap3A_71, %swap3A_72, %swap3A_73] {strides = array<i32>} : memref<6x4x1600xf32, #tpu.memory_space<vmem>>, vector<16xf32>,
      tpu.vector_store %arg7[%swap3A_71, %swap3A_72, %swap3A_73], %gather3A_66 {strides = array<i32>} : memref<6x4x1600xf32, #tpu.memory_space<vmem>>, vector<16xf32>,
      %add3A_75 = arith.constant 2 : i32
      %add3A_76 = vector.broadcast %add3A_75 : i32 to vector<16xi32>
      %add3A_77 = arith.addi %get3A_52, %add3A_76 : vector<16xi32>
      %gather3A_78 = tpu.vector_load_idx %arg5[%add3A_77] : memref<49152xf32, #tpu.memory_space<vmem>>[vector<16xi32>], vector<16xf32>,
      %mul3A_79 = arith.constant 16 : i32
      %mul3A_80 = arith.muli %scan3A_46, %mul3A_79 : i32
      %swap3A_81 = arith.constant 0 : i32
      %swap3A_82 = arith.constant 2 : i32
      %swap3A_83 = arith.index_cast %swap3A_81 : i32 to index
      %swap3A_84 = arith.index_cast %swap3A_82 : i32 to index
      %swap3A_85 = arith.index_cast %mul3A_80 : i32 to index
      %swap3A_86 = tpu.vector_load %arg7[%swap3A_83, %swap3A_84, %swap3A_85] {strides = array<i32>} : memref<6x4x1600xf32, #tpu.memory_space<vmem>>, vector<16xf32>,
      tpu.vector_store %arg7[%swap3A_83, %swap3A_84, %swap3A_85], %gather3A_78 {strides = array<i32>} : memref<6x4x1600xf32, #tpu.memory_space<vmem>>, vector<16xf32>,
      %add3A_87 = arith.constant 3 : i32
      %add3A_88 = vector.broadcast %add3A_87 : i32 to vector<16xi32>
      %add3A_89 = arith.addi %get3A_52, %add3A_88 : vector<16xi32>
      %gather3A_90 = tpu.vector_load_idx %arg5[%add3A_89] : memref<49152xf32, #tpu.memory_space<vmem>>[vector<16xi32>], vector<16xf32>,
      %mul3A_91 = arith.constant 16 : i32
      %mul3A_92 = arith.muli %scan3A_46, %mul3A_91 : i32
      %swap3A_93 = arith.constant 0 : i32
      %swap3A_94 = arith.constant 3 : i32
      %swap3A_95 = arith.index_cast %swap3A_93 : i32 to index
      %swap3A_96 = arith.index_cast %swap3A_94 : i32 to index
      %swap3A_97 = arith.index_cast %mul3A_92 : i32 to index
      %swap3A_98 = tpu.vector_load %arg7[%swap3A_95, %swap3A_96, %swap3A_97] {strides = array<i32>} : memref<6x4x1600xf32, #tpu.memory_space<vmem>>, vector<16xf32>,
      tpu.vector_store %arg7[%swap3A_95, %swap3A_96, %swap3A_97], %gather3A_90 {strides = array<i32>} : memref<6x4x1600xf32, #tpu.memory_space<vmem>>, vector<16xf32>,
      %scan3A_99 = arith.constant 0 : i32
      scf.yield %scan3A_99 : i32
    }
    %scan3A_8 = arith.constant 100 : i32
    %scan3A_9 = arith.constant 0 : i32
    %scan3A_10 = arith.constant 0 : i32
    %scan3A_11 = arith.constant 100 : i32
    %scan3A_12 = arith.addi %scan3A_10, %scan3A_11 : i32
    %scan3A_13 = arith.constant 1 : i32
    %scan3A_14 = scf.for %scan3A_46 = %scan3A_10 to %scan3A_12 step %scan3A_13 iter_args(%scan3A_47 = %scan3A_9) -> (i32)  : i32 {
      %add3A_48 = arith.constant 100 : i32
      %add3A_49 = arith.addi %add3A_48, %scan3A_46 : i32
      %mul3A_50 = arith.constant 16 : i32
      %mul3A_51 = arith.muli %add3A_49, %mul3A_50 : i32
      %get3A = arith.index_cast %mul3A_51 : i32 to index
      %get3A_52 = tpu.vector_load %arg6[%get3A] {strides = array<i32>} : memref<9600xi32, #tpu.memory_space<vmem>>, vector<16xi32>,
      %add3A_53 = arith.constant 0 : i32
      %add3A_54 = vector.broadcast %add3A_53 : i32 to vector<16xi32>
      %add3A_55 = arith.addi %get3A_52, %add3A_54 : vector<16xi32>
      %gather3A = tpu.vector_load_idx %arg5[%add3A_55] : memref<49152xf32, #tpu.memory_space<vmem>>[vector<16xi32>], vector<16xf32>,
      %mul3A_56 = arith.constant 16 : i32
      %mul3A_57 = arith.muli %scan3A_46, %mul3A_56 : i32
      %swap3A = arith.constant 1 : i32
      %swap3A_58 = arith.constant 0 : i32
      %swap3A_59 = arith.index_cast %swap3A : i32 to index
      %swap3A_60 = arith.index_cast %swap3A_58 : i32 to index
      %swap3A_61 = arith.index_cast %mul3A_57 : i32 to index
      %swap3A_62 = tpu.vector_load %arg7[%swap3A_59, %swap3A_60, %swap3A_61] {strides = array<i32>} : memref<6x4x1600xf32, #tpu.memory_space<vmem>>, vector<16xf32>,
      tpu.vector_store %arg7[%swap3A_59, %swap3A_60, %swap3A_61], %gather3A {strides = array<i32>} : memref<6x4x1600xf32, #tpu.memory_space<vmem>>, vector<16xf32>,
      %add3A_63 = arith.constant 1 : i32
      %add3A_64 = vector.broadcast %add3A_63 : i32 to vector<16xi32>
      %add3A_65 = arith.addi %get3A_52, %add3A_64 : vector<16xi32>
      %gather3A_66 = tpu.vector_load_idx %arg5[%add3A_65] : memref<49152xf32, #tpu.memory_space<vmem>>[vector<16xi32>], vector<16xf32>,
      %mul3A_67 = arith.constant 16 : i32
      %mul3A_68 = arith.muli %scan3A_46, %mul3A_67 : i32
      %swap3A_69 = arith.constant 1 : i32
      %swap3A_70 = arith.constant 1 : i32
      %swap3A_71 = arith.index_cast %swap3A_69 : i32 to index
      %swap3A_72 = arith.index_cast %swap3A_70 : i32 to index
      %swap3A_73 = arith.index_cast %mul3A_68 : i32 to index
      %swap3A_74 = tpu.vector_load %arg7[%swap3A_71, %swap3A_72, %swap3A_73] {strides = array<i32>} : memref<6x4x1600xf32, #tpu.memory_space<vmem>>, vector<16xf32>,
      tpu.vector_store %arg7[%swap3A_71, %swap3A_72, %swap3A_73], %gather3A_66 {strides = array<i32>} : memref<6x4x1600xf32, #tpu.memory_space<vmem>>, vector<16xf32>,
      %add3A_75 = arith.constant 2 : i32
      %add3A_76 = vector.broadcast %add3A_75 : i32 to vector<16xi32>
      %add3A_77 = arith.addi %get3A_52, %add3A_76 : vector<16xi32>
      %gather3A_78 = tpu.vector_load_idx %arg5[%add3A_77] : memref<49152xf32, #tpu.memory_space<vmem>>[vector<16xi32>], vector<16xf32>,
      %mul3A_79 = arith.constant 16 : i32
      %mul3A_80 = arith.muli %scan3A_46, %mul3A_79 : i32
      %swap3A_81 = arith.constant 1 : i32
      %swap3A_82 = arith.constant 2 : i32
      %swap3A_83 = arith.index_cast %swap3A_81 : i32 to index
      %swap3A_84 = arith.index_cast %swap3A_82 : i32 to index
      %swap3A_85 = arith.index_cast %mul3A_80 : i32 to index
      %swap3A_86 = tpu.vector_load %arg7[%swap3A_83, %swap3A_84, %swap3A_85] {strides = array<i32>} : memref<6x4x1600xf32, #tpu.memory_space<vmem>>, vector<16xf32>,
      tpu.vector_store %arg7[%swap3A_83, %swap3A_84, %swap3A_85], %gather3A_78 {strides = array<i32>} : memref<6x4x1600xf32, #tpu.memory_space<vmem>>, vector<16xf32>,
      %add3A_87 = arith.constant 3 : i32
      %add3A_88 = vector.broadcast %add3A_87 : i32 to vector<16xi32>
      %add3A_89 = arith.addi %get3A_52, %add3A_88 : vector<16xi32>
      %gather3A_90 = tpu.vector_load_idx %arg5[%add3A_89] : memref<49152xf32, #tpu.memory_space<vmem>>[vector<16xi32>], vector<16xf32>,
      %mul3A_91 = arith.constant 16 : i32
      %mul3A_92 = arith.muli %scan3A_46, %mul3A_91 : i32
      %swap3A_93 = arith.constant 1 : i32
      %swap3A_94 = arith.constant 3 : i32
      %swap3A_95 = arith.index_cast %swap3A_93 : i32 to index
      %swap3A_96 = arith.index_cast %swap3A_94 : i32 to index
      %swap3A_97 = arith.index_cast %mul3A_92 : i32 to index
      %swap3A_98 = tpu.vector_load %arg7[%swap3A_95, %swap3A_96, %swap3A_97] {strides = array<i32>} : memref<6x4x1600xf32, #tpu.memory_space<vmem>>, vector<16xf32>,
      tpu.vector_store %arg7[%swap3A_95, %swap3A_96, %swap3A_97], %gather3A_90 {strides = array<i32>} : memref<6x4x1600xf32, #tpu.memory_space<vmem>>, vector<16xf32>,
      %scan3A_99 = arith.constant 0 : i32
      scf.yield %scan3A_99 : i32
    }
    %scan3A_15 = arith.constant 100 : i32
    %scan3A_16 = arith.constant 0 : i32
    %scan3A_17 = arith.constant 0 : i32
    %scan3A_18 = arith.constant 100 : i32
    %scan3A_19 = arith.addi %scan3A_17, %scan3A_18 : i32
    %scan3A_20 = arith.constant 1 : i32
    %scan3A_21 = scf.for %scan3A_46 = %scan3A_17 to %scan3A_19 step %scan3A_20 iter_args(%scan3A_47 = %scan3A_16) -> (i32)  : i32 {
      %add3A_48 = arith.constant 200 : i32
      %add3A_49 = arith.addi %add3A_48, %scan3A_46 : i32
      %mul3A_50 = arith.constant 16 : i32
      %mul3A_51 = arith.muli %add3A_49, %mul3A_50 : i32
      %get3A = arith.index_cast %mul3A_51 : i32 to index
      %get3A_52 = tpu.vector_load %arg6[%get3A] {strides = array<i32>} : memref<9600xi32, #tpu.memory_space<vmem>>, vector<16xi32>,
      %add3A_53 = arith.constant 0 : i32
      %add3A_54 = vector.broadcast %add3A_53 : i32 to vector<16xi32>
      %add3A_55 = arith.addi %get3A_52, %add3A_54 : vector<16xi32>
      %gather3A = tpu.vector_load_idx %arg5[%add3A_55] : memref<49152xf32, #tpu.memory_space<vmem>>[vector<16xi32>], vector<16xf32>,
      %mul3A_56 = arith.constant 16 : i32
      %mul3A_57 = arith.muli %scan3A_46, %mul3A_56 : i32
      %swap3A = arith.constant 2 : i32
      %swap3A_58 = arith.constant 0 : i32
      %swap3A_59 = arith.index_cast %swap3A : i32 to index
      %swap3A_60 = arith.index_cast %swap3A_58 : i32 to index
      %swap3A_61 = arith.index_cast %mul3A_57 : i32 to index
      %swap3A_62 = tpu.vector_load %arg7[%swap3A_59, %swap3A_60, %swap3A_61] {strides = array<i32>} : memref<6x4x1600xf32, #tpu.memory_space<vmem>>, vector<16xf32>,
      tpu.vector_store %arg7[%swap3A_59, %swap3A_60, %swap3A_61], %gather3A {strides = array<i32>} : memref<6x4x1600xf32, #tpu.memory_space<vmem>>, vector<16xf32>,
      %add3A_63 = arith.constant 1 : i32
      %add3A_64 = vector.broadcast %add3A_63 : i32 to vector<16xi32>
      %add3A_65 = arith.addi %get3A_52, %add3A_64 : vector<16xi32>
      %gather3A_66 = tpu.vector_load_idx %arg5[%add3A_65] : memref<49152xf32, #tpu.memory_space<vmem>>[vector<16xi32>], vector<16xf32>,
      %mul3A_67 = arith.constant 16 : i32
      %mul3A_68 = arith.muli %scan3A_46, %mul3A_67 : i32
      %swap3A_69 = arith.constant 2 : i32
      %swap3A_70 = arith.constant 1 : i32
      %swap3A_71 = arith.index_cast %swap3A_69 : i32 to index
      %swap3A_72 = arith.index_cast %swap3A_70 : i32 to index
      %swap3A_73 = arith.index_cast %mul3A_68 : i32 to index
      %swap3A_74 = tpu.vector_load %arg7[%swap3A_71, %swap3A_72, %swap3A_73] {strides = array<i32>} : memref<6x4x1600xf32, #tpu.memory_space<vmem>>, vector<16xf32>,
      tpu.vector_store %arg7[%swap3A_71, %swap3A_72, %swap3A_73], %gather3A_66 {strides = array<i32>} : memref<6x4x1600xf32, #tpu.memory_space<vmem>>, vector<16xf32>,
      %add3A_75 = arith.constant 2 : i32
      %add3A_76 = vector.broadcast %add3A_75 : i32 to vector<16xi32>
      %add3A_77 = arith.addi %get3A_52, %add3A_76 : vector<16xi32>
      %gather3A_78 = tpu.vector_load_idx %arg5[%add3A_77] : memref<49152xf32, #tpu.memory_space<vmem>>[vector<16xi32>], vector<16xf32>,
      %mul3A_79 = arith.constant 16 : i32
      %mul3A_80 = arith.muli %scan3A_46, %mul3A_79 : i32
      %swap3A_81 = arith.constant 2 : i32
      %swap3A_82 = arith.constant 2 : i32
      %swap3A_83 = arith.index_cast %swap3A_81 : i32 to index
      %swap3A_84 = arith.index_cast %swap3A_82 : i32 to index
      %swap3A_85 = arith.index_cast %mul3A_80 : i32 to index
      %swap3A_86 = tpu.vector_load %arg7[%swap3A_83, %swap3A_84, %swap3A_85] {strides = array<i32>} : memref<6x4x1600xf32, #tpu.memory_space<vmem>>, vector<16xf32>,
      tpu.vector_store %arg7[%swap3A_83, %swap3A_84, %swap3A_85], %gather3A_78 {strides = array<i32>} : memref<6x4x1600xf32, #tpu.memory_space<vmem>>, vector<16xf32>,
      %add3A_87 = arith.constant 3 : i32
      %add3A_88 = vector.broadcast %add3A_87 : i32 to vector<16xi32>
      %add3A_89 = arith.addi %get3A_52, %add3A_88 : vector<16xi32>
      %gather3A_90 = tpu.vector_load_idx %arg5[%add3A_89] : memref<49152xf32, #tpu.memory_space<vmem>>[vector<16xi32>], vector<16xf32>,
      %mul3A_91 = arith.constant 16 : i32
      %mul3A_92 = arith.muli %scan3A_46, %mul3A_91 : i32
      %swap3A_93 = arith.constant 2 : i32
      %swap3A_94 = arith.constant 3 : i32
      %swap3A_95 = arith.index_cast %swap3A_93 : i32 to index
      %swap3A_96 = arith.index_cast %swap3A_94 : i32 to index
      %swap3A_97 = arith.index_cast %mul3A_92 : i32 to index
      %swap3A_98 = tpu.vector_load %arg7[%swap3A_95, %swap3A_96, %swap3A_97] {strides = array<i32>} : memref<6x4x1600xf32, #tpu.memory_space<vmem>>, vector<16xf32>,
      tpu.vector_store %arg7[%swap3A_95, %swap3A_96, %swap3A_97], %gather3A_90 {strides = array<i32>} : memref<6x4x1600xf32, #tpu.memory_space<vmem>>, vector<16xf32>,
      %scan3A_99 = arith.constant 0 : i32
      scf.yield %scan3A_99 : i32
    }
    %scan3A_22 = arith.constant 100 : i32
    %scan3A_23 = arith.constant 0 : i32
    %scan3A_24 = arith.constant 0 : i32
    %scan3A_25 = arith.constant 100 : i32
    %scan3A_26 = arith.addi %scan3A_24, %scan3A_25 : i32
    %scan3A_27 = arith.constant 1 : i32
    %scan3A_28 = scf.for %scan3A_46 = %scan3A_24 to %scan3A_26 step %scan3A_27 iter_args(%scan3A_47 = %scan3A_23) -> (i32)  : i32 {
      %add3A_48 = arith.constant 300 : i32
      %add3A_49 = arith.addi %add3A_48, %scan3A_46 : i32
      %mul3A_50 = arith.constant 16 : i32
      %mul3A_51 = arith.muli %add3A_49, %mul3A_50 : i32
      %get3A = arith.index_cast %mul3A_51 : i32 to index
      %get3A_52 = tpu.vector_load %arg6[%get3A] {strides = array<i32>} : memref<9600xi32, #tpu.memory_space<vmem>>, vector<16xi32>,
      %add3A_53 = arith.constant 0 : i32
      %add3A_54 = vector.broadcast %add3A_53 : i32 to vector<16xi32>
      %add3A_55 = arith.addi %get3A_52, %add3A_54 : vector<16xi32>
      %gather3A = tpu.vector_load_idx %arg5[%add3A_55] : memref<49152xf32, #tpu.memory_space<vmem>>[vector<16xi32>], vector<16xf32>,
      %mul3A_56 = arith.constant 16 : i32
      %mul3A_57 = arith.muli %scan3A_46, %mul3A_56 : i32
      %swap3A = arith.constant 3 : i32
      %swap3A_58 = arith.constant 0 : i32
      %swap3A_59 = arith.index_cast %swap3A : i32 to index
      %swap3A_60 = arith.index_cast %swap3A_58 : i32 to index
      %swap3A_61 = arith.index_cast %mul3A_57 : i32 to index
      %swap3A_62 = tpu.vector_load %arg7[%swap3A_59, %swap3A_60, %swap3A_61] {strides = array<i32>} : memref<6x4x1600xf32, #tpu.memory_space<vmem>>, vector<16xf32>,
      tpu.vector_store %arg7[%swap3A_59, %swap3A_60, %swap3A_61], %gather3A {strides = array<i32>} : memref<6x4x1600xf32, #tpu.memory_space<vmem>>, vector<16xf32>,
      %add3A_63 = arith.constant 1 : i32
      %add3A_64 = vector.broadcast %add3A_63 : i32 to vector<16xi32>
      %add3A_65 = arith.addi %get3A_52, %add3A_64 : vector<16xi32>
      %gather3A_66 = tpu.vector_load_idx %arg5[%add3A_65] : memref<49152xf32, #tpu.memory_space<vmem>>[vector<16xi32>], vector<16xf32>,
      %mul3A_67 = arith.constant 16 : i32
      %mul3A_68 = arith.muli %scan3A_46, %mul3A_67 : i32
      %swap3A_69 = arith.constant 3 : i32
      %swap3A_70 = arith.constant 1 : i32
      %swap3A_71 = arith.index_cast %swap3A_69 : i32 to index
      %swap3A_72 = arith.index_cast %swap3A_70 : i32 to index
      %swap3A_73 = arith.index_cast %mul3A_68 : i32 to index
      %swap3A_74 = tpu.vector_load %arg7[%swap3A_71, %swap3A_72, %swap3A_73] {strides = array<i32>} : memref<6x4x1600xf32, #tpu.memory_space<vmem>>, vector<16xf32>,
      tpu.vector_store %arg7[%swap3A_71, %swap3A_72, %swap3A_73], %gather3A_66 {strides = array<i32>} : memref<6x4x1600xf32, #tpu.memory_space<vmem>>, vector<16xf32>,
      %add3A_75 = arith.constant 2 : i32
      %add3A_76 = vector.broadcast %add3A_75 : i32 to vector<16xi32>
      %add3A_77 = arith.addi %get3A_52, %add3A_76 : vector<16xi32>
      %gather3A_78 = tpu.vector_load_idx %arg5[%add3A_77] : memref<49152xf32, #tpu.memory_space<vmem>>[vector<16xi32>], vector<16xf32>,
      %mul3A_79 = arith.constant 16 : i32
      %mul3A_80 = arith.muli %scan3A_46, %mul3A_79 : i32
      %swap3A_81 = arith.constant 3 : i32
      %swap3A_82 = arith.constant 2 : i32
      %swap3A_83 = arith.index_cast %swap3A_81 : i32 to index
      %swap3A_84 = arith.index_cast %swap3A_82 : i32 to index
      %swap3A_85 = arith.index_cast %mul3A_80 : i32 to index
      %swap3A_86 = tpu.vector_load %arg7[%swap3A_83, %swap3A_84, %swap3A_85] {strides = array<i32>} : memref<6x4x1600xf32, #tpu.memory_space<vmem>>, vector<16xf32>,
      tpu.vector_store %arg7[%swap3A_83, %swap3A_84, %swap3A_85], %gather3A_78 {strides = array<i32>} : memref<6x4x1600xf32, #tpu.memory_space<vmem>>, vector<16xf32>,
      %add3A_87 = arith.constant 3 : i32
      %add3A_88 = vector.broadcast %add3A_87 : i32 to vector<16xi32>
      %add3A_89 = arith.addi %get3A_52, %add3A_88 : vector<16xi32>
      %gather3A_90 = tpu.vector_load_idx %arg5[%add3A_89] : memref<49152xf32, #tpu.memory_space<vmem>>[vector<16xi32>], vector<16xf32>,
      %mul3A_91 = arith.constant 16 : i32
      %mul3A_92 = arith.muli %scan3A_46, %mul3A_91 : i32
      %swap3A_93 = arith.constant 3 : i32
      %swap3A_94 = arith.constant 3 : i32
      %swap3A_95 = arith.index_cast %swap3A_93 : i32 to index
      %swap3A_96 = arith.index_cast %swap3A_94 : i32 to index
      %swap3A_97 = arith.index_cast %mul3A_92 : i32 to index
      %swap3A_98 = tpu.vector_load %arg7[%swap3A_95, %swap3A_96, %swap3A_97] {strides = array<i32>} : memref<6x4x1600xf32, #tpu.memory_space<vmem>>, vector<16xf32>,
      tpu.vector_store %arg7[%swap3A_95, %swap3A_96, %swap3A_97], %gather3A_90 {strides = array<i32>} : memref<6x4x1600xf32, #tpu.memory_space<vmem>>, vector<16xf32>,
      %scan3A_99 = arith.constant 0 : i32
      scf.yield %scan3A_99 : i32
    }
    %scan3A_29 = arith.constant 100 : i32
    %scan3A_30 = arith.constant 0 : i32
    %scan3A_31 = arith.constant 0 : i32
    %scan3A_32 = arith.constant 100 : i32
    %scan3A_33 = arith.addi %scan3A_31, %scan3A_32 : i32
    %scan3A_34 = arith.constant 1 : i32
    %scan3A_35 = scf.for %scan3A_46 = %scan3A_31 to %scan3A_33 step %scan3A_34 iter_args(%scan3A_47 = %scan3A_30) -> (i32)  : i32 {
      %add3A_48 = arith.constant 400 : i32
      %add3A_49 = arith.addi %add3A_48, %scan3A_46 : i32
      %mul3A_50 = arith.constant 16 : i32
      %mul3A_51 = arith.muli %add3A_49, %mul3A_50 : i32
      %get3A = arith.index_cast %mul3A_51 : i32 to index
      %get3A_52 = tpu.vector_load %arg6[%get3A] {strides = array<i32>} : memref<9600xi32, #tpu.memory_space<vmem>>, vector<16xi32>,
      %add3A_53 = arith.constant 0 : i32
      %add3A_54 = vector.broadcast %add3A_53 : i32 to vector<16xi32>
      %add3A_55 = arith.addi %get3A_52, %add3A_54 : vector<16xi32>
      %gather3A = tpu.vector_load_idx %arg5[%add3A_55] : memref<49152xf32, #tpu.memory_space<vmem>>[vector<16xi32>], vector<16xf32>,
      %mul3A_56 = arith.constant 16 : i32
      %mul3A_57 = arith.muli %scan3A_46, %mul3A_56 : i32
      %swap3A = arith.constant 4 : i32
      %swap3A_58 = arith.constant 0 : i32
      %swap3A_59 = arith.index_cast %swap3A : i32 to index
      %swap3A_60 = arith.index_cast %swap3A_58 : i32 to index
      %swap3A_61 = arith.index_cast %mul3A_57 : i32 to index
      %swap3A_62 = tpu.vector_load %arg7[%swap3A_59, %swap3A_60, %swap3A_61] {strides = array<i32>} : memref<6x4x1600xf32, #tpu.memory_space<vmem>>, vector<16xf32>,
      tpu.vector_store %arg7[%swap3A_59, %swap3A_60, %swap3A_61], %gather3A {strides = array<i32>} : memref<6x4x1600xf32, #tpu.memory_space<vmem>>, vector<16xf32>,
      %add3A_63 = arith.constant 1 : i32
      %add3A_64 = vector.broadcast %add3A_63 : i32 to vector<16xi32>
      %add3A_65 = arith.addi %get3A_52, %add3A_64 : vector<16xi32>
      %gather3A_66 = tpu.vector_load_idx %arg5[%add3A_65] : memref<49152xf32, #tpu.memory_space<vmem>>[vector<16xi32>], vector<16xf32>,
      %mul3A_67 = arith.constant 16 : i32
      %mul3A_68 = arith.muli %scan3A_46, %mul3A_67 : i32
      %swap3A_69 = arith.constant 4 : i32
      %swap3A_70 = arith.constant 1 : i32
      %swap3A_71 = arith.index_cast %swap3A_69 : i32 to index
      %swap3A_72 = arith.index_cast %swap3A_70 : i32 to index
      %swap3A_73 = arith.index_cast %mul3A_68 : i32 to index
      %swap3A_74 = tpu.vector_load %arg7[%swap3A_71, %swap3A_72, %swap3A_73] {strides = array<i32>} : memref<6x4x1600xf32, #tpu.memory_space<vmem>>, vector<16xf32>,
      tpu.vector_store %arg7[%swap3A_71, %swap3A_72, %swap3A_73], %gather3A_66 {strides = array<i32>} : memref<6x4x1600xf32, #tpu.memory_space<vmem>>, vector<16xf32>,
      %add3A_75 = arith.constant 2 : i32
      %add3A_76 = vector.broadcast %add3A_75 : i32 to vector<16xi32>
      %add3A_77 = arith.addi %get3A_52, %add3A_76 : vector<16xi32>
      %gather3A_78 = tpu.vector_load_idx %arg5[%add3A_77] : memref<49152xf32, #tpu.memory_space<vmem>>[vector<16xi32>], vector<16xf32>,
      %mul3A_79 = arith.constant 16 : i32
      %mul3A_80 = arith.muli %scan3A_46, %mul3A_79 : i32
      %swap3A_81 = arith.constant 4 : i32
      %swap3A_82 = arith.constant 2 : i32
      %swap3A_83 = arith.index_cast %swap3A_81 : i32 to index
      %swap3A_84 = arith.index_cast %swap3A_82 : i32 to index
      %swap3A_85 = arith.index_cast %mul3A_80 : i32 to index
      %swap3A_86 = tpu.vector_load %arg7[%swap3A_83, %swap3A_84, %swap3A_85] {strides = array<i32>} : memref<6x4x1600xf32, #tpu.memory_space<vmem>>, vector<16xf32>,
      tpu.vector_store %arg7[%swap3A_83, %swap3A_84, %swap3A_85], %gather3A_78 {strides = array<i32>} : memref<6x4x1600xf32, #tpu.memory_space<vmem>>, vector<16xf32>,
      %add3A_87 = arith.constant 3 : i32
      %add3A_88 = vector.broadcast %add3A_87 : i32 to vector<16xi32>
      %add3A_89 = arith.addi %get3A_52, %add3A_88 : vector<16xi32>
      %gather3A_90 = tpu.vector_load_idx %arg5[%add3A_89] : memref<49152xf32, #tpu.memory_space<vmem>>[vector<16xi32>], vector<16xf32>,
      %mul3A_91 = arith.constant 16 : i32
      %mul3A_92 = arith.muli %scan3A_46, %mul3A_91 : i32
      %swap3A_93 = arith.constant 4 : i32
      %swap3A_94 = arith.constant 3 : i32
      %swap3A_95 = arith.index_cast %swap3A_93 : i32 to index
      %swap3A_96 = arith.index_cast %swap3A_94 : i32 to index
      %swap3A_97 = arith.index_cast %mul3A_92 : i32 to index
      %swap3A_98 = tpu.vector_load %arg7[%swap3A_95, %swap3A_96, %swap3A_97] {strides = array<i32>} : memref<6x4x1600xf32, #tpu.memory_space<vmem>>, vector<16xf32>,
      tpu.vector_store %arg7[%swap3A_95, %swap3A_96, %swap3A_97], %gather3A_90 {strides = array<i32>} : memref<6x4x1600xf32, #tpu.memory_space<vmem>>, vector<16xf32>,
      %scan3A_99 = arith.constant 0 : i32
      scf.yield %scan3A_99 : i32
    }
    %scan3A_36 = arith.constant 100 : i32
    %scan3A_37 = arith.constant 0 : i32
    %scan3A_38 = arith.constant 0 : i32
    %scan3A_39 = arith.constant 100 : i32
    %scan3A_40 = arith.addi %scan3A_38, %scan3A_39 : i32
    %scan3A_41 = arith.constant 1 : i32
    %scan3A_42 = scf.for %scan3A_46 = %scan3A_38 to %scan3A_40 step %scan3A_41 iter_args(%scan3A_47 = %scan3A_37) -> (i32)  : i32 {
      %add3A_48 = arith.constant 500 : i32
      %add3A_49 = arith.addi %add3A_48, %scan3A_46 : i32
      %mul3A_50 = arith.constant 16 : i32
      %mul3A_51 = arith.muli %add3A_49, %mul3A_50 : i32
      %get3A = arith.index_cast %mul3A_51 : i32 to index
      %get3A_52 = tpu.vector_load %arg6[%get3A] {strides = array<i32>} : memref<9600xi32, #tpu.memory_space<vmem>>, vector<16xi32>,
      %add3A_53 = arith.constant 0 : i32
      %add3A_54 = vector.broadcast %add3A_53 : i32 to vector<16xi32>
      %add3A_55 = arith.addi %get3A_52, %add3A_54 : vector<16xi32>
      %gather3A = tpu.vector_load_idx %arg5[%add3A_55] : memref<49152xf32, #tpu.memory_space<vmem>>[vector<16xi32>], vector<16xf32>,
      %mul3A_56 = arith.constant 16 : i32
      %mul3A_57 = arith.muli %scan3A_46, %mul3A_56 : i32
      %swap3A = arith.constant 5 : i32
      %swap3A_58 = arith.constant 0 : i32
      %swap3A_59 = arith.index_cast %swap3A : i32 to index
      %swap3A_60 = arith.index_cast %swap3A_58 : i32 to index
      %swap3A_61 = arith.index_cast %mul3A_57 : i32 to index
      %swap3A_62 = tpu.vector_load %arg7[%swap3A_59, %swap3A_60, %swap3A_61] {strides = array<i32>} : memref<6x4x1600xf32, #tpu.memory_space<vmem>>, vector<16xf32>,
      tpu.vector_store %arg7[%swap3A_59, %swap3A_60, %swap3A_61], %gather3A {strides = array<i32>} : memref<6x4x1600xf32, #tpu.memory_space<vmem>>, vector<16xf32>,
      %add3A_63 = arith.constant 1 : i32
      %add3A_64 = vector.broadcast %add3A_63 : i32 to vector<16xi32>
      %add3A_65 = arith.addi %get3A_52, %add3A_64 : vector<16xi32>
      %gather3A_66 = tpu.vector_load_idx %arg5[%add3A_65] : memref<49152xf32, #tpu.memory_space<vmem>>[vector<16xi32>], vector<16xf32>,
      %mul3A_67 = arith.constant 16 : i32
      %mul3A_68 = arith.muli %scan3A_46, %mul3A_67 : i32
      %swap3A_69 = arith.constant 5 : i32
      %swap3A_70 = arith.constant 1 : i32
      %swap3A_71 = arith.index_cast %swap3A_69 : i32 to index
      %swap3A_72 = arith.index_cast %swap3A_70 : i32 to index
      %swap3A_73 = arith.index_cast %mul3A_68 : i32 to index
      %swap3A_74 = tpu.vector_load %arg7[%swap3A_71, %swap3A_72, %swap3A_73] {strides = array<i32>} : memref<6x4x1600xf32, #tpu.memory_space<vmem>>, vector<16xf32>,
      tpu.vector_store %arg7[%swap3A_71, %swap3A_72, %swap3A_73], %gather3A_66 {strides = array<i32>} : memref<6x4x1600xf32, #tpu.memory_space<vmem>>, vector<16xf32>,
      %add3A_75 = arith.constant 2 : i32
      %add3A_76 = vector.broadcast %add3A_75 : i32 to vector<16xi32>
      %add3A_77 = arith.addi %get3A_52, %add3A_76 : vector<16xi32>
      %gather3A_78 = tpu.vector_load_idx %arg5[%add3A_77] : memref<49152xf32, #tpu.memory_space<vmem>>[vector<16xi32>], vector<16xf32>,
      %mul3A_79 = arith.constant 16 : i32
      %mul3A_80 = arith.muli %scan3A_46, %mul3A_79 : i32
      %swap3A_81 = arith.constant 5 : i32
      %swap3A_82 = arith.constant 2 : i32
      %swap3A_83 = arith.index_cast %swap3A_81 : i32 to index
      %swap3A_84 = arith.index_cast %swap3A_82 : i32 to index
      %swap3A_85 = arith.index_cast %mul3A_80 : i32 to index
      %swap3A_86 = tpu.vector_load %arg7[%swap3A_83, %swap3A_84, %swap3A_85] {strides = array<i32>} : memref<6x4x1600xf32, #tpu.memory_space<vmem>>, vector<16xf32>,
      tpu.vector_store %arg7[%swap3A_83, %swap3A_84, %swap3A_85], %gather3A_78 {strides = array<i32>} : memref<6x4x1600xf32, #tpu.memory_space<vmem>>, vector<16xf32>,
      %add3A_87 = arith.constant 3 : i32
      %add3A_88 = vector.broadcast %add3A_87 : i32 to vector<16xi32>
      %add3A_89 = arith.addi %get3A_52, %add3A_88 : vector<16xi32>
      %gather3A_90 = tpu.vector_load_idx %arg5[%add3A_89] : memref<49152xf32, #tpu.memory_space<vmem>>[vector<16xi32>], vector<16xf32>,
      %mul3A_91 = arith.constant 16 : i32
      %mul3A_92 = arith.muli %scan3A_46, %mul3A_91 : i32
      %swap3A_93 = arith.constant 5 : i32
      %swap3A_94 = arith.constant 3 : i32
      %swap3A_95 = arith.index_cast %swap3A_93 : i32 to index
      %swap3A_96 = arith.index_cast %swap3A_94 : i32 to index
      %swap3A_97 = arith.index_cast %mul3A_92 : i32 to index
      %swap3A_98 = tpu.vector_load %arg7[%swap3A_95, %swap3A_96, %swap3A_97] {strides = array<i32>} : memref<6x4x1600xf32, #tpu.memory_space<vmem>>, vector<16xf32>,
      tpu.vector_store %arg7[%swap3A_95, %swap3A_96, %swap3A_97], %gather3A_90 {strides = array<i32>} : memref<6x4x1600xf32, #tpu.memory_space<vmem>>, vector<16xf32>,
      %scan3A_99 = arith.constant 0 : i32
      scf.yield %scan3A_99 : i32
    }
    %scan3A_43 = arith.constant 100 : i32
    %mul3A_44 = arith.constant 6 : i32
    %mul3A_45 = arith.muli %add3A, %mul3A_44 : i32
    "tpu.region"() ({
      %run_scoped3A = tpu.sem_alloc : memref<!tpu.dma_semaphore, #tpu.memory_space<semaphore_mem>>
      %dma_start3A = arith.constant 0 : i32
      %dma_start3A_46 = arith.constant 0 : i32
      %dma_start3A_47 = tpu.memref_slice %arg4[%mul3A_45, %dma_start3A, %dma_start3A_46] : memref<192x4x1600xf32, #tpu.memory_space<hbm>> -> memref<6x4x1600xf32, #tpu.memory_space<hbm>>
      %dma_start3A_48 = arith.constant 0 : i32
      %dma_start3A_49 = arith.constant 0 : i32
      %dma_start3A_50 = tpu.memref_slice %arg4[%mul3A_45, %dma_start3A_48, %dma_start3A_49] : memref<192x4x1600xf32, #tpu.memory_space<hbm>> -> memref<6x4x1600xf32, #tpu.memory_space<hbm>>
      tpu.enqueue_dma source(%arg7 : memref<6x4x1600xf32, #tpu.memory_space<vmem>>) target(%dma_start3A_50 : memref<6x4x1600xf32, #tpu.memory_space<hbm>>) target_semaphore(%run_scoped3A : memref<!tpu.dma_semaphore, #tpu.memory_space<semaphore_mem>>)
      %dma_wait3A = arith.constant 0 : i32
      %dma_wait3A_51 = arith.constant 0 : i32
      %dma_wait3A_52 = tpu.memref_slice %arg4[%mul3A_45, %dma_wait3A, %dma_wait3A_51] : memref<192x4x1600xf32, #tpu.memory_space<hbm>> -> memref<6x4x1600xf32, #tpu.memory_space<hbm>>
      %dma_wait3A_53 = arith.constant 0 : i32
      %dma_wait3A_54 = arith.constant 0 : i32
      %dma_wait3A_55 = tpu.memref_slice %arg4[%mul3A_45, %dma_wait3A_53, %dma_wait3A_54] : memref<192x4x1600xf32, #tpu.memory_space<hbm>> -> memref<6x4x1600xf32, #tpu.memory_space<hbm>>
      tpu.wait_dma2 semaphore(%run_scoped3A : memref<!tpu.dma_semaphore, #tpu.memory_space<semaphore_mem>>) src(%arg7 : memref<6x4x1600xf32, #tpu.memory_space<vmem>>) dst(%dma_wait3A_55 : memref<6x4x1600xf32, #tpu.memory_space<hbm>>)
      tpu.yield
    }) : () -> ()
    return
  }
}

#map = affine_map<(d0, d1) -> (0, 0)>
#map1 = affine_map<(d0, d1) -> (0)>
module attributes {stable_mosaic.version = 14 : i64} {
  func.func @body(%arg0: i32, %arg1: i32, %arg2: memref<24576x128xf32, #tpu.memory_space<hbm>>, %arg3: memref<153600xi32, #tpu.memory_space<hbm>>, %arg4: memref<153600x128xf32, #tpu.memory_space<hbm>>, %arg5: memref<4800xi32, #tpu.memory_space<vmem>>, %arg6: memref<120x128xf32, #tpu.memory_space<vmem>>, %arg7: memref<120x128xf32, #tpu.memory_space<vmem>>, %arg8: memref<120x128xf32, #tpu.memory_space<vmem>>, %arg9: memref<120x128xf32, #tpu.memory_space<vmem>>, %arg10: memref<!tpu.dma_semaphore, #tpu.memory_space<semaphore_mem>>, %arg11: memref<!tpu.dma_semaphore, #tpu.memory_space<semaphore_mem>>, %arg12: memref<!tpu.dma_semaphore, #tpu.memory_space<semaphore_mem>>, %arg13: memref<!tpu.dma_semaphore, #tpu.memory_space<semaphore_mem>>, %arg14: memref<!tpu.dma_semaphore, #tpu.memory_space<semaphore_mem>>, %arg15: memref<!tpu.dma_semaphore, #tpu.memory_space<semaphore_mem>>, %arg16: memref<!tpu.dma_semaphore, #tpu.memory_space<semaphore_mem>>, %arg17: memref<!tpu.dma_semaphore, #tpu.memory_space<semaphore_mem>>) attributes {dimension_semantics = [#tpu.dimension_semantics<core_parallel>, #tpu.dimension_semantics<subcore_parallel>], iteration_bounds = array<i64: 2, 16>, scalar_prefetch = 0 : i64, scratch_operands = 13 : i64, tpu.core_type = #tpu.core_type<sc_vector_subcore>, window_params = [{transform_indices = #map}, {transform_indices = #map1}, {transform_indices = #map}]} {
    %mul3A = arith.constant 2 : i32
    %mul3A_0 = arith.muli %arg1, %mul3A : i32
    %add3A = arith.addi %mul3A_0, %arg0 : i32
    %mul3A_1 = arith.constant 4800 : i32
    %mul3A_2 = arith.muli %add3A, %mul3A_1 : i32
    "tpu.region"() ({
      %run_scoped3A = tpu.sem_alloc : memref<!tpu.dma_semaphore, #tpu.memory_space<semaphore_mem>>
      %dma_start3A_51 = tpu.memref_slice %arg3[%mul3A_2] : memref<153600xi32, #tpu.memory_space<hbm>> -> memref<4800xi32, #tpu.memory_space<hbm>>
      %dma_start3A_52 = tpu.memref_slice %arg3[%mul3A_2] : memref<153600xi32, #tpu.memory_space<hbm>> -> memref<4800xi32, #tpu.memory_space<hbm>>
      tpu.enqueue_dma source(%dma_start3A_52 : memref<4800xi32, #tpu.memory_space<hbm>>) target(%arg5 : memref<4800xi32, #tpu.memory_space<vmem>>) target_semaphore(%run_scoped3A : memref<!tpu.dma_semaphore, #tpu.memory_space<semaphore_mem>>)
      %dma_wait3A_53 = tpu.memref_slice %arg3[%mul3A_2] : memref<153600xi32, #tpu.memory_space<hbm>> -> memref<4800xi32, #tpu.memory_space<hbm>>
      %dma_wait3A_54 = tpu.memref_slice %arg3[%mul3A_2] : memref<153600xi32, #tpu.memory_space<hbm>> -> memref<4800xi32, #tpu.memory_space<hbm>>
      tpu.wait_dma2 semaphore(%run_scoped3A : memref<!tpu.dma_semaphore, #tpu.memory_space<semaphore_mem>>) src(%dma_wait3A_54 : memref<4800xi32, #tpu.memory_space<hbm>>) dst(%arg5 : memref<4800xi32, #tpu.memory_space<vmem>>)
      tpu.yield
    }) : () -> ()
    %dma_start3A = arith.constant 0 : i32
    %dma_start3A_3 = tpu.memref_slice %arg5[%dma_start3A] : memref<4800xi32, #tpu.memory_space<vmem>> -> memref<120xi32, #tpu.memory_space<vmem>>
    %dma_start3A_4 = arith.constant 0 : i32
    %dma_start3A_5 = arith.constant 0 : i32
    %dma_start3A_6 = tpu.memref_slice %arg2[%dma_start3A_4, %dma_start3A_5] : memref<24576x128xf32, #tpu.memory_space<hbm>> -> memref<24576x128xf32, #tpu.memory_space<hbm>>
    tpu.enqueue_indirect_dma source(%dma_start3A_6 : memref<24576x128xf32, #tpu.memory_space<hbm>>) target(%arg6 : memref<120x128xf32, #tpu.memory_space<vmem>>) offsets(%dma_start3A_3 : memref<120xi32, #tpu.memory_space<vmem>>) semaphore(%arg10 : memref<!tpu.dma_semaphore, #tpu.memory_space<semaphore_mem>>)
    %dma_start3A_7 = arith.constant 120 : i32
    %dma_start3A_8 = tpu.memref_slice %arg5[%dma_start3A_7] : memref<4800xi32, #tpu.memory_space<vmem>> -> memref<120xi32, #tpu.memory_space<vmem>>
    %dma_start3A_9 = arith.constant 0 : i32
    %dma_start3A_10 = arith.constant 0 : i32
    %dma_start3A_11 = tpu.memref_slice %arg2[%dma_start3A_9, %dma_start3A_10] : memref<24576x128xf32, #tpu.memory_space<hbm>> -> memref<24576x128xf32, #tpu.memory_space<hbm>>
    tpu.enqueue_indirect_dma source(%dma_start3A_11 : memref<24576x128xf32, #tpu.memory_space<hbm>>) target(%arg7 : memref<120x128xf32, #tpu.memory_space<vmem>>) offsets(%dma_start3A_8 : memref<120xi32, #tpu.memory_space<vmem>>) semaphore(%arg11 : memref<!tpu.dma_semaphore, #tpu.memory_space<semaphore_mem>>)
    %dma_start3A_12 = arith.constant 240 : i32
    %dma_start3A_13 = tpu.memref_slice %arg5[%dma_start3A_12] : memref<4800xi32, #tpu.memory_space<vmem>> -> memref<120xi32, #tpu.memory_space<vmem>>
    %dma_start3A_14 = arith.constant 0 : i32
    %dma_start3A_15 = arith.constant 0 : i32
    %dma_start3A_16 = tpu.memref_slice %arg2[%dma_start3A_14, %dma_start3A_15] : memref<24576x128xf32, #tpu.memory_space<hbm>> -> memref<24576x128xf32, #tpu.memory_space<hbm>>
    tpu.enqueue_indirect_dma source(%dma_start3A_16 : memref<24576x128xf32, #tpu.memory_space<hbm>>) target(%arg8 : memref<120x128xf32, #tpu.memory_space<vmem>>) offsets(%dma_start3A_13 : memref<120xi32, #tpu.memory_space<vmem>>) semaphore(%arg12 : memref<!tpu.dma_semaphore, #tpu.memory_space<semaphore_mem>>)
    %dma_start3A_17 = arith.constant 360 : i32
    %dma_start3A_18 = tpu.memref_slice %arg5[%dma_start3A_17] : memref<4800xi32, #tpu.memory_space<vmem>> -> memref<120xi32, #tpu.memory_space<vmem>>
    %dma_start3A_19 = arith.constant 0 : i32
    %dma_start3A_20 = arith.constant 0 : i32
    %dma_start3A_21 = tpu.memref_slice %arg2[%dma_start3A_19, %dma_start3A_20] : memref<24576x128xf32, #tpu.memory_space<hbm>> -> memref<24576x128xf32, #tpu.memory_space<hbm>>
    tpu.enqueue_indirect_dma source(%dma_start3A_21 : memref<24576x128xf32, #tpu.memory_space<hbm>>) target(%arg9 : memref<120x128xf32, #tpu.memory_space<vmem>>) offsets(%dma_start3A_18 : memref<120xi32, #tpu.memory_space<vmem>>) semaphore(%arg13 : memref<!tpu.dma_semaphore, #tpu.memory_space<semaphore_mem>>)
    %scan3A = arith.constant 0 : i32
    %scan3A_22 = arith.constant 0 : i32
    %scan3A_23 = arith.constant 10 : i32
    %scan3A_24 = arith.addi %scan3A_22, %scan3A_23 : i32
    %scan3A_25 = arith.constant 1 : i32
    %scan3A_26 = scf.for %scan3A_51 = %scan3A_22 to %scan3A_24 step %scan3A_25 iter_args(%scan3A_52 = %scan3A) -> (i32)  : i32 {
      %mul3A_53 = arith.constant 4 : i32
      %mul3A_54 = arith.muli %scan3A_51, %mul3A_53 : i32
      %add3A_55 = arith.constant 0 : i32
      %add3A_56 = arith.addi %mul3A_54, %add3A_55 : i32
      %mul3A_57 = arith.constant 120 : i32
      %mul3A_58 = arith.muli %add3A_56, %mul3A_57 : i32
      %dma_wait3A_59 = tpu.memref_slice %arg5[%mul3A_58] : memref<4800xi32, #tpu.memory_space<vmem>> -> memref<120xi32, #tpu.memory_space<vmem>>
      %dma_wait3A_60 = arith.constant 0 : i32
      %dma_wait3A_61 = arith.constant 0 : i32
      %dma_wait3A_62 = tpu.memref_slice %arg2[%dma_wait3A_60, %dma_wait3A_61] : memref<24576x128xf32, #tpu.memory_space<hbm>> -> memref<24576x128xf32, #tpu.memory_space<hbm>>
      tpu.wait_indirect_dma semaphore(%arg10 : memref<!tpu.dma_semaphore, #tpu.memory_space<semaphore_mem>>) src(%dma_wait3A_62 : memref<24576x128xf32, #tpu.memory_space<hbm>>) dst(%arg6 : memref<120x128xf32, #tpu.memory_space<vmem>>)
      %mul3A_63 = arith.constant 120 : i32
      %mul3A_64 = arith.muli %add3A_56, %mul3A_63 : i32
      %add3A_65 = arith.addi %mul3A_2, %mul3A_64 : i32
      %dma_start3A_66 = arith.constant 0 : i32
      %dma_start3A_67 = tpu.memref_slice %arg4[%add3A_65, %dma_start3A_66] : memref<153600x128xf32, #tpu.memory_space<hbm>> -> memref<120x128xf32, #tpu.memory_space<hbm>>
      %dma_start3A_68 = arith.constant 0 : i32
      %dma_start3A_69 = tpu.memref_slice %arg4[%add3A_65, %dma_start3A_68] : memref<153600x128xf32, #tpu.memory_space<hbm>> -> memref<120x128xf32, #tpu.memory_space<hbm>>
      tpu.enqueue_dma source(%arg6 : memref<120x128xf32, #tpu.memory_space<vmem>>) target(%dma_start3A_69 : memref<120x128xf32, #tpu.memory_space<hbm>>) target_semaphore(%arg14 : memref<!tpu.dma_semaphore, #tpu.memory_space<semaphore_mem>>)
      %add3A_70 = arith.constant 4 : i32
      %add3A_71 = arith.addi %add3A_56, %add3A_70 : i32
      %lt3A = arith.constant 40 : i32
      %lt3A_72 = arith.cmpi slt, %add3A_71, %lt3A : i32
      %convert_element_type3A = arith.extui %lt3A_72 : i1 to i32
      %cond3A = arith.constant 0 : i32
      %cond3A_73 = arith.cmpi ne, %convert_element_type3A, %cond3A : i32
      scf.if %cond3A_73 {
        %mul3A_147 = arith.constant 120 : i32
        %mul3A_148 = arith.muli %add3A_56, %mul3A_147 : i32
        %add3A_149 = arith.addi %mul3A_2, %mul3A_148 : i32
        %dma_wait3A_150 = arith.constant 0 : i32
        %dma_wait3A_151 = tpu.memref_slice %arg4[%add3A_149, %dma_wait3A_150] : memref<153600x128xf32, #tpu.memory_space<hbm>> -> memref<120x128xf32, #tpu.memory_space<hbm>>
        %dma_wait3A_152 = arith.constant 0 : i32
        %dma_wait3A_153 = tpu.memref_slice %arg4[%add3A_149, %dma_wait3A_152] : memref<153600x128xf32, #tpu.memory_space<hbm>> -> memref<120x128xf32, #tpu.memory_space<hbm>>
        tpu.wait_dma2 semaphore(%arg14 : memref<!tpu.dma_semaphore, #tpu.memory_space<semaphore_mem>>) src(%arg6 : memref<120x128xf32, #tpu.memory_space<vmem>>) dst(%dma_wait3A_153 : memref<120x128xf32, #tpu.memory_space<hbm>>)
        %mul3A_154 = arith.constant 120 : i32
        %mul3A_155 = arith.muli %add3A_71, %mul3A_154 : i32
        %dma_start3A_156 = tpu.memref_slice %arg5[%mul3A_155] : memref<4800xi32, #tpu.memory_space<vmem>> -> memref<120xi32, #tpu.memory_space<vmem>>
        %dma_start3A_157 = arith.constant 0 : i32
        %dma_start3A_158 = arith.constant 0 : i32
        %dma_start3A_159 = tpu.memref_slice %arg2[%dma_start3A_157, %dma_start3A_158] : memref<24576x128xf32, #tpu.memory_space<hbm>> -> memref<24576x128xf32, #tpu.memory_space<hbm>>
        tpu.enqueue_indirect_dma source(%dma_start3A_159 : memref<24576x128xf32, #tpu.memory_space<hbm>>) target(%arg6 : memref<120x128xf32, #tpu.memory_space<vmem>>) offsets(%dma_start3A_156 : memref<120xi32, #tpu.memory_space<vmem>>) semaphore(%arg10 : memref<!tpu.dma_semaphore, #tpu.memory_space<semaphore_mem>>)
      } else {
      }
      %mul3A_74 = arith.constant 4 : i32
      %mul3A_75 = arith.muli %scan3A_51, %mul3A_74 : i32
      %add3A_76 = arith.constant 1 : i32
      %add3A_77 = arith.addi %mul3A_75, %add3A_76 : i32
      %mul3A_78 = arith.constant 120 : i32
      %mul3A_79 = arith.muli %add3A_77, %mul3A_78 : i32
      %dma_wait3A_80 = tpu.memref_slice %arg5[%mul3A_79] : memref<4800xi32, #tpu.memory_space<vmem>> -> memref<120xi32, #tpu.memory_space<vmem>>
      %dma_wait3A_81 = arith.constant 0 : i32
      %dma_wait3A_82 = arith.constant 0 : i32
      %dma_wait3A_83 = tpu.memref_slice %arg2[%dma_wait3A_81, %dma_wait3A_82] : memref<24576x128xf32, #tpu.memory_space<hbm>> -> memref<24576x128xf32, #tpu.memory_space<hbm>>
      tpu.wait_indirect_dma semaphore(%arg11 : memref<!tpu.dma_semaphore, #tpu.memory_space<semaphore_mem>>) src(%dma_wait3A_83 : memref<24576x128xf32, #tpu.memory_space<hbm>>) dst(%arg7 : memref<120x128xf32, #tpu.memory_space<vmem>>)
      %mul3A_84 = arith.constant 120 : i32
      %mul3A_85 = arith.muli %add3A_77, %mul3A_84 : i32
      %add3A_86 = arith.addi %mul3A_2, %mul3A_85 : i32
      %dma_start3A_87 = arith.constant 0 : i32
      %dma_start3A_88 = tpu.memref_slice %arg4[%add3A_86, %dma_start3A_87] : memref<153600x128xf32, #tpu.memory_space<hbm>> -> memref<120x128xf32, #tpu.memory_space<hbm>>
      %dma_start3A_89 = arith.constant 0 : i32
      %dma_start3A_90 = tpu.memref_slice %arg4[%add3A_86, %dma_start3A_89] : memref<153600x128xf32, #tpu.memory_space<hbm>> -> memref<120x128xf32, #tpu.memory_space<hbm>>
      tpu.enqueue_dma source(%arg7 : memref<120x128xf32, #tpu.memory_space<vmem>>) target(%dma_start3A_90 : memref<120x128xf32, #tpu.memory_space<hbm>>) target_semaphore(%arg15 : memref<!tpu.dma_semaphore, #tpu.memory_space<semaphore_mem>>)
      %add3A_91 = arith.constant 4 : i32
      %add3A_92 = arith.addi %add3A_77, %add3A_91 : i32
      %lt3A_93 = arith.constant 40 : i32
      %lt3A_94 = arith.cmpi slt, %add3A_92, %lt3A_93 : i32
      %convert_element_type3A_95 = arith.extui %lt3A_94 : i1 to i32
      %cond3A_96 = arith.constant 0 : i32
      %cond3A_97 = arith.cmpi ne, %convert_element_type3A_95, %cond3A_96 : i32
      scf.if %cond3A_97 {
        %mul3A_147 = arith.constant 120 : i32
        %mul3A_148 = arith.muli %add3A_77, %mul3A_147 : i32
        %add3A_149 = arith.addi %mul3A_2, %mul3A_148 : i32
        %dma_wait3A_150 = arith.constant 0 : i32
        %dma_wait3A_151 = tpu.memref_slice %arg4[%add3A_149, %dma_wait3A_150] : memref<153600x128xf32, #tpu.memory_space<hbm>> -> memref<120x128xf32, #tpu.memory_space<hbm>>
        %dma_wait3A_152 = arith.constant 0 : i32
        %dma_wait3A_153 = tpu.memref_slice %arg4[%add3A_149, %dma_wait3A_152] : memref<153600x128xf32, #tpu.memory_space<hbm>> -> memref<120x128xf32, #tpu.memory_space<hbm>>
        tpu.wait_dma2 semaphore(%arg15 : memref<!tpu.dma_semaphore, #tpu.memory_space<semaphore_mem>>) src(%arg7 : memref<120x128xf32, #tpu.memory_space<vmem>>) dst(%dma_wait3A_153 : memref<120x128xf32, #tpu.memory_space<hbm>>)
        %mul3A_154 = arith.constant 120 : i32
        %mul3A_155 = arith.muli %add3A_92, %mul3A_154 : i32
        %dma_start3A_156 = tpu.memref_slice %arg5[%mul3A_155] : memref<4800xi32, #tpu.memory_space<vmem>> -> memref<120xi32, #tpu.memory_space<vmem>>
        %dma_start3A_157 = arith.constant 0 : i32
        %dma_start3A_158 = arith.constant 0 : i32
        %dma_start3A_159 = tpu.memref_slice %arg2[%dma_start3A_157, %dma_start3A_158] : memref<24576x128xf32, #tpu.memory_space<hbm>> -> memref<24576x128xf32, #tpu.memory_space<hbm>>
        tpu.enqueue_indirect_dma source(%dma_start3A_159 : memref<24576x128xf32, #tpu.memory_space<hbm>>) target(%arg7 : memref<120x128xf32, #tpu.memory_space<vmem>>) offsets(%dma_start3A_156 : memref<120xi32, #tpu.memory_space<vmem>>) semaphore(%arg11 : memref<!tpu.dma_semaphore, #tpu.memory_space<semaphore_mem>>)
      } else {
      }
      %mul3A_98 = arith.constant 4 : i32
      %mul3A_99 = arith.muli %scan3A_51, %mul3A_98 : i32
      %add3A_100 = arith.constant 2 : i32
      %add3A_101 = arith.addi %mul3A_99, %add3A_100 : i32
      %mul3A_102 = arith.constant 120 : i32
      %mul3A_103 = arith.muli %add3A_101, %mul3A_102 : i32
      %dma_wait3A_104 = tpu.memref_slice %arg5[%mul3A_103] : memref<4800xi32, #tpu.memory_space<vmem>> -> memref<120xi32, #tpu.memory_space<vmem>>
      %dma_wait3A_105 = arith.constant 0 : i32
      %dma_wait3A_106 = arith.constant 0 : i32
      %dma_wait3A_107 = tpu.memref_slice %arg2[%dma_wait3A_105, %dma_wait3A_106] : memref<24576x128xf32, #tpu.memory_space<hbm>> -> memref<24576x128xf32, #tpu.memory_space<hbm>>
      tpu.wait_indirect_dma semaphore(%arg12 : memref<!tpu.dma_semaphore, #tpu.memory_space<semaphore_mem>>) src(%dma_wait3A_107 : memref<24576x128xf32, #tpu.memory_space<hbm>>) dst(%arg8 : memref<120x128xf32, #tpu.memory_space<vmem>>)
      %mul3A_108 = arith.constant 120 : i32
      %mul3A_109 = arith.muli %add3A_101, %mul3A_108 : i32
      %add3A_110 = arith.addi %mul3A_2, %mul3A_109 : i32
      %dma_start3A_111 = arith.constant 0 : i32
      %dma_start3A_112 = tpu.memref_slice %arg4[%add3A_110, %dma_start3A_111] : memref<153600x128xf32, #tpu.memory_space<hbm>> -> memref<120x128xf32, #tpu.memory_space<hbm>>
      %dma_start3A_113 = arith.constant 0 : i32
      %dma_start3A_114 = tpu.memref_slice %arg4[%add3A_110, %dma_start3A_113] : memref<153600x128xf32, #tpu.memory_space<hbm>> -> memref<120x128xf32, #tpu.memory_space<hbm>>
      tpu.enqueue_dma source(%arg8 : memref<120x128xf32, #tpu.memory_space<vmem>>) target(%dma_start3A_114 : memref<120x128xf32, #tpu.memory_space<hbm>>) target_semaphore(%arg16 : memref<!tpu.dma_semaphore, #tpu.memory_space<semaphore_mem>>)
      %add3A_115 = arith.constant 4 : i32
      %add3A_116 = arith.addi %add3A_101, %add3A_115 : i32
      %lt3A_117 = arith.constant 40 : i32
      %lt3A_118 = arith.cmpi slt, %add3A_116, %lt3A_117 : i32
      %convert_element_type3A_119 = arith.extui %lt3A_118 : i1 to i32
      %cond3A_120 = arith.constant 0 : i32
      %cond3A_121 = arith.cmpi ne, %convert_element_type3A_119, %cond3A_120 : i32
      scf.if %cond3A_121 {
        %mul3A_147 = arith.constant 120 : i32
        %mul3A_148 = arith.muli %add3A_101, %mul3A_147 : i32
        %add3A_149 = arith.addi %mul3A_2, %mul3A_148 : i32
        %dma_wait3A_150 = arith.constant 0 : i32
        %dma_wait3A_151 = tpu.memref_slice %arg4[%add3A_149, %dma_wait3A_150] : memref<153600x128xf32, #tpu.memory_space<hbm>> -> memref<120x128xf32, #tpu.memory_space<hbm>>
        %dma_wait3A_152 = arith.constant 0 : i32
        %dma_wait3A_153 = tpu.memref_slice %arg4[%add3A_149, %dma_wait3A_152] : memref<153600x128xf32, #tpu.memory_space<hbm>> -> memref<120x128xf32, #tpu.memory_space<hbm>>
        tpu.wait_dma2 semaphore(%arg16 : memref<!tpu.dma_semaphore, #tpu.memory_space<semaphore_mem>>) src(%arg8 : memref<120x128xf32, #tpu.memory_space<vmem>>) dst(%dma_wait3A_153 : memref<120x128xf32, #tpu.memory_space<hbm>>)
        %mul3A_154 = arith.constant 120 : i32
        %mul3A_155 = arith.muli %add3A_116, %mul3A_154 : i32
        %dma_start3A_156 = tpu.memref_slice %arg5[%mul3A_155] : memref<4800xi32, #tpu.memory_space<vmem>> -> memref<120xi32, #tpu.memory_space<vmem>>
        %dma_start3A_157 = arith.constant 0 : i32
        %dma_start3A_158 = arith.constant 0 : i32
        %dma_start3A_159 = tpu.memref_slice %arg2[%dma_start3A_157, %dma_start3A_158] : memref<24576x128xf32, #tpu.memory_space<hbm>> -> memref<24576x128xf32, #tpu.memory_space<hbm>>
        tpu.enqueue_indirect_dma source(%dma_start3A_159 : memref<24576x128xf32, #tpu.memory_space<hbm>>) target(%arg8 : memref<120x128xf32, #tpu.memory_space<vmem>>) offsets(%dma_start3A_156 : memref<120xi32, #tpu.memory_space<vmem>>) semaphore(%arg12 : memref<!tpu.dma_semaphore, #tpu.memory_space<semaphore_mem>>)
      } else {
      }
      %mul3A_122 = arith.constant 4 : i32
      %mul3A_123 = arith.muli %scan3A_51, %mul3A_122 : i32
      %add3A_124 = arith.constant 3 : i32
      %add3A_125 = arith.addi %mul3A_123, %add3A_124 : i32
      %mul3A_126 = arith.constant 120 : i32
      %mul3A_127 = arith.muli %add3A_125, %mul3A_126 : i32
      %dma_wait3A_128 = tpu.memref_slice %arg5[%mul3A_127] : memref<4800xi32, #tpu.memory_space<vmem>> -> memref<120xi32, #tpu.memory_space<vmem>>
      %dma_wait3A_129 = arith.constant 0 : i32
      %dma_wait3A_130 = arith.constant 0 : i32
      %dma_wait3A_131 = tpu.memref_slice %arg2[%dma_wait3A_129, %dma_wait3A_130] : memref<24576x128xf32, #tpu.memory_space<hbm>> -> memref<24576x128xf32, #tpu.memory_space<hbm>>
      tpu.wait_indirect_dma semaphore(%arg13 : memref<!tpu.dma_semaphore, #tpu.memory_space<semaphore_mem>>) src(%dma_wait3A_131 : memref<24576x128xf32, #tpu.memory_space<hbm>>) dst(%arg9 : memref<120x128xf32, #tpu.memory_space<vmem>>)
      %mul3A_132 = arith.constant 120 : i32
      %mul3A_133 = arith.muli %add3A_125, %mul3A_132 : i32
      %add3A_134 = arith.addi %mul3A_2, %mul3A_133 : i32
      %dma_start3A_135 = arith.constant 0 : i32
      %dma_start3A_136 = tpu.memref_slice %arg4[%add3A_134, %dma_start3A_135] : memref<153600x128xf32, #tpu.memory_space<hbm>> -> memref<120x128xf32, #tpu.memory_space<hbm>>
      %dma_start3A_137 = arith.constant 0 : i32
      %dma_start3A_138 = tpu.memref_slice %arg4[%add3A_134, %dma_start3A_137] : memref<153600x128xf32, #tpu.memory_space<hbm>> -> memref<120x128xf32, #tpu.memory_space<hbm>>
      tpu.enqueue_dma source(%arg9 : memref<120x128xf32, #tpu.memory_space<vmem>>) target(%dma_start3A_138 : memref<120x128xf32, #tpu.memory_space<hbm>>) target_semaphore(%arg17 : memref<!tpu.dma_semaphore, #tpu.memory_space<semaphore_mem>>)
      %add3A_139 = arith.constant 4 : i32
      %add3A_140 = arith.addi %add3A_125, %add3A_139 : i32
      %lt3A_141 = arith.constant 40 : i32
      %lt3A_142 = arith.cmpi slt, %add3A_140, %lt3A_141 : i32
      %convert_element_type3A_143 = arith.extui %lt3A_142 : i1 to i32
      %cond3A_144 = arith.constant 0 : i32
      %cond3A_145 = arith.cmpi ne, %convert_element_type3A_143, %cond3A_144 : i32
      scf.if %cond3A_145 {
        %mul3A_147 = arith.constant 120 : i32
        %mul3A_148 = arith.muli %add3A_125, %mul3A_147 : i32
        %add3A_149 = arith.addi %mul3A_2, %mul3A_148 : i32
        %dma_wait3A_150 = arith.constant 0 : i32
        %dma_wait3A_151 = tpu.memref_slice %arg4[%add3A_149, %dma_wait3A_150] : memref<153600x128xf32, #tpu.memory_space<hbm>> -> memref<120x128xf32, #tpu.memory_space<hbm>>
        %dma_wait3A_152 = arith.constant 0 : i32
        %dma_wait3A_153 = tpu.memref_slice %arg4[%add3A_149, %dma_wait3A_152] : memref<153600x128xf32, #tpu.memory_space<hbm>> -> memref<120x128xf32, #tpu.memory_space<hbm>>
        tpu.wait_dma2 semaphore(%arg17 : memref<!tpu.dma_semaphore, #tpu.memory_space<semaphore_mem>>) src(%arg9 : memref<120x128xf32, #tpu.memory_space<vmem>>) dst(%dma_wait3A_153 : memref<120x128xf32, #tpu.memory_space<hbm>>)
        %mul3A_154 = arith.constant 120 : i32
        %mul3A_155 = arith.muli %add3A_140, %mul3A_154 : i32
        %dma_start3A_156 = tpu.memref_slice %arg5[%mul3A_155] : memref<4800xi32, #tpu.memory_space<vmem>> -> memref<120xi32, #tpu.memory_space<vmem>>
        %dma_start3A_157 = arith.constant 0 : i32
        %dma_start3A_158 = arith.constant 0 : i32
        %dma_start3A_159 = tpu.memref_slice %arg2[%dma_start3A_157, %dma_start3A_158] : memref<24576x128xf32, #tpu.memory_space<hbm>> -> memref<24576x128xf32, #tpu.memory_space<hbm>>
        tpu.enqueue_indirect_dma source(%dma_start3A_159 : memref<24576x128xf32, #tpu.memory_space<hbm>>) target(%arg9 : memref<120x128xf32, #tpu.memory_space<vmem>>) offsets(%dma_start3A_156 : memref<120xi32, #tpu.memory_space<vmem>>) semaphore(%arg13 : memref<!tpu.dma_semaphore, #tpu.memory_space<semaphore_mem>>)
      } else {
      }
      %scan3A_146 = arith.constant 0 : i32
      scf.yield %scan3A_146 : i32
    }
    %scan3A_27 = arith.constant 10 : i32
    %add3A_28 = arith.constant 4320 : i32
    %add3A_29 = arith.addi %mul3A_2, %add3A_28 : i32
    %dma_wait3A = arith.constant 0 : i32
    %dma_wait3A_30 = tpu.memref_slice %arg4[%add3A_29, %dma_wait3A] : memref<153600x128xf32, #tpu.memory_space<hbm>> -> memref<120x128xf32, #tpu.memory_space<hbm>>
    %dma_wait3A_31 = arith.constant 0 : i32
    %dma_wait3A_32 = tpu.memref_slice %arg4[%add3A_29, %dma_wait3A_31] : memref<153600x128xf32, #tpu.memory_space<hbm>> -> memref<120x128xf32, #tpu.memory_space<hbm>>
    tpu.wait_dma2 semaphore(%arg14 : memref<!tpu.dma_semaphore, #tpu.memory_space<semaphore_mem>>) src(%arg6 : memref<120x128xf32, #tpu.memory_space<vmem>>) dst(%dma_wait3A_32 : memref<120x128xf32, #tpu.memory_space<hbm>>)
    %add3A_33 = arith.constant 4440 : i32
    %add3A_34 = arith.addi %mul3A_2, %add3A_33 : i32
    %dma_wait3A_35 = arith.constant 0 : i32
    %dma_wait3A_36 = tpu.memref_slice %arg4[%add3A_34, %dma_wait3A_35] : memref<153600x128xf32, #tpu.memory_space<hbm>> -> memref<120x128xf32, #tpu.memory_space<hbm>>
    %dma_wait3A_37 = arith.constant 0 : i32
    %dma_wait3A_38 = tpu.memref_slice %arg4[%add3A_34, %dma_wait3A_37] : memref<153600x128xf32, #tpu.memory_space<hbm>> -> memref<120x128xf32, #tpu.memory_space<hbm>>
    tpu.wait_dma2 semaphore(%arg15 : memref<!tpu.dma_semaphore, #tpu.memory_space<semaphore_mem>>) src(%arg7 : memref<120x128xf32, #tpu.memory_space<vmem>>) dst(%dma_wait3A_38 : memref<120x128xf32, #tpu.memory_space<hbm>>)
    %add3A_39 = arith.constant 4560 : i32
    %add3A_40 = arith.addi %mul3A_2, %add3A_39 : i32
    %dma_wait3A_41 = arith.constant 0 : i32
    %dma_wait3A_42 = tpu.memref_slice %arg4[%add3A_40, %dma_wait3A_41] : memref<153600x128xf32, #tpu.memory_space<hbm>> -> memref<120x128xf32, #tpu.memory_space<hbm>>
    %dma_wait3A_43 = arith.constant 0 : i32
    %dma_wait3A_44 = tpu.memref_slice %arg4[%add3A_40, %dma_wait3A_43] : memref<153600x128xf32, #tpu.memory_space<hbm>> -> memref<120x128xf32, #tpu.memory_space<hbm>>
    tpu.wait_dma2 semaphore(%arg16 : memref<!tpu.dma_semaphore, #tpu.memory_space<semaphore_mem>>) src(%arg8 : memref<120x128xf32, #tpu.memory_space<vmem>>) dst(%dma_wait3A_44 : memref<120x128xf32, #tpu.memory_space<hbm>>)
    %add3A_45 = arith.constant 4680 : i32
    %add3A_46 = arith.addi %mul3A_2, %add3A_45 : i32
    %dma_wait3A_47 = arith.constant 0 : i32
    %dma_wait3A_48 = tpu.memref_slice %arg4[%add3A_46, %dma_wait3A_47] : memref<153600x128xf32, #tpu.memory_space<hbm>> -> memref<120x128xf32, #tpu.memory_space<hbm>>
    %dma_wait3A_49 = arith.constant 0 : i32
    %dma_wait3A_50 = tpu.memref_slice %arg4[%add3A_46, %dma_wait3A_49] : memref<153600x128xf32, #tpu.memory_space<hbm>> -> memref<120x128xf32, #tpu.memory_space<hbm>>
    tpu.wait_dma2 semaphore(%arg17 : memref<!tpu.dma_semaphore, #tpu.memory_space<semaphore_mem>>) src(%arg9 : memref<120x128xf32, #tpu.memory_space<vmem>>) dst(%dma_wait3A_50 : memref<120x128xf32, #tpu.memory_space<hbm>>)
    return
  }
}

#map = affine_map<(d0, d1) -> (0, 0)>
#map1 = affine_map<(d0, d1) -> (0)>
module attributes {stable_mosaic.version = 14 : i64} {
  func.func @body(%arg0: i32, %arg1: i32, %arg2: memref<24576x128xf32, #tpu.memory_space<hbm>>, %arg3: memref<153600xi32, #tpu.memory_space<hbm>>, %arg4: memref<153600x128xf32, #tpu.memory_space<hbm>>, %arg5: memref<4800xi32, #tpu.memory_space<vmem>>, %arg6: memref<120x128xf32, #tpu.memory_space<vmem>>, %arg7: memref<120x128xf32, #tpu.memory_space<vmem>>, %arg8: memref<120x128xf32, #tpu.memory_space<vmem>>, %arg9: memref<120x128xf32, #tpu.memory_space<vmem>>, %arg10: memref<!tpu.dma_semaphore, #tpu.memory_space<semaphore_mem>>, %arg11: memref<!tpu.dma_semaphore, #tpu.memory_space<semaphore_mem>>, %arg12: memref<!tpu.dma_semaphore, #tpu.memory_space<semaphore_mem>>, %arg13: memref<!tpu.dma_semaphore, #tpu.memory_space<semaphore_mem>>, %arg14: memref<!tpu.dma_semaphore, #tpu.memory_space<semaphore_mem>>, %arg15: memref<!tpu.dma_semaphore, #tpu.memory_space<semaphore_mem>>, %arg16: memref<!tpu.dma_semaphore, #tpu.memory_space<semaphore_mem>>, %arg17: memref<!tpu.dma_semaphore, #tpu.memory_space<semaphore_mem>>) attributes {dimension_semantics = [#tpu.dimension_semantics<core_parallel>, #tpu.dimension_semantics<subcore_parallel>], iteration_bounds = array<i64: 2, 16>, scalar_prefetch = 0 : i64, scratch_operands = 13 : i64, tpu.core_type = #tpu.core_type<sc_vector_subcore>, window_params = [{transform_indices = #map}, {transform_indices = #map1}, {transform_indices = #map}]} {
    %mul3A = arith.constant 2 : i32
    %mul3A_0 = arith.muli %arg1, %mul3A : i32
    %add3A = arith.addi %mul3A_0, %arg0 : i32
    %mul3A_1 = arith.constant 4800 : i32
    %mul3A_2 = arith.muli %add3A, %mul3A_1 : i32
    "tpu.region"() ({
      %run_scoped3A = tpu.sem_alloc : memref<!tpu.dma_semaphore, #tpu.memory_space<semaphore_mem>>
      %dma_start3A_51 = tpu.memref_slice %arg3[%mul3A_2] : memref<153600xi32, #tpu.memory_space<hbm>> -> memref<4800xi32, #tpu.memory_space<hbm>>
      %dma_start3A_52 = tpu.memref_slice %arg3[%mul3A_2] : memref<153600xi32, #tpu.memory_space<hbm>> -> memref<4800xi32, #tpu.memory_space<hbm>>
      tpu.enqueue_dma source(%dma_start3A_52 : memref<4800xi32, #tpu.memory_space<hbm>>) target(%arg5 : memref<4800xi32, #tpu.memory_space<vmem>>) target_semaphore(%run_scoped3A : memref<!tpu.dma_semaphore, #tpu.memory_space<semaphore_mem>>)
      %dma_wait3A_53 = tpu.memref_slice %arg3[%mul3A_2] : memref<153600xi32, #tpu.memory_space<hbm>> -> memref<4800xi32, #tpu.memory_space<hbm>>
      %dma_wait3A_54 = tpu.memref_slice %arg3[%mul3A_2] : memref<153600xi32, #tpu.memory_space<hbm>> -> memref<4800xi32, #tpu.memory_space<hbm>>
      tpu.wait_dma2 semaphore(%run_scoped3A : memref<!tpu.dma_semaphore, #tpu.memory_space<semaphore_mem>>) src(%dma_wait3A_54 : memref<4800xi32, #tpu.memory_space<hbm>>) dst(%arg5 : memref<4800xi32, #tpu.memory_space<vmem>>)
      tpu.yield
    }) : () -> ()
    %dma_start3A = arith.constant 0 : i32
    %dma_start3A_3 = tpu.memref_slice %arg5[%dma_start3A] : memref<4800xi32, #tpu.memory_space<vmem>> -> memref<120xi32, #tpu.memory_space<vmem>>
    %dma_start3A_4 = arith.constant 0 : i32
    %dma_start3A_5 = arith.constant 0 : i32
    %dma_start3A_6 = tpu.memref_slice %arg2[%dma_start3A_4, %dma_start3A_5] : memref<24576x128xf32, #tpu.memory_space<hbm>> -> memref<24576x128xf32, #tpu.memory_space<hbm>>
    tpu.enqueue_indirect_dma source(%dma_start3A_6 : memref<24576x128xf32, #tpu.memory_space<hbm>>) target(%arg6 : memref<120x128xf32, #tpu.memory_space<vmem>>) offsets(%dma_start3A_3 : memref<120xi32, #tpu.memory_space<vmem>>) semaphore(%arg10 : memref<!tpu.dma_semaphore, #tpu.memory_space<semaphore_mem>>)
    %dma_start3A_7 = arith.constant 120 : i32
    %dma_start3A_8 = tpu.memref_slice %arg5[%dma_start3A_7] : memref<4800xi32, #tpu.memory_space<vmem>> -> memref<120xi32, #tpu.memory_space<vmem>>
    %dma_start3A_9 = arith.constant 0 : i32
    %dma_start3A_10 = arith.constant 0 : i32
    %dma_start3A_11 = tpu.memref_slice %arg2[%dma_start3A_9, %dma_start3A_10] : memref<24576x128xf32, #tpu.memory_space<hbm>> -> memref<24576x128xf32, #tpu.memory_space<hbm>>
    tpu.enqueue_indirect_dma source(%dma_start3A_11 : memref<24576x128xf32, #tpu.memory_space<hbm>>) target(%arg7 : memref<120x128xf32, #tpu.memory_space<vmem>>) offsets(%dma_start3A_8 : memref<120xi32, #tpu.memory_space<vmem>>) semaphore(%arg11 : memref<!tpu.dma_semaphore, #tpu.memory_space<semaphore_mem>>)
    %dma_start3A_12 = arith.constant 240 : i32
    %dma_start3A_13 = tpu.memref_slice %arg5[%dma_start3A_12] : memref<4800xi32, #tpu.memory_space<vmem>> -> memref<120xi32, #tpu.memory_space<vmem>>
    %dma_start3A_14 = arith.constant 0 : i32
    %dma_start3A_15 = arith.constant 0 : i32
    %dma_start3A_16 = tpu.memref_slice %arg2[%dma_start3A_14, %dma_start3A_15] : memref<24576x128xf32, #tpu.memory_space<hbm>> -> memref<24576x128xf32, #tpu.memory_space<hbm>>
    tpu.enqueue_indirect_dma source(%dma_start3A_16 : memref<24576x128xf32, #tpu.memory_space<hbm>>) target(%arg8 : memref<120x128xf32, #tpu.memory_space<vmem>>) offsets(%dma_start3A_13 : memref<120xi32, #tpu.memory_space<vmem>>) semaphore(%arg12 : memref<!tpu.dma_semaphore, #tpu.memory_space<semaphore_mem>>)
    %dma_start3A_17 = arith.constant 360 : i32
    %dma_start3A_18 = tpu.memref_slice %arg5[%dma_start3A_17] : memref<4800xi32, #tpu.memory_space<vmem>> -> memref<120xi32, #tpu.memory_space<vmem>>
    %dma_start3A_19 = arith.constant 0 : i32
    %dma_start3A_20 = arith.constant 0 : i32
    %dma_start3A_21 = tpu.memref_slice %arg2[%dma_start3A_19, %dma_start3A_20] : memref<24576x128xf32, #tpu.memory_space<hbm>> -> memref<24576x128xf32, #tpu.memory_space<hbm>>
    tpu.enqueue_indirect_dma source(%dma_start3A_21 : memref<24576x128xf32, #tpu.memory_space<hbm>>) target(%arg9 : memref<120x128xf32, #tpu.memory_space<vmem>>) offsets(%dma_start3A_18 : memref<120xi32, #tpu.memory_space<vmem>>) semaphore(%arg13 : memref<!tpu.dma_semaphore, #tpu.memory_space<semaphore_mem>>)
    %scan3A = arith.constant 0 : i32
    %scan3A_22 = arith.constant 0 : i32
    %scan3A_23 = arith.constant 10 : i32
    %scan3A_24 = arith.addi %scan3A_22, %scan3A_23 : i32
    %scan3A_25 = arith.constant 1 : i32
    %scan3A_26 = scf.for %scan3A_51 = %scan3A_22 to %scan3A_24 step %scan3A_25 iter_args(%scan3A_52 = %scan3A) -> (i32)  : i32 {
      %mul3A_53 = arith.constant 4 : i32
      %mul3A_54 = arith.muli %scan3A_51, %mul3A_53 : i32
      %add3A_55 = arith.constant 0 : i32
      %add3A_56 = arith.addi %mul3A_54, %add3A_55 : i32
      %mul3A_57 = arith.constant 120 : i32
      %mul3A_58 = arith.muli %add3A_56, %mul3A_57 : i32
      %dma_wait3A_59 = tpu.memref_slice %arg5[%mul3A_58] : memref<4800xi32, #tpu.memory_space<vmem>> -> memref<120xi32, #tpu.memory_space<vmem>>
      %dma_wait3A_60 = arith.constant 0 : i32
      %dma_wait3A_61 = arith.constant 0 : i32
      %dma_wait3A_62 = tpu.memref_slice %arg2[%dma_wait3A_60, %dma_wait3A_61] : memref<24576x128xf32, #tpu.memory_space<hbm>> -> memref<24576x128xf32, #tpu.memory_space<hbm>>
      tpu.wait_indirect_dma semaphore(%arg10 : memref<!tpu.dma_semaphore, #tpu.memory_space<semaphore_mem>>) src(%dma_wait3A_62 : memref<24576x128xf32, #tpu.memory_space<hbm>>) dst(%arg6 : memref<120x128xf32, #tpu.memory_space<vmem>>)
      %mul3A_63 = arith.constant 120 : i32
      %mul3A_64 = arith.muli %add3A_56, %mul3A_63 : i32
      %add3A_65 = arith.addi %mul3A_2, %mul3A_64 : i32
      %dma_start3A_66 = arith.constant 0 : i32
      %dma_start3A_67 = tpu.memref_slice %arg4[%add3A_65, %dma_start3A_66] : memref<153600x128xf32, #tpu.memory_space<hbm>> -> memref<120x128xf32, #tpu.memory_space<hbm>>
      %dma_start3A_68 = arith.constant 0 : i32
      %dma_start3A_69 = tpu.memref_slice %arg4[%add3A_65, %dma_start3A_68] : memref<153600x128xf32, #tpu.memory_space<hbm>> -> memref<120x128xf32, #tpu.memory_space<hbm>>
      tpu.enqueue_dma source(%arg6 : memref<120x128xf32, #tpu.memory_space<vmem>>) target(%dma_start3A_69 : memref<120x128xf32, #tpu.memory_space<hbm>>) target_semaphore(%arg14 : memref<!tpu.dma_semaphore, #tpu.memory_space<semaphore_mem>>)
      %add3A_70 = arith.constant 4 : i32
      %add3A_71 = arith.addi %add3A_56, %add3A_70 : i32
      %lt3A = arith.constant 40 : i32
      %lt3A_72 = arith.cmpi slt, %add3A_71, %lt3A : i32
      %convert_element_type3A = arith.extui %lt3A_72 : i1 to i32
      %cond3A = arith.constant 0 : i32
      %cond3A_73 = arith.cmpi ne, %convert_element_type3A, %cond3A : i32
      scf.if %cond3A_73 {
        %mul3A_147 = arith.constant 120 : i32
        %mul3A_148 = arith.muli %add3A_56, %mul3A_147 : i32
        %add3A_149 = arith.addi %mul3A_2, %mul3A_148 : i32
        %dma_wait3A_150 = arith.constant 0 : i32
        %dma_wait3A_151 = tpu.memref_slice %arg4[%add3A_149, %dma_wait3A_150] : memref<153600x128xf32, #tpu.memory_space<hbm>> -> memref<120x128xf32, #tpu.memory_space<hbm>>
        %dma_wait3A_152 = arith.constant 0 : i32
        %dma_wait3A_153 = tpu.memref_slice %arg4[%add3A_149, %dma_wait3A_152] : memref<153600x128xf32, #tpu.memory_space<hbm>> -> memref<120x128xf32, #tpu.memory_space<hbm>>
        tpu.wait_dma2 semaphore(%arg14 : memref<!tpu.dma_semaphore, #tpu.memory_space<semaphore_mem>>) src(%arg6 : memref<120x128xf32, #tpu.memory_space<vmem>>) dst(%dma_wait3A_153 : memref<120x128xf32, #tpu.memory_space<hbm>>)
        %mul3A_154 = arith.constant 120 : i32
        %mul3A_155 = arith.muli %add3A_71, %mul3A_154 : i32
        %dma_start3A_156 = tpu.memref_slice %arg5[%mul3A_155] : memref<4800xi32, #tpu.memory_space<vmem>> -> memref<120xi32, #tpu.memory_space<vmem>>
        %dma_start3A_157 = arith.constant 0 : i32
        %dma_start3A_158 = arith.constant 0 : i32
        %dma_start3A_159 = tpu.memref_slice %arg2[%dma_start3A_157, %dma_start3A_158] : memref<24576x128xf32, #tpu.memory_space<hbm>> -> memref<24576x128xf32, #tpu.memory_space<hbm>>
        tpu.enqueue_indirect_dma source(%dma_start3A_159 : memref<24576x128xf32, #tpu.memory_space<hbm>>) target(%arg6 : memref<120x128xf32, #tpu.memory_space<vmem>>) offsets(%dma_start3A_156 : memref<120xi32, #tpu.memory_space<vmem>>) semaphore(%arg10 : memref<!tpu.dma_semaphore, #tpu.memory_space<semaphore_mem>>)
      } else {
      }
      %mul3A_74 = arith.constant 4 : i32
      %mul3A_75 = arith.muli %scan3A_51, %mul3A_74 : i32
      %add3A_76 = arith.constant 1 : i32
      %add3A_77 = arith.addi %mul3A_75, %add3A_76 : i32
      %mul3A_78 = arith.constant 120 : i32
      %mul3A_79 = arith.muli %add3A_77, %mul3A_78 : i32
      %dma_wait3A_80 = tpu.memref_slice %arg5[%mul3A_79] : memref<4800xi32, #tpu.memory_space<vmem>> -> memref<120xi32, #tpu.memory_space<vmem>>
      %dma_wait3A_81 = arith.constant 0 : i32
      %dma_wait3A_82 = arith.constant 0 : i32
      %dma_wait3A_83 = tpu.memref_slice %arg2[%dma_wait3A_81, %dma_wait3A_82] : memref<24576x128xf32, #tpu.memory_space<hbm>> -> memref<24576x128xf32, #tpu.memory_space<hbm>>
      tpu.wait_indirect_dma semaphore(%arg11 : memref<!tpu.dma_semaphore, #tpu.memory_space<semaphore_mem>>) src(%dma_wait3A_83 : memref<24576x128xf32, #tpu.memory_space<hbm>>) dst(%arg7 : memref<120x128xf32, #tpu.memory_space<vmem>>)
      %mul3A_84 = arith.constant 120 : i32
      %mul3A_85 = arith.muli %add3A_77, %mul3A_84 : i32
      %add3A_86 = arith.addi %mul3A_2, %mul3A_85 : i32
      %dma_start3A_87 = arith.constant 0 : i32
      %dma_start3A_88 = tpu.memref_slice %arg4[%add3A_86, %dma_start3A_87] : memref<153600x128xf32, #tpu.memory_space<hbm>> -> memref<120x128xf32, #tpu.memory_space<hbm>>
      %dma_start3A_89 = arith.constant 0 : i32
      %dma_start3A_90 = tpu.memref_slice %arg4[%add3A_86, %dma_start3A_89] : memref<153600x128xf32, #tpu.memory_space<hbm>> -> memref<120x128xf32, #tpu.memory_space<hbm>>
      tpu.enqueue_dma source(%arg7 : memref<120x128xf32, #tpu.memory_space<vmem>>) target(%dma_start3A_90 : memref<120x128xf32, #tpu.memory_space<hbm>>) target_semaphore(%arg15 : memref<!tpu.dma_semaphore, #tpu.memory_space<semaphore_mem>>)
      %add3A_91 = arith.constant 4 : i32
      %add3A_92 = arith.addi %add3A_77, %add3A_91 : i32
      %lt3A_93 = arith.constant 40 : i32
      %lt3A_94 = arith.cmpi slt, %add3A_92, %lt3A_93 : i32
      %convert_element_type3A_95 = arith.extui %lt3A_94 : i1 to i32
      %cond3A_96 = arith.constant 0 : i32
      %cond3A_97 = arith.cmpi ne, %convert_element_type3A_95, %cond3A_96 : i32
      scf.if %cond3A_97 {
        %mul3A_147 = arith.constant 120 : i32
        %mul3A_148 = arith.muli %add3A_77, %mul3A_147 : i32
        %add3A_149 = arith.addi %mul3A_2, %mul3A_148 : i32
        %dma_wait3A_150 = arith.constant 0 : i32
        %dma_wait3A_151 = tpu.memref_slice %arg4[%add3A_149, %dma_wait3A_150] : memref<153600x128xf32, #tpu.memory_space<hbm>> -> memref<120x128xf32, #tpu.memory_space<hbm>>
        %dma_wait3A_152 = arith.constant 0 : i32
        %dma_wait3A_153 = tpu.memref_slice %arg4[%add3A_149, %dma_wait3A_152] : memref<153600x128xf32, #tpu.memory_space<hbm>> -> memref<120x128xf32, #tpu.memory_space<hbm>>
        tpu.wait_dma2 semaphore(%arg15 : memref<!tpu.dma_semaphore, #tpu.memory_space<semaphore_mem>>) src(%arg7 : memref<120x128xf32, #tpu.memory_space<vmem>>) dst(%dma_wait3A_153 : memref<120x128xf32, #tpu.memory_space<hbm>>)
        %mul3A_154 = arith.constant 120 : i32
        %mul3A_155 = arith.muli %add3A_92, %mul3A_154 : i32
        %dma_start3A_156 = tpu.memref_slice %arg5[%mul3A_155] : memref<4800xi32, #tpu.memory_space<vmem>> -> memref<120xi32, #tpu.memory_space<vmem>>
        %dma_start3A_157 = arith.constant 0 : i32
        %dma_start3A_158 = arith.constant 0 : i32
        %dma_start3A_159 = tpu.memref_slice %arg2[%dma_start3A_157, %dma_start3A_158] : memref<24576x128xf32, #tpu.memory_space<hbm>> -> memref<24576x128xf32, #tpu.memory_space<hbm>>
        tpu.enqueue_indirect_dma source(%dma_start3A_159 : memref<24576x128xf32, #tpu.memory_space<hbm>>) target(%arg7 : memref<120x128xf32, #tpu.memory_space<vmem>>) offsets(%dma_start3A_156 : memref<120xi32, #tpu.memory_space<vmem>>) semaphore(%arg11 : memref<!tpu.dma_semaphore, #tpu.memory_space<semaphore_mem>>)
      } else {
      }
      %mul3A_98 = arith.constant 4 : i32
      %mul3A_99 = arith.muli %scan3A_51, %mul3A_98 : i32
      %add3A_100 = arith.constant 2 : i32
      %add3A_101 = arith.addi %mul3A_99, %add3A_100 : i32
      %mul3A_102 = arith.constant 120 : i32
      %mul3A_103 = arith.muli %add3A_101, %mul3A_102 : i32
      %dma_wait3A_104 = tpu.memref_slice %arg5[%mul3A_103] : memref<4800xi32, #tpu.memory_space<vmem>> -> memref<120xi32, #tpu.memory_space<vmem>>
      %dma_wait3A_105 = arith.constant 0 : i32
      %dma_wait3A_106 = arith.constant 0 : i32
      %dma_wait3A_107 = tpu.memref_slice %arg2[%dma_wait3A_105, %dma_wait3A_106] : memref<24576x128xf32, #tpu.memory_space<hbm>> -> memref<24576x128xf32, #tpu.memory_space<hbm>>
      tpu.wait_indirect_dma semaphore(%arg12 : memref<!tpu.dma_semaphore, #tpu.memory_space<semaphore_mem>>) src(%dma_wait3A_107 : memref<24576x128xf32, #tpu.memory_space<hbm>>) dst(%arg8 : memref<120x128xf32, #tpu.memory_space<vmem>>)
      %mul3A_108 = arith.constant 120 : i32
      %mul3A_109 = arith.muli %add3A_101, %mul3A_108 : i32
      %add3A_110 = arith.addi %mul3A_2, %mul3A_109 : i32
      %dma_start3A_111 = arith.constant 0 : i32
      %dma_start3A_112 = tpu.memref_slice %arg4[%add3A_110, %dma_start3A_111] : memref<153600x128xf32, #tpu.memory_space<hbm>> -> memref<120x128xf32, #tpu.memory_space<hbm>>
      %dma_start3A_113 = arith.constant 0 : i32
      %dma_start3A_114 = tpu.memref_slice %arg4[%add3A_110, %dma_start3A_113] : memref<153600x128xf32, #tpu.memory_space<hbm>> -> memref<120x128xf32, #tpu.memory_space<hbm>>
      tpu.enqueue_dma source(%arg8 : memref<120x128xf32, #tpu.memory_space<vmem>>) target(%dma_start3A_114 : memref<120x128xf32, #tpu.memory_space<hbm>>) target_semaphore(%arg16 : memref<!tpu.dma_semaphore, #tpu.memory_space<semaphore_mem>>)
      %add3A_115 = arith.constant 4 : i32
      %add3A_116 = arith.addi %add3A_101, %add3A_115 : i32
      %lt3A_117 = arith.constant 40 : i32
      %lt3A_118 = arith.cmpi slt, %add3A_116, %lt3A_117 : i32
      %convert_element_type3A_119 = arith.extui %lt3A_118 : i1 to i32
      %cond3A_120 = arith.constant 0 : i32
      %cond3A_121 = arith.cmpi ne, %convert_element_type3A_119, %cond3A_120 : i32
      scf.if %cond3A_121 {
        %mul3A_147 = arith.constant 120 : i32
        %mul3A_148 = arith.muli %add3A_101, %mul3A_147 : i32
        %add3A_149 = arith.addi %mul3A_2, %mul3A_148 : i32
        %dma_wait3A_150 = arith.constant 0 : i32
        %dma_wait3A_151 = tpu.memref_slice %arg4[%add3A_149, %dma_wait3A_150] : memref<153600x128xf32, #tpu.memory_space<hbm>> -> memref<120x128xf32, #tpu.memory_space<hbm>>
        %dma_wait3A_152 = arith.constant 0 : i32
        %dma_wait3A_153 = tpu.memref_slice %arg4[%add3A_149, %dma_wait3A_152] : memref<153600x128xf32, #tpu.memory_space<hbm>> -> memref<120x128xf32, #tpu.memory_space<hbm>>
        tpu.wait_dma2 semaphore(%arg16 : memref<!tpu.dma_semaphore, #tpu.memory_space<semaphore_mem>>) src(%arg8 : memref<120x128xf32, #tpu.memory_space<vmem>>) dst(%dma_wait3A_153 : memref<120x128xf32, #tpu.memory_space<hbm>>)
        %mul3A_154 = arith.constant 120 : i32
        %mul3A_155 = arith.muli %add3A_116, %mul3A_154 : i32
        %dma_start3A_156 = tpu.memref_slice %arg5[%mul3A_155] : memref<4800xi32, #tpu.memory_space<vmem>> -> memref<120xi32, #tpu.memory_space<vmem>>
        %dma_start3A_157 = arith.constant 0 : i32
        %dma_start3A_158 = arith.constant 0 : i32
        %dma_start3A_159 = tpu.memref_slice %arg2[%dma_start3A_157, %dma_start3A_158] : memref<24576x128xf32, #tpu.memory_space<hbm>> -> memref<24576x128xf32, #tpu.memory_space<hbm>>
        tpu.enqueue_indirect_dma source(%dma_start3A_159 : memref<24576x128xf32, #tpu.memory_space<hbm>>) target(%arg8 : memref<120x128xf32, #tpu.memory_space<vmem>>) offsets(%dma_start3A_156 : memref<120xi32, #tpu.memory_space<vmem>>) semaphore(%arg12 : memref<!tpu.dma_semaphore, #tpu.memory_space<semaphore_mem>>)
      } else {
      }
      %mul3A_122 = arith.constant 4 : i32
      %mul3A_123 = arith.muli %scan3A_51, %mul3A_122 : i32
      %add3A_124 = arith.constant 3 : i32
      %add3A_125 = arith.addi %mul3A_123, %add3A_124 : i32
      %mul3A_126 = arith.constant 120 : i32
      %mul3A_127 = arith.muli %add3A_125, %mul3A_126 : i32
      %dma_wait3A_128 = tpu.memref_slice %arg5[%mul3A_127] : memref<4800xi32, #tpu.memory_space<vmem>> -> memref<120xi32, #tpu.memory_space<vmem>>
      %dma_wait3A_129 = arith.constant 0 : i32
      %dma_wait3A_130 = arith.constant 0 : i32
      %dma_wait3A_131 = tpu.memref_slice %arg2[%dma_wait3A_129, %dma_wait3A_130] : memref<24576x128xf32, #tpu.memory_space<hbm>> -> memref<24576x128xf32, #tpu.memory_space<hbm>>
      tpu.wait_indirect_dma semaphore(%arg13 : memref<!tpu.dma_semaphore, #tpu.memory_space<semaphore_mem>>) src(%dma_wait3A_131 : memref<24576x128xf32, #tpu.memory_space<hbm>>) dst(%arg9 : memref<120x128xf32, #tpu.memory_space<vmem>>)
      %mul3A_132 = arith.constant 120 : i32
      %mul3A_133 = arith.muli %add3A_125, %mul3A_132 : i32
      %add3A_134 = arith.addi %mul3A_2, %mul3A_133 : i32
      %dma_start3A_135 = arith.constant 0 : i32
      %dma_start3A_136 = tpu.memref_slice %arg4[%add3A_134, %dma_start3A_135] : memref<153600x128xf32, #tpu.memory_space<hbm>> -> memref<120x128xf32, #tpu.memory_space<hbm>>
      %dma_start3A_137 = arith.constant 0 : i32
      %dma_start3A_138 = tpu.memref_slice %arg4[%add3A_134, %dma_start3A_137] : memref<153600x128xf32, #tpu.memory_space<hbm>> -> memref<120x128xf32, #tpu.memory_space<hbm>>
      tpu.enqueue_dma source(%arg9 : memref<120x128xf32, #tpu.memory_space<vmem>>) target(%dma_start3A_138 : memref<120x128xf32, #tpu.memory_space<hbm>>) target_semaphore(%arg17 : memref<!tpu.dma_semaphore, #tpu.memory_space<semaphore_mem>>)
      %add3A_139 = arith.constant 4 : i32
      %add3A_140 = arith.addi %add3A_125, %add3A_139 : i32
      %lt3A_141 = arith.constant 40 : i32
      %lt3A_142 = arith.cmpi slt, %add3A_140, %lt3A_141 : i32
      %convert_element_type3A_143 = arith.extui %lt3A_142 : i1 to i32
      %cond3A_144 = arith.constant 0 : i32
      %cond3A_145 = arith.cmpi ne, %convert_element_type3A_143, %cond3A_144 : i32
      scf.if %cond3A_145 {
        %mul3A_147 = arith.constant 120 : i32
        %mul3A_148 = arith.muli %add3A_125, %mul3A_147 : i32
        %add3A_149 = arith.addi %mul3A_2, %mul3A_148 : i32
        %dma_wait3A_150 = arith.constant 0 : i32
        %dma_wait3A_151 = tpu.memref_slice %arg4[%add3A_149, %dma_wait3A_150] : memref<153600x128xf32, #tpu.memory_space<hbm>> -> memref<120x128xf32, #tpu.memory_space<hbm>>
        %dma_wait3A_152 = arith.constant 0 : i32
        %dma_wait3A_153 = tpu.memref_slice %arg4[%add3A_149, %dma_wait3A_152] : memref<153600x128xf32, #tpu.memory_space<hbm>> -> memref<120x128xf32, #tpu.memory_space<hbm>>
        tpu.wait_dma2 semaphore(%arg17 : memref<!tpu.dma_semaphore, #tpu.memory_space<semaphore_mem>>) src(%arg9 : memref<120x128xf32, #tpu.memory_space<vmem>>) dst(%dma_wait3A_153 : memref<120x128xf32, #tpu.memory_space<hbm>>)
        %mul3A_154 = arith.constant 120 : i32
        %mul3A_155 = arith.muli %add3A_140, %mul3A_154 : i32
        %dma_start3A_156 = tpu.memref_slice %arg5[%mul3A_155] : memref<4800xi32, #tpu.memory_space<vmem>> -> memref<120xi32, #tpu.memory_space<vmem>>
        %dma_start3A_157 = arith.constant 0 : i32
        %dma_start3A_158 = arith.constant 0 : i32
        %dma_start3A_159 = tpu.memref_slice %arg2[%dma_start3A_157, %dma_start3A_158] : memref<24576x128xf32, #tpu.memory_space<hbm>> -> memref<24576x128xf32, #tpu.memory_space<hbm>>
        tpu.enqueue_indirect_dma source(%dma_start3A_159 : memref<24576x128xf32, #tpu.memory_space<hbm>>) target(%arg9 : memref<120x128xf32, #tpu.memory_space<vmem>>) offsets(%dma_start3A_156 : memref<120xi32, #tpu.memory_space<vmem>>) semaphore(%arg13 : memref<!tpu.dma_semaphore, #tpu.memory_space<semaphore_mem>>)
      } else {
      }
      %scan3A_146 = arith.constant 0 : i32
      scf.yield %scan3A_146 : i32
    }
    %scan3A_27 = arith.constant 10 : i32
    %add3A_28 = arith.constant 4320 : i32
    %add3A_29 = arith.addi %mul3A_2, %add3A_28 : i32
    %dma_wait3A = arith.constant 0 : i32
    %dma_wait3A_30 = tpu.memref_slice %arg4[%add3A_29, %dma_wait3A] : memref<153600x128xf32, #tpu.memory_space<hbm>> -> memref<120x128xf32, #tpu.memory_space<hbm>>
    %dma_wait3A_31 = arith.constant 0 : i32
    %dma_wait3A_32 = tpu.memref_slice %arg4[%add3A_29, %dma_wait3A_31] : memref<153600x128xf32, #tpu.memory_space<hbm>> -> memref<120x128xf32, #tpu.memory_space<hbm>>
    tpu.wait_dma2 semaphore(%arg14 : memref<!tpu.dma_semaphore, #tpu.memory_space<semaphore_mem>>) src(%arg6 : memref<120x128xf32, #tpu.memory_space<vmem>>) dst(%dma_wait3A_32 : memref<120x128xf32, #tpu.memory_space<hbm>>)
    %add3A_33 = arith.constant 4440 : i32
    %add3A_34 = arith.addi %mul3A_2, %add3A_33 : i32
    %dma_wait3A_35 = arith.constant 0 : i32
    %dma_wait3A_36 = tpu.memref_slice %arg4[%add3A_34, %dma_wait3A_35] : memref<153600x128xf32, #tpu.memory_space<hbm>> -> memref<120x128xf32, #tpu.memory_space<hbm>>
    %dma_wait3A_37 = arith.constant 0 : i32
    %dma_wait3A_38 = tpu.memref_slice %arg4[%add3A_34, %dma_wait3A_37] : memref<153600x128xf32, #tpu.memory_space<hbm>> -> memref<120x128xf32, #tpu.memory_space<hbm>>
    tpu.wait_dma2 semaphore(%arg15 : memref<!tpu.dma_semaphore, #tpu.memory_space<semaphore_mem>>) src(%arg7 : memref<120x128xf32, #tpu.memory_space<vmem>>) dst(%dma_wait3A_38 : memref<120x128xf32, #tpu.memory_space<hbm>>)
    %add3A_39 = arith.constant 4560 : i32
    %add3A_40 = arith.addi %mul3A_2, %add3A_39 : i32
    %dma_wait3A_41 = arith.constant 0 : i32
    %dma_wait3A_42 = tpu.memref_slice %arg4[%add3A_40, %dma_wait3A_41] : memref<153600x128xf32, #tpu.memory_space<hbm>> -> memref<120x128xf32, #tpu.memory_space<hbm>>
    %dma_wait3A_43 = arith.constant 0 : i32
    %dma_wait3A_44 = tpu.memref_slice %arg4[%add3A_40, %dma_wait3A_43] : memref<153600x128xf32, #tpu.memory_space<hbm>> -> memref<120x128xf32, #tpu.memory_space<hbm>>
    tpu.wait_dma2 semaphore(%arg16 : memref<!tpu.dma_semaphore, #tpu.memory_space<semaphore_mem>>) src(%arg8 : memref<120x128xf32, #tpu.memory_space<vmem>>) dst(%dma_wait3A_44 : memref<120x128xf32, #tpu.memory_space<hbm>>)
    %add3A_45 = arith.constant 4680 : i32
    %add3A_46 = arith.addi %mul3A_2, %add3A_45 : i32
    %dma_wait3A_47 = arith.constant 0 : i32
    %dma_wait3A_48 = tpu.memref_slice %arg4[%add3A_46, %dma_wait3A_47] : memref<153600x128xf32, #tpu.memory_space<hbm>> -> memref<120x128xf32, #tpu.memory_space<hbm>>
    %dma_wait3A_49 = arith.constant 0 : i32
    %dma_wait3A_50 = tpu.memref_slice %arg4[%add3A_46, %dma_wait3A_49] : memref<153600x128xf32, #tpu.memory_space<hbm>> -> memref<120x128xf32, #tpu.memory_space<hbm>>
    tpu.wait_dma2 semaphore(%arg17 : memref<!tpu.dma_semaphore, #tpu.memory_space<semaphore_mem>>) src(%arg9 : memref<120x128xf32, #tpu.memory_space<vmem>>) dst(%dma_wait3A_50 : memref<120x128xf32, #tpu.memory_space<hbm>>)
    return
  }
}

module attributes {stable_mosaic.version = 14 : i64} {
  func.func @_qkv_body(%arg0: i32, %arg1: memref<256x768xf32, #tpu.memory_space<vmem>>, %arg2: memref<2304x768xf32, #tpu.memory_space<vmem>>, %arg3: memref<1x2304xf32, #tpu.memory_space<vmem>>, %arg4: memref<12x256x64xf32, #tpu.memory_space<vmem>>, %arg5: memref<256x1536xf32, #tpu.memory_space<vmem>>) attributes {dimension_semantics = [#tpu.dimension_semantics<arbitrary>], iteration_bounds = array<i64: 8>, scalar_prefetch = 0 : i64, scratch_operands = 0 : i64, tpu.core_type = #tpu.core_type<tc>, window_params = [{transform_indices = @transform_0, window_bounds = array<i64: 256, 768>}, {pipeline_mode = #tpu.pipeline_mode<synchronous>, transform_indices = @transform_1, window_bounds = array<i64: 2304, 768>}, {pipeline_mode = #tpu.pipeline_mode<synchronous>, transform_indices = @transform_2, window_bounds = array<i64: 1, 2304>}, {transform_indices = @transform_3, window_bounds = array<i64: 12, 256, 64>}, {transform_indices = @transform_4, window_bounds = array<i64: 256, 1536>}]} {
    %get3A = arith.constant 0 : index
    %get3A_0 = arith.constant 0 : index
    %get3A_1 = vector.load %arg1[%get3A, %get3A_0] : memref<256x768xf32, #tpu.memory_space<vmem>>, vector<256x768xf32>
    %get3A_2 = arith.constant 0 : index
    %get3A_3 = arith.constant 0 : index
    %get3A_4 = vector.load %arg2[%get3A_2, %get3A_3] : memref<2304x768xf32, #tpu.memory_space<vmem>>, vector<2304x768xf32>
    %dot_general3A = arith.constant dense<0.000000e+00> : vector<256x2304xf32>
    %dot_general3A_5 = tpu.matmul %get3A_1, %get3A_4, %dot_general3A {dimension_numbers = #tpu.dot_dimension_numbers<[1], [1], [0], [0], [0, 0, 1, 0], [], []>, transpose_lhs_hint = false} : vector<256x768xf32>, vector<2304x768xf32>, vector<256x2304xf32> -> vector<256x2304xf32>
    %get3A_6 = arith.constant 0 : index
    %get3A_7 = arith.constant 0 : index
    %get3A_8 = vector.load %arg3[%get3A_6, %get3A_7] : memref<1x2304xf32, #tpu.memory_space<vmem>>, vector<1x2304xf32>
    %add3A = vector.broadcast %get3A_8 : vector<1x2304xf32> to vector<256x2304xf32>
    %add3A_9 = arith.addf %dot_general3A_5, %add3A : vector<256x2304xf32>
    %slice3A = vector.extract_strided_slice %add3A_9 {offsets = [0, 0], sizes = [256, 64], strides = [1, 1]} : vector<256x2304xf32> to vector<256x64xf32>
    %swap3A = arith.constant 0 : index
    %swap3A_10 = arith.constant 0 : index
    %swap3A_11 = arith.constant 0 : index
    %swap3A_12 = vector.load %arg4[%swap3A, %swap3A_10, %swap3A_11] : memref<12x256x64xf32, #tpu.memory_space<vmem>>, vector<1x256x64xf32>
    %swap3A_13 = vector.shape_cast %swap3A_12 : vector<1x256x64xf32> to vector<256x64xf32>
    %swap3A_14 = vector.shape_cast %slice3A : vector<256x64xf32> to vector<1x256x64xf32>
    tpu.vector_store %arg4[%swap3A, %swap3A_10, %swap3A_11], %swap3A_14 {strides = array<i32>} : memref<12x256x64xf32, #tpu.memory_space<vmem>>, vector<1x256x64xf32>,
    %slice3A_15 = vector.extract_strided_slice %add3A_9 {offsets = [0, 64], sizes = [256, 64], strides = [1, 1]} : vector<256x2304xf32> to vector<256x64xf32>
    %swap3A_16 = arith.constant 1 : index
    %swap3A_17 = arith.constant 0 : index
    %swap3A_18 = arith.constant 0 : index
    %swap3A_19 = vector.load %arg4[%swap3A_16, %swap3A_17, %swap3A_18] : memref<12x256x64xf32, #tpu.memory_space<vmem>>, vector<1x256x64xf32>
    %swap3A_20 = vector.shape_cast %swap3A_19 : vector<1x256x64xf32> to vector<256x64xf32>
    %swap3A_21 = vector.shape_cast %slice3A_15 : vector<256x64xf32> to vector<1x256x64xf32>
    tpu.vector_store %arg4[%swap3A_16, %swap3A_17, %swap3A_18], %swap3A_21 {strides = array<i32>} : memref<12x256x64xf32, #tpu.memory_space<vmem>>, vector<1x256x64xf32>,
    %slice3A_22 = vector.extract_strided_slice %add3A_9 {offsets = [0, 128], sizes = [256, 64], strides = [1, 1]} : vector<256x2304xf32> to vector<256x64xf32>
    %swap3A_23 = arith.constant 2 : index
    %swap3A_24 = arith.constant 0 : index
    %swap3A_25 = arith.constant 0 : index
    %swap3A_26 = vector.load %arg4[%swap3A_23, %swap3A_24, %swap3A_25] : memref<12x256x64xf32, #tpu.memory_space<vmem>>, vector<1x256x64xf32>
    %swap3A_27 = vector.shape_cast %swap3A_26 : vector<1x256x64xf32> to vector<256x64xf32>
    %swap3A_28 = vector.shape_cast %slice3A_22 : vector<256x64xf32> to vector<1x256x64xf32>
    tpu.vector_store %arg4[%swap3A_23, %swap3A_24, %swap3A_25], %swap3A_28 {strides = array<i32>} : memref<12x256x64xf32, #tpu.memory_space<vmem>>, vector<1x256x64xf32>,
    %slice3A_29 = vector.extract_strided_slice %add3A_9 {offsets = [0, 192], sizes = [256, 64], strides = [1, 1]} : vector<256x2304xf32> to vector<256x64xf32>
    %swap3A_30 = arith.constant 3 : index
    %swap3A_31 = arith.constant 0 : index
    %swap3A_32 = arith.constant 0 : index
    %swap3A_33 = vector.load %arg4[%swap3A_30, %swap3A_31, %swap3A_32] : memref<12x256x64xf32, #tpu.memory_space<vmem>>, vector<1x256x64xf32>
    %swap3A_34 = vector.shape_cast %swap3A_33 : vector<1x256x64xf32> to vector<256x64xf32>
    %swap3A_35 = vector.shape_cast %slice3A_29 : vector<256x64xf32> to vector<1x256x64xf32>
    tpu.vector_store %arg4[%swap3A_30, %swap3A_31, %swap3A_32], %swap3A_35 {strides = array<i32>} : memref<12x256x64xf32, #tpu.memory_space<vmem>>, vector<1x256x64xf32>,
    %slice3A_36 = vector.extract_strided_slice %add3A_9 {offsets = [0, 256], sizes = [256, 64], strides = [1, 1]} : vector<256x2304xf32> to vector<256x64xf32>
    %swap3A_37 = arith.constant 4 : index
    %swap3A_38 = arith.constant 0 : index
    %swap3A_39 = arith.constant 0 : index
    %swap3A_40 = vector.load %arg4[%swap3A_37, %swap3A_38, %swap3A_39] : memref<12x256x64xf32, #tpu.memory_space<vmem>>, vector<1x256x64xf32>
    %swap3A_41 = vector.shape_cast %swap3A_40 : vector<1x256x64xf32> to vector<256x64xf32>
    %swap3A_42 = vector.shape_cast %slice3A_36 : vector<256x64xf32> to vector<1x256x64xf32>
    tpu.vector_store %arg4[%swap3A_37, %swap3A_38, %swap3A_39], %swap3A_42 {strides = array<i32>} : memref<12x256x64xf32, #tpu.memory_space<vmem>>, vector<1x256x64xf32>,
    %slice3A_43 = vector.extract_strided_slice %add3A_9 {offsets = [0, 320], sizes = [256, 64], strides = [1, 1]} : vector<256x2304xf32> to vector<256x64xf32>
    %swap3A_44 = arith.constant 5 : index
    %swap3A_45 = arith.constant 0 : index
    %swap3A_46 = arith.constant 0 : index
    %swap3A_47 = vector.load %arg4[%swap3A_44, %swap3A_45, %swap3A_46] : memref<12x256x64xf32, #tpu.memory_space<vmem>>, vector<1x256x64xf32>
    %swap3A_48 = vector.shape_cast %swap3A_47 : vector<1x256x64xf32> to vector<256x64xf32>
    %swap3A_49 = vector.shape_cast %slice3A_43 : vector<256x64xf32> to vector<1x256x64xf32>
    tpu.vector_store %arg4[%swap3A_44, %swap3A_45, %swap3A_46], %swap3A_49 {strides = array<i32>} : memref<12x256x64xf32, #tpu.memory_space<vmem>>, vector<1x256x64xf32>,
    %slice3A_50 = vector.extract_strided_slice %add3A_9 {offsets = [0, 384], sizes = [256, 64], strides = [1, 1]} : vector<256x2304xf32> to vector<256x64xf32>
    %swap3A_51 = arith.constant 6 : index
    %swap3A_52 = arith.constant 0 : index
    %swap3A_53 = arith.constant 0 : index
    %swap3A_54 = vector.load %arg4[%swap3A_51, %swap3A_52, %swap3A_53] : memref<12x256x64xf32, #tpu.memory_space<vmem>>, vector<1x256x64xf32>
    %swap3A_55 = vector.shape_cast %swap3A_54 : vector<1x256x64xf32> to vector<256x64xf32>
    %swap3A_56 = vector.shape_cast %slice3A_50 : vector<256x64xf32> to vector<1x256x64xf32>
    tpu.vector_store %arg4[%swap3A_51, %swap3A_52, %swap3A_53], %swap3A_56 {strides = array<i32>} : memref<12x256x64xf32, #tpu.memory_space<vmem>>, vector<1x256x64xf32>,
    %slice3A_57 = vector.extract_strided_slice %add3A_9 {offsets = [0, 448], sizes = [256, 64], strides = [1, 1]} : vector<256x2304xf32> to vector<256x64xf32>
    %swap3A_58 = arith.constant 7 : index
    %swap3A_59 = arith.constant 0 : index
    %swap3A_60 = arith.constant 0 : index
    %swap3A_61 = vector.load %arg4[%swap3A_58, %swap3A_59, %swap3A_60] : memref<12x256x64xf32, #tpu.memory_space<vmem>>, vector<1x256x64xf32>
    %swap3A_62 = vector.shape_cast %swap3A_61 : vector<1x256x64xf32> to vector<256x64xf32>
    %swap3A_63 = vector.shape_cast %slice3A_57 : vector<256x64xf32> to vector<1x256x64xf32>
    tpu.vector_store %arg4[%swap3A_58, %swap3A_59, %swap3A_60], %swap3A_63 {strides = array<i32>} : memref<12x256x64xf32, #tpu.memory_space<vmem>>, vector<1x256x64xf32>,
    %slice3A_64 = vector.extract_strided_slice %add3A_9 {offsets = [0, 512], sizes = [256, 64], strides = [1, 1]} : vector<256x2304xf32> to vector<256x64xf32>
    %swap3A_65 = arith.constant 8 : index
    %swap3A_66 = arith.constant 0 : index
    %swap3A_67 = arith.constant 0 : index
    %swap3A_68 = vector.load %arg4[%swap3A_65, %swap3A_66, %swap3A_67] : memref<12x256x64xf32, #tpu.memory_space<vmem>>, vector<1x256x64xf32>
    %swap3A_69 = vector.shape_cast %swap3A_68 : vector<1x256x64xf32> to vector<256x64xf32>
    %swap3A_70 = vector.shape_cast %slice3A_64 : vector<256x64xf32> to vector<1x256x64xf32>
    tpu.vector_store %arg4[%swap3A_65, %swap3A_66, %swap3A_67], %swap3A_70 {strides = array<i32>} : memref<12x256x64xf32, #tpu.memory_space<vmem>>, vector<1x256x64xf32>,
    %slice3A_71 = vector.extract_strided_slice %add3A_9 {offsets = [0, 576], sizes = [256, 64], strides = [1, 1]} : vector<256x2304xf32> to vector<256x64xf32>
    %swap3A_72 = arith.constant 9 : index
    %swap3A_73 = arith.constant 0 : index
    %swap3A_74 = arith.constant 0 : index
    %swap3A_75 = vector.load %arg4[%swap3A_72, %swap3A_73, %swap3A_74] : memref<12x256x64xf32, #tpu.memory_space<vmem>>, vector<1x256x64xf32>
    %swap3A_76 = vector.shape_cast %swap3A_75 : vector<1x256x64xf32> to vector<256x64xf32>
    %swap3A_77 = vector.shape_cast %slice3A_71 : vector<256x64xf32> to vector<1x256x64xf32>
    tpu.vector_store %arg4[%swap3A_72, %swap3A_73, %swap3A_74], %swap3A_77 {strides = array<i32>} : memref<12x256x64xf32, #tpu.memory_space<vmem>>, vector<1x256x64xf32>,
    %slice3A_78 = vector.extract_strided_slice %add3A_9 {offsets = [0, 640], sizes = [256, 64], strides = [1, 1]} : vector<256x2304xf32> to vector<256x64xf32>
    %swap3A_79 = arith.constant 10 : index
    %swap3A_80 = arith.constant 0 : index
    %swap3A_81 = arith.constant 0 : index
    %swap3A_82 = vector.load %arg4[%swap3A_79, %swap3A_80, %swap3A_81] : memref<12x256x64xf32, #tpu.memory_space<vmem>>, vector<1x256x64xf32>
    %swap3A_83 = vector.shape_cast %swap3A_82 : vector<1x256x64xf32> to vector<256x64xf32>
    %swap3A_84 = vector.shape_cast %slice3A_78 : vector<256x64xf32> to vector<1x256x64xf32>
    tpu.vector_store %arg4[%swap3A_79, %swap3A_80, %swap3A_81], %swap3A_84 {strides = array<i32>} : memref<12x256x64xf32, #tpu.memory_space<vmem>>, vector<1x256x64xf32>,
    %slice3A_85 = vector.extract_strided_slice %add3A_9 {offsets = [0, 704], sizes = [256, 64], strides = [1, 1]} : vector<256x2304xf32> to vector<256x64xf32>
    %swap3A_86 = arith.constant 11 : index
    %swap3A_87 = arith.constant 0 : index
    %swap3A_88 = arith.constant 0 : index
    %swap3A_89 = vector.load %arg4[%swap3A_86, %swap3A_87, %swap3A_88] : memref<12x256x64xf32, #tpu.memory_space<vmem>>, vector<1x256x64xf32>
    %swap3A_90 = vector.shape_cast %swap3A_89 : vector<1x256x64xf32> to vector<256x64xf32>
    %swap3A_91 = vector.shape_cast %slice3A_85 : vector<256x64xf32> to vector<1x256x64xf32>
    tpu.vector_store %arg4[%swap3A_86, %swap3A_87, %swap3A_88], %swap3A_91 {strides = array<i32>} : memref<12x256x64xf32, #tpu.memory_space<vmem>>, vector<1x256x64xf32>,
    %slice3A_92 = vector.extract_strided_slice %add3A_9 {offsets = [0, 768], sizes = [256, 1536], strides = [1, 1]} : vector<256x2304xf32> to vector<256x1536xf32>
    %swap3A_93 = arith.constant 0 : index
    %swap3A_94 = arith.constant 0 : index
    %swap3A_95 = vector.load %arg5[%swap3A_93, %swap3A_94] : memref<256x1536xf32, #tpu.memory_space<vmem>>, vector<256x1536xf32>
    tpu.vector_store %arg5[%swap3A_93, %swap3A_94], %slice3A_92 {strides = array<i32>} : memref<256x1536xf32, #tpu.memory_space<vmem>>, vector<256x1536xf32>,
    return
  }
  func.func @transform_0(%arg0: i32) -> (i32, i32) {
    %c0_i32 = arith.constant 0 : i32
    %c0_i32_0 = arith.constant 0 : i32
    return %arg0, %c0_i32 : i32, i32
  }
  func.func @transform_1(%arg0: i32) -> (i32, i32) {
    %c0_i32 = arith.constant 0 : i32
    %c0_i32_0 = arith.constant 0 : i32
    %c0_i32_1 = arith.constant 0 : i32
    return %c0_i32, %c0_i32_0 : i32, i32
  }
  func.func @transform_2(%arg0: i32) -> (i32, i32) {
    %c0_i32 = arith.constant 0 : i32
    %c0_i32_0 = arith.constant 0 : i32
    %c0_i32_1 = arith.constant 0 : i32
    return %c0_i32, %c0_i32_0 : i32, i32
  }
  func.func @transform_3(%arg0: i32) -> (i32, i32, i32) {
    %c0_i32 = arith.constant 0 : i32
    %c0_i32_0 = arith.constant 0 : i32
    %c0_i32_1 = arith.constant 0 : i32
    return %c0_i32, %arg0, %c0_i32_0 : i32, i32, i32
  }
  func.func @transform_4(%arg0: i32) -> (i32, i32) {
    %c0_i32 = arith.constant 0 : i32
    %c0_i32_0 = arith.constant 0 : i32
    return %arg0, %c0_i32 : i32, i32
  }
}

module attributes {stable_mosaic.version = 14 : i64} {
  func.func @_mlp_body(%arg0: i32, %arg1: memref<1x768xf32, #tpu.memory_space<vmem>>, %arg2: memref<1x768xf32, #tpu.memory_space<vmem>>, %arg3: memref<768x768xf32, #tpu.memory_space<vmem>>, %arg4: memref<1x768xf32, #tpu.memory_space<vmem>>, %arg5: memref<12x768xf32, #tpu.memory_space<vmem>>, %arg6: memref<1x12xf32, #tpu.memory_space<vmem>>, %arg7: memref<1024x12xf32, #tpu.memory_space<vmem>>) attributes {dimension_semantics = [#tpu.dimension_semantics<arbitrary>], iteration_bounds = array<i64: 4>, scalar_prefetch = 0 : i64, scratch_operands = 0 : i64, tpu.core_type = #tpu.core_type<tc>, window_params = [{pipeline_mode = #tpu.pipeline_mode<synchronous>, transform_indices = @transform_0, window_bounds = array<i64: 1, 768>}, {pipeline_mode = #tpu.pipeline_mode<synchronous>, transform_indices = @transform_1, window_bounds = array<i64: 1, 768>}, {pipeline_mode = #tpu.pipeline_mode<synchronous>, transform_indices = @transform_2, window_bounds = array<i64: 768, 768>}, {pipeline_mode = #tpu.pipeline_mode<synchronous>, transform_indices = @transform_3, window_bounds = array<i64: 1, 768>}, {pipeline_mode = #tpu.pipeline_mode<synchronous>, transform_indices = @transform_4, window_bounds = array<i64: 12, 768>}, {pipeline_mode = #tpu.pipeline_mode<synchronous>, transform_indices = @transform_5, window_bounds = array<i64: 1, 12>}, {transform_indices = @transform_6, window_bounds = array<i64: 1024, 12>}]} {
    %iota3A = tpu.iota {dimensions = array<i32: 0>} : vector<1024x768xi32>
    %convert_element_type3A = arith.sitofp %iota3A : vector<1024x768xi32> to vector<1024x768xf32>
    %mul3A = arith.constant 1024 : i32
    %mul3A_0 = arith.muli %arg0, %mul3A : i32
    %sub3A = arith.constant 2047 : i32
    %sub3A_1 = arith.subi %mul3A_0, %sub3A : i32
    %convert_element_type3A_2 = arith.sitofp %sub3A_1 : i32 to f32
    %add3A = vector.broadcast %convert_element_type3A_2 : f32 to vector<1024x768xf32>
    %add3A_3 = arith.addf %convert_element_type3A, %add3A : vector<1024x768xf32>
    %get3A = arith.constant 0 : index
    %get3A_4 = arith.constant 0 : index
    %get3A_5 = vector.load %arg1[%get3A, %get3A_4] : memref<1x768xf32, #tpu.memory_space<vmem>>, vector<1x768xf32>
    %mul3A_6 = vector.broadcast %get3A_5 : vector<1x768xf32> to vector<1024x768xf32>
    %mul3A_7 = arith.mulf %add3A_3, %mul3A_6 : vector<1024x768xf32>
    %get3A_8 = arith.constant 0 : index
    %get3A_9 = arith.constant 0 : index
    %get3A_10 = vector.load %arg2[%get3A_8, %get3A_9] : memref<1x768xf32, #tpu.memory_space<vmem>>, vector<1x768xf32>
    %add3A_11 = vector.broadcast %get3A_10 : vector<1x768xf32> to vector<1024x768xf32>
    %add3A_12 = arith.addf %mul3A_7, %add3A_11 : vector<1024x768xf32>
    %max3A = arith.constant 0.000000e+00 : f32
    %max3A_13 = vector.broadcast %max3A : f32 to vector<1024x768xf32>
    %max3A_14 = arith.maximumf %add3A_12, %max3A_13 : vector<1024x768xf32>
    %get3A_15 = arith.constant 0 : index
    %get3A_16 = arith.constant 0 : index
    %get3A_17 = vector.load %arg3[%get3A_15, %get3A_16] : memref<768x768xf32, #tpu.memory_space<vmem>>, vector<768x768xf32>
    %dot_general3A = arith.constant dense<0.000000e+00> : vector<1024x768xf32>
    %dot_general3A_18 = tpu.matmul %max3A_14, %get3A_17, %dot_general3A {dimension_numbers = #tpu.dot_dimension_numbers<[1], [1], [0], [0], [0, 0, 1, 0], [], []>, transpose_lhs_hint = false} : vector<1024x768xf32>, vector<768x768xf32>, vector<1024x768xf32> -> vector<1024x768xf32>
    %get3A_19 = arith.constant 0 : index
    %get3A_20 = arith.constant 0 : index
    %get3A_21 = vector.load %arg4[%get3A_19, %get3A_20] : memref<1x768xf32, #tpu.memory_space<vmem>>, vector<1x768xf32>
    %add3A_22 = vector.broadcast %get3A_21 : vector<1x768xf32> to vector<1024x768xf32>
    %add3A_23 = arith.addf %dot_general3A_18, %add3A_22 : vector<1024x768xf32>
    %max3A_24 = arith.constant 0.000000e+00 : f32
    %max3A_25 = vector.broadcast %max3A_24 : f32 to vector<1024x768xf32>
    %max3A_26 = arith.maximumf %add3A_23, %max3A_25 : vector<1024x768xf32>
    %get3A_27 = arith.constant 0 : index
    %get3A_28 = arith.constant 0 : index
    %get3A_29 = vector.load %arg5[%get3A_27, %get3A_28] : memref<12x768xf32, #tpu.memory_space<vmem>>, vector<12x768xf32>
    %dot_general3A_30 = arith.constant dense<0.000000e+00> : vector<1024x12xf32>
    %dot_general3A_31 = tpu.matmul %max3A_26, %get3A_29, %dot_general3A_30 {dimension_numbers = #tpu.dot_dimension_numbers<[1], [1], [0], [0], [0, 0, 1, 0], [], []>, transpose_lhs_hint = false} : vector<1024x768xf32>, vector<12x768xf32>, vector<1024x12xf32> -> vector<1024x12xf32>
    %get3A_32 = arith.constant 0 : index
    %get3A_33 = arith.constant 0 : index
    %get3A_34 = vector.load %arg6[%get3A_32, %get3A_33] : memref<1x12xf32, #tpu.memory_space<vmem>>, vector<1x12xf32>
    %add3A_35 = vector.broadcast %get3A_34 : vector<1x12xf32> to vector<1024x12xf32>
    %add3A_36 = arith.addf %dot_general3A_31, %add3A_35 : vector<1024x12xf32>
    %swap3A = arith.constant 0 : index
    %swap3A_37 = arith.constant 0 : index
    %swap3A_38 = vector.load %arg7[%swap3A, %swap3A_37] : memref<1024x12xf32, #tpu.memory_space<vmem>>, vector<1024x12xf32>
    tpu.vector_store %arg7[%swap3A, %swap3A_37], %add3A_36 {strides = array<i32>} : memref<1024x12xf32, #tpu.memory_space<vmem>>, vector<1024x12xf32>,
    return
  }
  func.func @transform_0(%arg0: i32) -> (i32, i32) {
    %c0_i32 = arith.constant 0 : i32
    %c0_i32_0 = arith.constant 0 : i32
    %c0_i32_1 = arith.constant 0 : i32
    return %c0_i32, %c0_i32_0 : i32, i32
  }
  func.func @transform_1(%arg0: i32) -> (i32, i32) {
    %c0_i32 = arith.constant 0 : i32
    %c0_i32_0 = arith.constant 0 : i32
    %c0_i32_1 = arith.constant 0 : i32
    return %c0_i32, %c0_i32_0 : i32, i32
  }
  func.func @transform_2(%arg0: i32) -> (i32, i32) {
    %c0_i32 = arith.constant 0 : i32
    %c0_i32_0 = arith.constant 0 : i32
    %c0_i32_1 = arith.constant 0 : i32
    return %c0_i32, %c0_i32_0 : i32, i32
  }
  func.func @transform_3(%arg0: i32) -> (i32, i32) {
    %c0_i32 = arith.constant 0 : i32
    %c0_i32_0 = arith.constant 0 : i32
    %c0_i32_1 = arith.constant 0 : i32
    return %c0_i32, %c0_i32_0 : i32, i32
  }
  func.func @transform_4(%arg0: i32) -> (i32, i32) {
    %c0_i32 = arith.constant 0 : i32
    %c0_i32_0 = arith.constant 0 : i32
    %c0_i32_1 = arith.constant 0 : i32
    return %c0_i32, %c0_i32_0 : i32, i32
  }
  func.func @transform_5(%arg0: i32) -> (i32, i32) {
    %c0_i32 = arith.constant 0 : i32
    %c0_i32_0 = arith.constant 0 : i32
    %c0_i32_1 = arith.constant 0 : i32
    return %c0_i32, %c0_i32_0 : i32, i32
  }
  func.func @transform_6(%arg0: i32) -> (i32, i32) {
    %c0_i32 = arith.constant 0 : i32
    %c0_i32_0 = arith.constant 0 : i32
    return %arg0, %c0_i32 : i32, i32
  }
}

module attributes {stable_mosaic.version = 14 : i64} {
  func.func @_attn_body(%arg0: i32, %arg1: i32, %arg2: memref<1x128x64xf32, #tpu.memory_space<vmem>>, %arg3: memref<1600x128xf32, #tpu.memory_space<vmem>>, %arg4: memref<1x4x1600xf32, #tpu.memory_space<vmem>>, %arg5: memref<128x1600xf32, #tpu.memory_space<vmem>>, %arg6: memref<128x4xf32, #tpu.memory_space<vmem>>, %arg7: memref<1x128x64xf32, #tpu.memory_space<vmem>>) attributes {dimension_semantics = [#tpu.dimension_semantics<arbitrary>, #tpu.dimension_semantics<arbitrary>], iteration_bounds = array<i64: 6, 16>, scalar_prefetch = 0 : i64, scratch_operands = 0 : i64, tpu.core_type = #tpu.core_type<tc>, window_params = [{transform_indices = @transform_0, window_bounds = array<i64: 1, 128, 64>}, {transform_indices = @transform_1, window_bounds = array<i64: 1600, 128>}, {transform_indices = @transform_2, window_bounds = array<i64: 1, 4, 1600>}, {pipeline_mode = #tpu.pipeline_mode<synchronous>, transform_indices = @transform_3, window_bounds = array<i64: 128, 1600>}, {pipeline_mode = #tpu.pipeline_mode<synchronous>, transform_indices = @transform_4, window_bounds = array<i64: 128, 4>}, {transform_indices = @transform_5, window_bounds = array<i64: 1, 128, 64>}]} {
    %get3A = arith.constant 0 : index
    %get3A_0 = arith.constant 0 : index
    %get3A_1 = arith.constant 0 : index
    %get3A_2 = vector.load %arg2[%get3A, %get3A_0, %get3A_1] : memref<1x128x64xf32, #tpu.memory_space<vmem>>, vector<1x128x64xf32>
    %reshape3A = vector.shape_cast %get3A_2 : vector<1x128x64xf32> to vector<128x64xf32>
    %get3A_3 = arith.constant 0 : index
    %get3A_4 = arith.constant 0 : index
    %get3A_5 = vector.load %arg3[%get3A_3, %get3A_4] : memref<1600x128xf32, #tpu.memory_space<vmem>>, vector<1600x128xf32>
    %slice3A = vector.extract_strided_slice %get3A_5 {offsets = [0, 0], sizes = [1600, 64], strides = [1, 1]} : vector<1600x128xf32> to vector<1600x64xf32>
    %slice3A_6 = vector.extract_strided_slice %get3A_5 {offsets = [0, 64], sizes = [1600, 64], strides = [1, 1]} : vector<1600x128xf32> to vector<1600x64xf32>
    %dot_general3A = arith.constant dense<0.000000e+00> : vector<128x1600xf32>
    %dot_general3A_7 = tpu.matmul %reshape3A, %slice3A, %dot_general3A {dimension_numbers = #tpu.dot_dimension_numbers<[1], [1], [0], [0], [0, 0, 1, 0], [], []>, transpose_lhs_hint = false} : vector<128x64xf32>, vector<1600x64xf32>, vector<128x1600xf32> -> vector<128x1600xf32>
    %mul3A = arith.constant 1.250000e-01 : f32
    %mul3A_8 = vector.broadcast %mul3A : f32 to vector<128x1600xf32>
    %mul3A_9 = arith.mulf %dot_general3A_7, %mul3A_8 : vector<128x1600xf32>
    %get3A_10 = arith.constant 0 : index
    %get3A_11 = arith.constant 0 : index
    %get3A_12 = arith.constant 0 : index
    %get3A_13 = vector.load %arg4[%get3A_10, %get3A_11, %get3A_12] : memref<1x4x1600xf32, #tpu.memory_space<vmem>>, vector<1x4x1600xf32>
    %reshape3A_14 = vector.shape_cast %get3A_13 : vector<1x4x1600xf32> to vector<4x1600xf32>
    %get3A_15 = arith.constant 0 : index
    %get3A_16 = arith.constant 0 : index
    %get3A_17 = vector.load %arg6[%get3A_15, %get3A_16] : memref<128x4xf32, #tpu.memory_space<vmem>>, vector<128x4xf32>
    %dot_general3A_18 = arith.constant dense<0.000000e+00> : vector<128x1600xf32>
    %dot_general3A_19 = tpu.matmul %get3A_17, %reshape3A_14, %dot_general3A_18 {dimension_numbers = #tpu.dot_dimension_numbers<[1], [0], [0], [1], [0, 0, 1, 1], [], []>, transpose_lhs_hint = false} : vector<128x4xf32>, vector<4x1600xf32>, vector<128x1600xf32> -> vector<128x1600xf32>
    %add3A = arith.addf %mul3A_9, %dot_general3A_19 : vector<128x1600xf32>
    %get3A_20 = arith.constant 0 : index
    %get3A_21 = arith.constant 0 : index
    %get3A_22 = vector.load %arg5[%get3A_20, %get3A_21] : memref<128x1600xf32, #tpu.memory_space<vmem>>, vector<128x1600xf32>
    %add3A_23 = arith.addf %add3A, %get3A_22 : vector<128x1600xf32>
    %reduce_max3A = arith.constant dense<0xFF800000> : vector<128xf32>
    %reduce_max3A_24 = vector.multi_reduction <maximumf>, %add3A_23, %reduce_max3A [1] : vector<128x1600xf32> to vector<128xf32>
    %broadcast_in_dim3A = vector.shape_cast %reduce_max3A_24 : vector<128xf32> to vector<128x1xf32>
    %sub3A = vector.broadcast %broadcast_in_dim3A : vector<128x1xf32> to vector<128x1600xf32>
    %sub3A_25 = arith.subf %add3A_23, %sub3A : vector<128x1600xf32>
    %exp3A = math.exp %sub3A_25 : vector<128x1600xf32>
    %reduce_sum3A = arith.constant dense<0.000000e+00> : vector<128xf32>
    %reduce_sum3A_26 = vector.multi_reduction <add>, %exp3A, %reduce_sum3A [1] : vector<128x1600xf32> to vector<128xf32>
    %broadcast_in_dim3A_27 = vector.shape_cast %reduce_sum3A_26 : vector<128xf32> to vector<128x1xf32>
    %div3A = vector.broadcast %broadcast_in_dim3A_27 : vector<128x1xf32> to vector<128x1600xf32>
    %div3A_28 = arith.divf %exp3A, %div3A : vector<128x1600xf32>
    %dot_general3A_29 = arith.constant dense<0.000000e+00> : vector<128x64xf32>
    %dot_general3A_30 = tpu.matmul %div3A_28, %slice3A_6, %dot_general3A_29 {dimension_numbers = #tpu.dot_dimension_numbers<[1], [0], [0], [1], [0, 0, 1, 1], [], []>, transpose_lhs_hint = false} : vector<128x1600xf32>, vector<1600x64xf32>, vector<128x64xf32> -> vector<128x64xf32>
    %reshape3A_31 = vector.shape_cast %dot_general3A_30 : vector<128x64xf32> to vector<1x128x64xf32>
    %swap3A = arith.constant 0 : index
    %swap3A_32 = arith.constant 0 : index
    %swap3A_33 = arith.constant 0 : index
    %swap3A_34 = vector.load %arg7[%swap3A, %swap3A_32, %swap3A_33] : memref<1x128x64xf32, #tpu.memory_space<vmem>>, vector<1x128x64xf32>
    tpu.vector_store %arg7[%swap3A, %swap3A_32, %swap3A_33], %reshape3A_31 {strides = array<i32>} : memref<1x128x64xf32, #tpu.memory_space<vmem>>, vector<1x128x64xf32>,
    return
  }
  func.func @transform_0(%arg0: i32, %arg1: i32) -> (i32, i32, i32) {
    %add3A = arith.constant 6 : i32
    %add3A_0 = arith.addi %add3A, %arg0 : i32
    %c0_i32 = arith.constant 0 : i32
    %c0_i32_1 = arith.constant 0 : i32
    return %add3A_0, %arg1, %c0_i32 : i32, i32, i32
  }
  func.func @transform_1(%arg0: i32, %arg1: i32) -> (i32, i32) {
    %mul3A = arith.constant 16 : i32
    %mul3A_0 = arith.muli %arg0, %mul3A : i32
    %add3A = arith.addi %mul3A_0, %arg1 : i32
    %c0_i32 = arith.constant 0 : i32
    %c0_i32_1 = arith.constant 0 : i32
    return %add3A, %c0_i32 : i32, i32
  }
  func.func @transform_2(%arg0: i32, %arg1: i32) -> (i32, i32, i32) {
    %add3A = arith.constant 6 : i32
    %add3A_0 = arith.addi %add3A, %arg0 : i32
    %mul3A = arith.constant 16 : i32
    %mul3A_1 = arith.muli %add3A_0, %mul3A : i32
    %add3A_2 = arith.addi %mul3A_1, %arg1 : i32
    %c0_i32 = arith.constant 0 : i32
    %c0_i32_3 = arith.constant 0 : i32
    %c0_i32_4 = arith.constant 0 : i32
    return %add3A_2, %c0_i32, %c0_i32_3 : i32, i32, i32
  }
  func.func @transform_3(%arg0: i32, %arg1: i32) -> (i32, i32) {
    %c0_i32 = arith.constant 0 : i32
    %c0_i32_0 = arith.constant 0 : i32
    %c0_i32_1 = arith.constant 0 : i32
    return %c0_i32, %c0_i32_0 : i32, i32
  }
  func.func @transform_4(%arg0: i32, %arg1: i32) -> (i32, i32) {
    %c0_i32 = arith.constant 0 : i32
    %c0_i32_0 = arith.constant 0 : i32
    %c0_i32_1 = arith.constant 0 : i32
    return %c0_i32, %c0_i32_0 : i32, i32
  }
  func.func @transform_5(%arg0: i32, %arg1: i32) -> (i32, i32, i32) {
    %c0_i32 = arith.constant 0 : i32
    %c0_i32_0 = arith.constant 0 : i32
    return %arg0, %arg1, %c0_i32 : i32, i32, i32
  }
}

module attributes {stable_mosaic.version = 14 : i64} {
  func.func @_attn_body(%arg0: i32, %arg1: i32, %arg2: memref<1x128x64xf32, #tpu.memory_space<vmem>>, %arg3: memref<1600x128xf32, #tpu.memory_space<vmem>>, %arg4: memref<1x4x1600xf32, #tpu.memory_space<vmem>>, %arg5: memref<128x1600xf32, #tpu.memory_space<vmem>>, %arg6: memref<128x4xf32, #tpu.memory_space<vmem>>, %arg7: memref<1x128x64xf32, #tpu.memory_space<vmem>>) attributes {dimension_semantics = [#tpu.dimension_semantics<arbitrary>, #tpu.dimension_semantics<arbitrary>], iteration_bounds = array<i64: 6, 16>, scalar_prefetch = 0 : i64, scratch_operands = 0 : i64, tpu.core_type = #tpu.core_type<tc>, window_params = [{transform_indices = @transform_0, window_bounds = array<i64: 1, 128, 64>}, {transform_indices = @transform_1, window_bounds = array<i64: 1600, 128>}, {transform_indices = @transform_2, window_bounds = array<i64: 1, 4, 1600>}, {pipeline_mode = #tpu.pipeline_mode<synchronous>, transform_indices = @transform_3, window_bounds = array<i64: 128, 1600>}, {pipeline_mode = #tpu.pipeline_mode<synchronous>, transform_indices = @transform_4, window_bounds = array<i64: 128, 4>}, {transform_indices = @transform_5, window_bounds = array<i64: 1, 128, 64>}]} {
    %get3A = arith.constant 0 : index
    %get3A_0 = arith.constant 0 : index
    %get3A_1 = arith.constant 0 : index
    %get3A_2 = vector.load %arg2[%get3A, %get3A_0, %get3A_1] : memref<1x128x64xf32, #tpu.memory_space<vmem>>, vector<1x128x64xf32>
    %reshape3A = vector.shape_cast %get3A_2 : vector<1x128x64xf32> to vector<128x64xf32>
    %get3A_3 = arith.constant 0 : index
    %get3A_4 = arith.constant 0 : index
    %get3A_5 = vector.load %arg3[%get3A_3, %get3A_4] : memref<1600x128xf32, #tpu.memory_space<vmem>>, vector<1600x128xf32>
    %slice3A = vector.extract_strided_slice %get3A_5 {offsets = [0, 0], sizes = [1600, 64], strides = [1, 1]} : vector<1600x128xf32> to vector<1600x64xf32>
    %slice3A_6 = vector.extract_strided_slice %get3A_5 {offsets = [0, 64], sizes = [1600, 64], strides = [1, 1]} : vector<1600x128xf32> to vector<1600x64xf32>
    %dot_general3A = arith.constant dense<0.000000e+00> : vector<128x1600xf32>
    %dot_general3A_7 = tpu.matmul %reshape3A, %slice3A, %dot_general3A {dimension_numbers = #tpu.dot_dimension_numbers<[1], [1], [0], [0], [0, 0, 1, 0], [], []>, transpose_lhs_hint = false} : vector<128x64xf32>, vector<1600x64xf32>, vector<128x1600xf32> -> vector<128x1600xf32>
    %mul3A = arith.constant 1.250000e-01 : f32
    %mul3A_8 = vector.broadcast %mul3A : f32 to vector<128x1600xf32>
    %mul3A_9 = arith.mulf %dot_general3A_7, %mul3A_8 : vector<128x1600xf32>
    %get3A_10 = arith.constant 0 : index
    %get3A_11 = arith.constant 0 : index
    %get3A_12 = arith.constant 0 : index
    %get3A_13 = vector.load %arg4[%get3A_10, %get3A_11, %get3A_12] : memref<1x4x1600xf32, #tpu.memory_space<vmem>>, vector<1x4x1600xf32>
    %reshape3A_14 = vector.shape_cast %get3A_13 : vector<1x4x1600xf32> to vector<4x1600xf32>
    %get3A_15 = arith.constant 0 : index
    %get3A_16 = arith.constant 0 : index
    %get3A_17 = vector.load %arg6[%get3A_15, %get3A_16] : memref<128x4xf32, #tpu.memory_space<vmem>>, vector<128x4xf32>
    %dot_general3A_18 = arith.constant dense<0.000000e+00> : vector<128x1600xf32>
    %dot_general3A_19 = tpu.matmul %get3A_17, %reshape3A_14, %dot_general3A_18 {dimension_numbers = #tpu.dot_dimension_numbers<[1], [0], [0], [1], [0, 0, 1, 1], [], []>, transpose_lhs_hint = false} : vector<128x4xf32>, vector<4x1600xf32>, vector<128x1600xf32> -> vector<128x1600xf32>
    %add3A = arith.addf %mul3A_9, %dot_general3A_19 : vector<128x1600xf32>
    %get3A_20 = arith.constant 0 : index
    %get3A_21 = arith.constant 0 : index
    %get3A_22 = vector.load %arg5[%get3A_20, %get3A_21] : memref<128x1600xf32, #tpu.memory_space<vmem>>, vector<128x1600xf32>
    %add3A_23 = arith.addf %add3A, %get3A_22 : vector<128x1600xf32>
    %reduce_max3A = arith.constant dense<0xFF800000> : vector<128xf32>
    %reduce_max3A_24 = vector.multi_reduction <maximumf>, %add3A_23, %reduce_max3A [1] : vector<128x1600xf32> to vector<128xf32>
    %broadcast_in_dim3A = vector.shape_cast %reduce_max3A_24 : vector<128xf32> to vector<128x1xf32>
    %sub3A = vector.broadcast %broadcast_in_dim3A : vector<128x1xf32> to vector<128x1600xf32>
    %sub3A_25 = arith.subf %add3A_23, %sub3A : vector<128x1600xf32>
    %exp3A = math.exp %sub3A_25 : vector<128x1600xf32>
    %reduce_sum3A = arith.constant dense<0.000000e+00> : vector<128xf32>
    %reduce_sum3A_26 = vector.multi_reduction <add>, %exp3A, %reduce_sum3A [1] : vector<128x1600xf32> to vector<128xf32>
    %broadcast_in_dim3A_27 = vector.shape_cast %reduce_sum3A_26 : vector<128xf32> to vector<128x1xf32>
    %div3A = vector.broadcast %broadcast_in_dim3A_27 : vector<128x1xf32> to vector<128x1600xf32>
    %div3A_28 = arith.divf %exp3A, %div3A : vector<128x1600xf32>
    %dot_general3A_29 = arith.constant dense<0.000000e+00> : vector<128x64xf32>
    %dot_general3A_30 = tpu.matmul %div3A_28, %slice3A_6, %dot_general3A_29 {dimension_numbers = #tpu.dot_dimension_numbers<[1], [0], [0], [1], [0, 0, 1, 1], [], []>, transpose_lhs_hint = false} : vector<128x1600xf32>, vector<1600x64xf32>, vector<128x64xf32> -> vector<128x64xf32>
    %reshape3A_31 = vector.shape_cast %dot_general3A_30 : vector<128x64xf32> to vector<1x128x64xf32>
    %swap3A = arith.constant 0 : index
    %swap3A_32 = arith.constant 0 : index
    %swap3A_33 = arith.constant 0 : index
    %swap3A_34 = vector.load %arg7[%swap3A, %swap3A_32, %swap3A_33] : memref<1x128x64xf32, #tpu.memory_space<vmem>>, vector<1x128x64xf32>
    tpu.vector_store %arg7[%swap3A, %swap3A_32, %swap3A_33], %reshape3A_31 {strides = array<i32>} : memref<1x128x64xf32, #tpu.memory_space<vmem>>, vector<1x128x64xf32>,
    return
  }
  func.func @transform_0(%arg0: i32, %arg1: i32) -> (i32, i32, i32) {
    %add3A = arith.constant 0 : i32
    %add3A_0 = arith.addi %add3A, %arg0 : i32
    %c0_i32 = arith.constant 0 : i32
    %c0_i32_1 = arith.constant 0 : i32
    return %add3A_0, %arg1, %c0_i32 : i32, i32, i32
  }
  func.func @transform_1(%arg0: i32, %arg1: i32) -> (i32, i32) {
    %mul3A = arith.constant 16 : i32
    %mul3A_0 = arith.muli %arg0, %mul3A : i32
    %add3A = arith.addi %mul3A_0, %arg1 : i32
    %c0_i32 = arith.constant 0 : i32
    %c0_i32_1 = arith.constant 0 : i32
    return %add3A, %c0_i32 : i32, i32
  }
  func.func @transform_2(%arg0: i32, %arg1: i32) -> (i32, i32, i32) {
    %add3A = arith.constant 0 : i32
    %add3A_0 = arith.addi %add3A, %arg0 : i32
    %mul3A = arith.constant 16 : i32
    %mul3A_1 = arith.muli %add3A_0, %mul3A : i32
    %add3A_2 = arith.addi %mul3A_1, %arg1 : i32
    %c0_i32 = arith.constant 0 : i32
    %c0_i32_3 = arith.constant 0 : i32
    %c0_i32_4 = arith.constant 0 : i32
    return %add3A_2, %c0_i32, %c0_i32_3 : i32, i32, i32
  }
  func.func @transform_3(%arg0: i32, %arg1: i32) -> (i32, i32) {
    %c0_i32 = arith.constant 0 : i32
    %c0_i32_0 = arith.constant 0 : i32
    %c0_i32_1 = arith.constant 0 : i32
    return %c0_i32, %c0_i32_0 : i32, i32
  }
  func.func @transform_4(%arg0: i32, %arg1: i32) -> (i32, i32) {
    %c0_i32 = arith.constant 0 : i32
    %c0_i32_0 = arith.constant 0 : i32
    %c0_i32_1 = arith.constant 0 : i32
    return %c0_i32, %c0_i32_0 : i32, i32
  }
  func.func @transform_5(%arg0: i32, %arg1: i32) -> (i32, i32, i32) {
    %c0_i32 = arith.constant 0 : i32
    %c0_i32_0 = arith.constant 0 : i32
    return %arg0, %arg1, %c0_i32 : i32, i32, i32
  }
}

module attributes {stable_mosaic.version = 14 : i64} {
  func.func @_proj_body(%arg0: i32, %arg1: memref<6x512x64xf32, #tpu.memory_space<vmem>>, %arg2: memref<6x512x64xf32, #tpu.memory_space<vmem>>, %arg3: memref<768x768xf32, #tpu.memory_space<vmem>>, %arg4: memref<1x768xf32, #tpu.memory_space<vmem>>, %arg5: memref<512x768xf32, #tpu.memory_space<vmem>>) attributes {dimension_semantics = [#tpu.dimension_semantics<arbitrary>], iteration_bounds = array<i64: 4>, scalar_prefetch = 0 : i64, scratch_operands = 0 : i64, tpu.core_type = #tpu.core_type<tc>, window_params = [{transform_indices = @transform_0, window_bounds = array<i64: 6, 512, 64>}, {transform_indices = @transform_1, window_bounds = array<i64: 6, 512, 64>}, {pipeline_mode = #tpu.pipeline_mode<synchronous>, transform_indices = @transform_2, window_bounds = array<i64: 768, 768>}, {pipeline_mode = #tpu.pipeline_mode<synchronous>, transform_indices = @transform_3, window_bounds = array<i64: 1, 768>}, {transform_indices = @transform_4, window_bounds = array<i64: 512, 768>}]} {
    %get3A = arith.constant 0 : index
    %get3A_0 = arith.constant 0 : index
    %get3A_1 = arith.constant 0 : index
    %get3A_2 = vector.load %arg1[%get3A, %get3A_0, %get3A_1] : memref<6x512x64xf32, #tpu.memory_space<vmem>>, vector<1x512x64xf32>
    %get3A_3 = vector.shape_cast %get3A_2 : vector<1x512x64xf32> to vector<512x64xf32>
    %get3A_4 = arith.constant 1 : index
    %get3A_5 = arith.constant 0 : index
    %get3A_6 = arith.constant 0 : index
    %get3A_7 = vector.load %arg1[%get3A_4, %get3A_5, %get3A_6] : memref<6x512x64xf32, #tpu.memory_space<vmem>>, vector<1x512x64xf32>
    %get3A_8 = vector.shape_cast %get3A_7 : vector<1x512x64xf32> to vector<512x64xf32>
    %get3A_9 = arith.constant 2 : index
    %get3A_10 = arith.constant 0 : index
    %get3A_11 = arith.constant 0 : index
    %get3A_12 = vector.load %arg1[%get3A_9, %get3A_10, %get3A_11] : memref<6x512x64xf32, #tpu.memory_space<vmem>>, vector<1x512x64xf32>
    %get3A_13 = vector.shape_cast %get3A_12 : vector<1x512x64xf32> to vector<512x64xf32>
    %get3A_14 = arith.constant 3 : index
    %get3A_15 = arith.constant 0 : index
    %get3A_16 = arith.constant 0 : index
    %get3A_17 = vector.load %arg1[%get3A_14, %get3A_15, %get3A_16] : memref<6x512x64xf32, #tpu.memory_space<vmem>>, vector<1x512x64xf32>
    %get3A_18 = vector.shape_cast %get3A_17 : vector<1x512x64xf32> to vector<512x64xf32>
    %get3A_19 = arith.constant 4 : index
    %get3A_20 = arith.constant 0 : index
    %get3A_21 = arith.constant 0 : index
    %get3A_22 = vector.load %arg1[%get3A_19, %get3A_20, %get3A_21] : memref<6x512x64xf32, #tpu.memory_space<vmem>>, vector<1x512x64xf32>
    %get3A_23 = vector.shape_cast %get3A_22 : vector<1x512x64xf32> to vector<512x64xf32>
    %get3A_24 = arith.constant 5 : index
    %get3A_25 = arith.constant 0 : index
    %get3A_26 = arith.constant 0 : index
    %get3A_27 = vector.load %arg1[%get3A_24, %get3A_25, %get3A_26] : memref<6x512x64xf32, #tpu.memory_space<vmem>>, vector<1x512x64xf32>
    %get3A_28 = vector.shape_cast %get3A_27 : vector<1x512x64xf32> to vector<512x64xf32>
    %get3A_29 = arith.constant 0 : index
    %get3A_30 = arith.constant 0 : index
    %get3A_31 = arith.constant 0 : index
    %get3A_32 = vector.load %arg2[%get3A_29, %get3A_30, %get3A_31] : memref<6x512x64xf32, #tpu.memory_space<vmem>>, vector<1x512x64xf32>
    %get3A_33 = vector.shape_cast %get3A_32 : vector<1x512x64xf32> to vector<512x64xf32>
    %get3A_34 = arith.constant 1 : index
    %get3A_35 = arith.constant 0 : index
    %get3A_36 = arith.constant 0 : index
    %get3A_37 = vector.load %arg2[%get3A_34, %get3A_35, %get3A_36] : memref<6x512x64xf32, #tpu.memory_space<vmem>>, vector<1x512x64xf32>
    %get3A_38 = vector.shape_cast %get3A_37 : vector<1x512x64xf32> to vector<512x64xf32>
    %get3A_39 = arith.constant 2 : index
    %get3A_40 = arith.constant 0 : index
    %get3A_41 = arith.constant 0 : index
    %get3A_42 = vector.load %arg2[%get3A_39, %get3A_40, %get3A_41] : memref<6x512x64xf32, #tpu.memory_space<vmem>>, vector<1x512x64xf32>
    %get3A_43 = vector.shape_cast %get3A_42 : vector<1x512x64xf32> to vector<512x64xf32>
    %get3A_44 = arith.constant 3 : index
    %get3A_45 = arith.constant 0 : index
    %get3A_46 = arith.constant 0 : index
    %get3A_47 = vector.load %arg2[%get3A_44, %get3A_45, %get3A_46] : memref<6x512x64xf32, #tpu.memory_space<vmem>>, vector<1x512x64xf32>
    %get3A_48 = vector.shape_cast %get3A_47 : vector<1x512x64xf32> to vector<512x64xf32>
    %get3A_49 = arith.constant 4 : index
    %get3A_50 = arith.constant 0 : index
    %get3A_51 = arith.constant 0 : index
    %get3A_52 = vector.load %arg2[%get3A_49, %get3A_50, %get3A_51] : memref<6x512x64xf32, #tpu.memory_space<vmem>>, vector<1x512x64xf32>
    %get3A_53 = vector.shape_cast %get3A_52 : vector<1x512x64xf32> to vector<512x64xf32>
    %get3A_54 = arith.constant 5 : index
    %get3A_55 = arith.constant 0 : index
    %get3A_56 = arith.constant 0 : index
    %get3A_57 = vector.load %arg2[%get3A_54, %get3A_55, %get3A_56] : memref<6x512x64xf32, #tpu.memory_space<vmem>>, vector<1x512x64xf32>
    %get3A_58 = vector.shape_cast %get3A_57 : vector<1x512x64xf32> to vector<512x64xf32>
    %concatenate3A = tpu.concatenate %get3A_3, %get3A_8, %get3A_13, %get3A_18, %get3A_23, %get3A_28, %get3A_33, %get3A_38, %get3A_43, %get3A_48, %get3A_53, %get3A_58 in 1 : vector<512x64xf32>, vector<512x64xf32>, vector<512x64xf32>, vector<512x64xf32>, vector<512x64xf32>, vector<512x64xf32>, vector<512x64xf32>, vector<512x64xf32>, vector<512x64xf32>, vector<512x64xf32>, vector<512x64xf32>, vector<512x64xf32> -> vector<512x768xf32>
    %get3A_59 = arith.constant 0 : index
    %get3A_60 = arith.constant 0 : index
    %get3A_61 = vector.load %arg3[%get3A_59, %get3A_60] : memref<768x768xf32, #tpu.memory_space<vmem>>, vector<768x768xf32>
    %dot_general3A = arith.constant dense<0.000000e+00> : vector<512x768xf32>
    %dot_general3A_62 = tpu.matmul %concatenate3A, %get3A_61, %dot_general3A {dimension_numbers = #tpu.dot_dimension_numbers<[1], [1], [0], [0], [0, 0, 1, 0], [], []>, transpose_lhs_hint = false} : vector<512x768xf32>, vector<768x768xf32>, vector<512x768xf32> -> vector<512x768xf32>
    %get3A_63 = arith.constant 0 : index
    %get3A_64 = arith.constant 0 : index
    %get3A_65 = vector.load %arg4[%get3A_63, %get3A_64] : memref<1x768xf32, #tpu.memory_space<vmem>>, vector<1x768xf32>
    %add3A = vector.broadcast %get3A_65 : vector<1x768xf32> to vector<512x768xf32>
    %add3A_66 = arith.addf %dot_general3A_62, %add3A : vector<512x768xf32>
    %swap3A = arith.constant 0 : index
    %swap3A_67 = arith.constant 0 : index
    %swap3A_68 = vector.load %arg5[%swap3A, %swap3A_67] : memref<512x768xf32, #tpu.memory_space<vmem>>, vector<512x768xf32>
    tpu.vector_store %arg5[%swap3A, %swap3A_67], %add3A_66 {strides = array<i32>} : memref<512x768xf32, #tpu.memory_space<vmem>>, vector<512x768xf32>,
    return
  }
  func.func @transform_0(%arg0: i32) -> (i32, i32, i32) {
    %c0_i32 = arith.constant 0 : i32
    %c0_i32_0 = arith.constant 0 : i32
    %c0_i32_1 = arith.constant 0 : i32
    return %c0_i32, %arg0, %c0_i32_0 : i32, i32, i32
  }
  func.func @transform_1(%arg0: i32) -> (i32, i32, i32) {
    %c0_i32 = arith.constant 0 : i32
    %c0_i32_0 = arith.constant 0 : i32
    %c0_i32_1 = arith.constant 0 : i32
    return %c0_i32, %arg0, %c0_i32_0 : i32, i32, i32
  }
  func.func @transform_2(%arg0: i32) -> (i32, i32) {
    %c0_i32 = arith.constant 0 : i32
    %c0_i32_0 = arith.constant 0 : i32
    %c0_i32_1 = arith.constant 0 : i32
    return %c0_i32, %c0_i32_0 : i32, i32
  }
  func.func @transform_3(%arg0: i32) -> (i32, i32) {
    %c0_i32 = arith.constant 0 : i32
    %c0_i32_0 = arith.constant 0 : i32
    %c0_i32_1 = arith.constant 0 : i32
    return %c0_i32, %c0_i32_0 : i32, i32
  }
  func.func @transform_4(%arg0: i32) -> (i32, i32) {
    %c0_i32 = arith.constant 0 : i32
    %c0_i32_0 = arith.constant 0 : i32
    return %arg0, %c0_i32 : i32, i32
  }
}

</mosaic_0001>

<sc_bundles>
// kernel: kernel.10.cloned.1.call-start
scs
__scs_entry_jumppad:
0x0: {  	(pc) =	sbr.rel $0x88, $3  }
0x1: {  	(tag) =	ssettag $0x0;
	lr =	simm.s32 $0x1  }
0x2: {  	[smem:$0x3F96] =	sst lr;
	_ =	strace $0xD0000000  }
0x3: {  	_ = 	snop  }
0x4: {  	_ = 	snop  }
0x5: {  	_ = 	snop  }
0x6: {  	_ = 	snop  }
0x7: {  	_ = 	snop  }
__scs_overlays_trampoline_lowered:
0x8: {  	[smem:$0x3FA5] =	sst s0  }
0x9: {  	[smem:$0x3FA6] =	sst s1  }
0xa: {  	[smem:$0x3FA7] =	sst s2  }
0xb: {  	[smem:$0x3FA8] =	sst s3  }
0xc: {  	[smem:$0x3FA9] =	sst s4  }
0xd: {  	[smem:$0x3FAA] =	sst s5  }
0xe: {  	[smem:$0x3FAB] =	sst s6  }
0xf: {  	[smem:$0x3FAC] =	sst s7  }
0x10: {  	[smem:$0x3FAD] =	sst s8  }
0x11: {  	[smem:$0x3FAE] =	sst s9;
	s0 =	simm.s32 @!p0 $0x0  }
0x12: {  	s1 =	sld [smem:$0x3F94];
	s0 =	simm.s32 @p0 $0x1  }
0x13: {  	[smem:$0x3FAF] =	sst s0;
	s0 =	simm.s32 @!p1 $0x0  }
0x14: {  	s2 =	sld [smem:$0x3F93];
	s0 =	simm.s32 @p1 $0x1  }
0x15: {  	[smem:$0x3FB0] =	sst s0;
	s0 =	simm.s32 @!p2 $0x0  }
0x16: {  	s3 =	sld [smem:$0x3FDB];
	s0 =	simm.s32 @p2 $0x1  }
0x17: {  	s4 =	simm.s32 $0x1BF5;
	[smem:$0x3FB2] =	sst s0  }
0x18: {  	s0 =	sld [smem:$0x3F95];
	_ =	swait.ge [sflag:s4], $0x0  }
0x19: {  	s7 =	sld [smem:$0x3F96]  }
0x1a: {  	s8 =	sadd.s32 $0xFFFFE003, lr  }
0x1b: {  	s9 =	sadd.s32 $0xFFFFFEF7, lr;
	s5 =	simm.s32 $0xFFFFFFFF;
	p2 =	slt.u32 s8, $0xFFFFF086  }
0x1c: {  	p1 =	slt.u32 s9, $0xF7A;
	s5 =	simm.s32 @!p2 $0x0  }
0x1d: {  	s5 =	simm.s32 @p1 $0x1;
	p0 =	seq.s32 s7, s2  }
0x1e: {  	s7 =	smul.u32 @!p0 $0xF7A, s2;
	p2 =	seq.s32 @!p0 s5, $0x0  }
0x1f: {  	s9 =	smul.u32 $0xF7A, s1;
	s8 =	simm.s32 @!p0 $0x1BF5;
	p2 =	por !p2, p0  }
0x20: {  	[sflag:s8] =	ssyncset.s32 @!p0 $0xFFFFF086;
	s6 =	sadd.s32 @!p0 s3, s7;
	s7 =	simm.s32 @!p0 $0x108  }
0x21: {  	s3 =	sadd.s32 s3, s9;
	s6 =	sadd.s32 @!p0 $0x88, s6;
	s7 =	simm.s32 @p2 $0x1082  }
0x22: {  	[simem:s7], [sflag:s8] =	dma.local @!p0 [hbm:s6], $0xF7A  }
0x23: {  	s9 =	sor.u32 $0xD0000000, s2;
	s6 =	simm.s32 $0x108;
	_ =	swait.ge @!p0 [sflag:s8], $0x0  }
0x24: {  	s3 =	sadd.s32 $0x88, s3;
	s6 =	simm.s32 @!p1 $0x1082;
	[sflag:s4] =	ssyncset.s32 $0xFFFFF086  }
0x25: {  	[simem:s6], [sflag:s4] =	dma.local [hbm:s3], $0xF7A  }
0x26: {  	[smem:$0x3F96] =	sst s1;
	(tag) =	ssettag s2;
	_ =	strace s9  }
0x27: {  	s1 =	sld [smem:$0x3FA6]  }
0x28: {  	s2 =	sld [smem:$0x3FA7]  }
0x29: {  	s4 =	sld [smem:$0x3FA9]  }
0x2a: {  	p0 =	seq.s32 s5, $0x0;
	s5 =	sld [smem:$0x3FAA]  }
0x2b: {  	s6 =	sld [smem:$0x3FAB]  }
0x2c: {  	s7 =	sld [smem:$0x3FAC]  }
0x2d: {  	s3 =	simm.s32 $0x108;
	s8 =	sld [smem:$0x3FAD]  }
0x2e: {  	s3 =	simm.s32 @!p0 $0x1082;
	s9 =	sld [smem:$0x3FAE]  }
0x2f: {  	lr =	sadd.s32 s0, s3;
	s0 =	sld [smem:$0x3FA5]  }
0x30: {  	s3 =	sld [smem:$0x3FA8]  }
0x31: {  	[smem:$0x3FB1] =	sst s10  }
0x32: {  	s10 =	sld [smem:$0x3FAF];
	_ =	sdelay $0x3  }
0x33: {  	p0 =	seq.s32 s10, $0x1;
	s10 =	sld [smem:$0x3FB1];
	_ =	sdelay $0x3  }
0x34: {  	[smem:$0x3FB1] =	sst s10  }
0x35: {  	s10 =	sld [smem:$0x3FB0];
	_ =	sdelay $0x3  }
0x36: {  	p1 =	seq.s32 s10, $0x1;
	s10 =	sld [smem:$0x3FB1];
	_ =	sdelay $0x3  }
0x37: {  	[smem:$0x3FB1] =	sst s10  }
0x38: {  	s10 =	sld [smem:$0x3FB2]  }
0x39: {  	_ = 	snop;
	(pc) =	sbr.ind lr, $3  }
0x3a: {  	_ = 	snop  }
0x3b: {  	_ = 	snop  }
0x3c: {  	p2 =	seq.s32 s10, $0x1;
	s10 =	sld [smem:$0x3FB1]  }
0x3d: {  	_ =	shalt  }
0x3e: {  	_ =	shalt  }
0x3f: {  	_ =	shalt  }
0x40: {  	_ =	shalt  }
0x41: {  	_ =	shalt  }
0x42: {  	_ =	shalt  }
0x43: {  	_ =	shalt  }
0x44: {  	_ =	shalt  }
0x45: {  	_ =	shalt  }
0x46: {  	_ =	shalt  }
0x47: {  	_ =	shalt  }
0x48: {  	_ =	shalt  }
0x49: {  	_ =	shalt  }
0x4a: {  	_ =	shalt  }
0x4b: {  	_ =	shalt  }
0x4c: {  	_ =	shalt  }
0x4d: {  	_ =	shalt  }
0x4e: {  	_ =	shalt  }
0x4f: {  	_ =	shalt  }
0x50: {  	_ =	shalt  }
0x51: {  	_ =	shalt  }
0x52: {  	_ =	shalt  }
0x53: {  	_ =	shalt  }
0x54: {  	_ =	shalt  }
0x55: {  	_ =	shalt  }
0x56: {  	_ =	shalt  }
0x57: {  	_ =	shalt  }
0x58: {  	_ =	shalt  }
0x59: {  	_ =	shalt  }
0x5a: {  	_ =	shalt  }
0x5b: {  	_ =	shalt  }
0x5c: {  	_ =	shalt  }
0x5d: {  	_ =	shalt  }
0x5e: {  	_ =	shalt  }
0x5f: {  	_ =	shalt  }
0x60: {  	_ =	shalt  }
0x61: {  	_ =	shalt  }
0x62: {  	_ =	shalt  }
0x63: {  	_ =	shalt  }
0x64: {  	_ =	shalt  }
0x65: {  	_ =	shalt  }
0x66: {  	_ =	shalt  }
0x67: {  	_ =	shalt  }
0x68: {  	_ =	shalt  }
0x69: {  	_ =	shalt  }
0x6a: {  	_ =	shalt  }
0x6b: {  	_ =	shalt  }
0x6c: {  	_ =	shalt  }
0x6d: {  	_ =	shalt  }
0x6e: {  	_ =	shalt  }
0x6f: {  	_ =	shalt  }
0x70: {  	_ =	shalt  }
0x71: {  	_ =	shalt  }
0x72: {  	_ =	shalt  }
0x73: {  	_ =	shalt  }
0x74: {  	_ =	shalt  }
0x75: {  	_ =	shalt  }
0x76: {  	_ =	shalt  }
0x77: {  	_ =	shalt  }
0x78: {  	_ =	shalt  }
0x79: {  	_ =	shalt  }
0x7a: {  	_ =	shalt  }
0x7b: {  	_ =	shalt  }
0x7c: {  	_ =	shalt  }
0x7d: {  	_ =	shalt  }
0x7e: {  	_ =	shalt  }
0x7f: {  	_ =	shalt  }
0x80: {  	_ =	shalt  }
0x81: {  	_ =	shalt  }
0x82: {  	_ =	shalt  }
0x83: {  	_ =	shalt  }
0x84: {  	_ =	shalt  }
0x85: {  	_ =	shalt  }
0x86: {  	_ =	shalt  }
0x87: {  	_ =	shalt  }
.Lfunc_end0:
.L_simem_size_0:
called_computation_lowered:
.L_overlay_start_0:
0x88: {  	s2 =	sld [smem:$0x3FD9]  }
0x89: {  	s3 =	sld [smem:$0x3FFE];
	_ =	sdelay $0x1  }
0x8a: {  	s1 =	srdreg.scid  }
0x8b: {  	s0 =	sand.u32 $0x1, s1  }
0x8c: {  	s17 =	sshll.u32 s0, $0xA;
	s2 =	sadd.s32 s3, s2  }
0x8d: {  	s2 =	sadd.s32 s2, s17  }
0x8e: {  	[smem:$0x3FBD] =	sst s2  }
0x8f: {  	_ = 	snop  }
0x90: {  	(tm) =	ssettm $0x1  }
0x91: {  	s18 =	sld [smem:$0x3FFB];
	_ =	sdelay $0x3  }
0x92: {  	_ =	strace s18  }
0x93: {  	s2 =	sld [smem:$0x3FFC];
	_ =	sdelay $0x3  }
0x94: {  	_ =	strace s2  }
0x95: {  	s2 =	sld [smem:$0x3FFD];
	_ =	sdelay $0x3  }
0x96: {  	_ =	strace s2  }
0x97: {  	_ =	strace $0x8FFFFFFF  }
0x98: {  	s19 =	sld [smem:$0x3FDB];
	_ =	sdelay $0x1  }
0x99: {  	s20 =	simm.s32 $_scs_section_size  }
0x9a: {  	s4 =	simm.s32 $_size__tile_overlayer_lowered;
	s5 =	simm.s32 $_tile_overlayer_lowered  }
0x9b: {  	s6 =	simm.s32 $0x1BFF;
	s21 =	sshll.u32 s5, $0x1;
	s3 =	sadd.s32 s20, s19  }
0x9c: {  	s22 =	simm.s32 $0x0;
	s4 =	sshll.u32 s4, $0x1;
	s5 =	sadd.s32 s21, s3  }
0x9d: {  	[timem:s22], [sflag:s6] =	dma.local [hbm:s5], s4  }
0x9e: {  	_ =	swait.ge [sflag:s6], s4  }
0x9f: {  	s4 =	ssub.s32 $0x0, s4;
	[sflag:s6] =	ssyncset.done $0x0  }
0xa0: {  	[sflag:s6] =	ssyncadd.s32 s4;
	_ =	sdelay $0x1  }
0xa1: {  	s23 =	simm.s32 $0x1B8B  }
0xa2: {  	_ =	swait.ge [sflag:s23], $0x1  }
0xa3: {  	[sflag:s23] =	ssyncset.done $0x0  }
0xa4: {  	[sflag:s23] =	ssyncadd.s32 $0xFFFFFFFF  }
0xa5: {  	s4 =	sld [smem:$0x0]  }
0xa6: {  	s5 =	sand.u32 $0xFFFFFFFE, s1  }
0xa7: {  	p0 =	sne.s32 s1, s5  }
0xa8: {  	s5 =	sshll.u32 @p0 s5, $0xE  }
0xa9: {  	s5 =	sadd.s32 @p0 $0x11B8D, s5;
	s6 =	sshll.u32 @p0 s4, $0x11  }
0xaa: {  	s5 =	sor.u32 @p0 s6, s5  }
0xab: {  	[sflag:s5] =	ssyncadd.remote.s32 @p0 $0x1;
	_ =	sdelay $0x1  }
0xac: {  	s5 =	simm.s32 @p0 $0x1B8D  }
0xad: {  	_ =	swait.eq @p0 [sflag:s5], $0x1  }
0xae: {  	[sflag:s5] =	ssyncadd.s32 @p0 $0xFFFFFFFF  }
0xaf: {  	s6 =	sshll.u32 @!p0 s1, $0xE  }
0xb0: {  	s6 =	sor.u32 @!p0 $0x4000, s6;
	s5 =	simm.s32 @!p0 $0x1B8D  }
0xb1: {  	s4 =	sshll.u32 @!p0 s4, $0x11;
	s6 =	sadd.s32 @!p0 $0x11B8D, s6;
	_ =	swait.eq @!p0 [sflag:s5], $0x1  }
0xb2: {  	s4 =	sor.u32 @!p0 s4, s6;
	[sflag:s5] =	ssyncadd.s32 @!p0 $0xFFFFFFFF  }
0xb3: {  	s25 =	simm.s32 $0x1B8E;
	s24 =	sld [smem:$0x3FFE];
	[sflag:s4] =	ssyncadd.remote.s32 @!p0 $0x1  }
0xb4: {  	s26 =	simm.s32 $execute0_lowered;
	[smem:$0x3FD2] =	sst s25  }
0xb5: {  	s5 =	sshll.u32 s26, $0x1;
	_ =	strace $0x8000004C;
	[dreg:$0x1] =	wrdreg $0xFFFFFFFF  }
0xb6: {  	s28 =	simm.s32 $_size_execute0_lowered;
	s3 =	sadd.s32 s3, s5;
	[dreg:$0x0] =	wrdreg $0x0  }
0xb7: {  	s5 =	sshll.u32 s28, $0x1;
	[dreg:$0x2] =	wrdreg s3  }
0xb8: {  	[dreg:$0x3] =	wrdreg s5  }
0xb9: {  	[dreg:$0x4] =	wrdreg $0xC0  }
0xba: {  	_ =	task [dreg:s22], $0x5FFFF  }
0xbb: {  	[dreg:$0x1] =	wrdreg $0xFFFFFFFF  }
0xbc: {  	[dreg:$0x0] =	wrdreg $0x60  }
0xbd: {  	[dreg:$0x2] =	wrdreg s24  }
0xbe: {  	[dreg:$0x3] =	wrdreg $0x9  }
0xbf: {  	_ =	task.clear_ibuf [dreg:s22], $0x4FFFF;
	_ =	strace $0x9000004C  }
0xc0: {  	s29 =	simm.s32 $0x9;
	_ =	strace $0x8000004E  }
0xc1: {  	_ =	swait.ge [sflag:s29], $0x1  }
0xc2: {  	[sflag:s29] =	ssyncadd.s32 $0xFFFFFFFF  }
0xc3: {  	_ =	strace $0x9000004E  }
0xc4: {  	_ =	sfence  }
0xc5: {  	s30 =	sld [smem:$0x0];
	_ =	sdelay $0x2  }
0xc6: {  	s31 =	sshll.u32 s1, $0xD;
	s1 =	sshrl.u32 s1, $0x2  }
0xc7: {  	s4 =	sand.u32 $0x4000, s31;
	s1 =	sadd.s32 s1, s30  }
0xc8: {  	s0 =	sor.u32 s4, s0;
	s1 =	sshll.u32 s1, $0x11  }
0xc9: {  	s0 =	sor.u32 s1, s0  }
0xca: {  	s0 =	sadd.s32 $0x8F2B, s0  }
0xcb: {  	[sflag:s0] =	ssyncadd.remote.s32 $0x1  }
0xcc: {  	_ =	sfence.sel $0xFFFF  }
0xcd: {  	[dreg:$0x0] =	wrdreg $0xFFFFFFFF;
	(pc) =	sbr.abs _section_cstart, $3  }
0xce: {  	[dreg:$0x1] =	wrdreg $0xFFFFFFFF  }
0xcf: {  	_ =	task.clear_ibuf [dreg:s22], $0x2FFFF;
	_ =	strace $0x9FFFFFFF  }
0xd0: {  	(tm) =	ssettm $0x7FFFFFFF  }
0xd1: {  	_ =	shalt  }
tec
execute0_lowered:
.L_overlay_start_1:
0x0: {  	(tag) =	ssettag $0x1  }
0x1: {  	s1 =	srdreg.scid  }
0x2: {  	s0 =	stileid.u32;
	s4 =	rddreg [dreg:$0x0]  }
0x3: {  	s2 =	simm.s32 $0x0;
	s12 =	simm.s32 $0x4F00;
	s13 =	simm.s32 $0xF0  }
0x4: {  	s14 =	simm.s32 $0x8B00;
	s15 =	simm.s32 $0x168;
	s16 =	simm.s32 $0xC700  }
0x5: {  	s17 =	simm.s32 $0x1;
	s18 =	simm.s32 $0x3;
	s19 =	simm.s32 $0x4  }
0x6: {  	s20 =	simm.s32 $0x5;
	s21 =	simm.s32 $0x6;
	s22 =	simm.s32 $0x7  }
0x7: {  	s23 =	simm.s32 $0x8;
	s24 =	simm.s32 $0x0;
	s5 =	sand.u32 $0x1, s1  }
0x8: {  	s3 =	sshll.u32 s0, $0x1;
	[smem:$0x7FF] =	sst s2;
	s10 =	smul.u32 $0x25800, s0  }
0x9: {  	s11 =	sadd.s32 $0x37B600, s4;
	s6 =	sor.u32 s5, s3;
	s29 =	smul.u32 $0x12C00, s5  }
0xa: {  	_ =	strace $0x8000004D;
	s8 =	ssub.s32 $0x2, s5;
	s7 =	smul.u32 $0x12C0, s6  }
0xb: {  	s3 =	sadd.s32 $0xC3600, s4;
	s6 =	smul.u32 $0x12C00, s6;
	s9 =	sshrl.u32 s8, $0x1  }
.Ltmp0:
0xc: {  	s10 =	sadd.s32 s10, s11;
	s8 =	ssub.s32 s8, s9;
	(pc) =	sbr.rel .LBB2_1-.Ltmp0, $4  }
0xd: {  	s31 =	sadd.s32 s29, s10;
	s9 =	simm.s32 $0x9;
	s10 =	simm.s32 $0x78  }
0xe: {  	s7 =	sshrl.u32 s7, $0x3;
	s30 =	sadd.s32 s11, s6;
	s5 =	smax.u32 s8, $0x1  }
0xf: {  	s8 =	sadd.s32 $0x1680, s31;
	s11 =	simm.s32 $0x1300;
	s7 =	sadd.s32 s7, s4  }
0x10: {  	s6 =	sadd.s32 $0x11580, s30;
	s4 =	sadd.s32 $0x13000, s7;
	s7 =	sadd.s32 $0x12480, s30  }
.LBB2_4:
0x11: {  	_ =	swait.ge [sflag:s19], $0x3C00  }
0x12: {  	[sflag:s19] =	ssyncset.done $0x0  }
0x13: {  	[sflag:s19] =	ssyncadd.s32 $0xFFFFC400  }
0x14: {  	[hbm4b:s7+s2] =	stream.linear.scatter [tilespmem:s16], [sflag:$0x8], $0x3C00, $0x38;
	[tilespmem:$0x10300] =	vst v63  }
0x15: {  	_ =	swait.ge [sflag:s20], $0x3C00  }
0x16: {  	[sflag:s20] =	ssyncset.done $0x0  }
0x17: {  	[sflag:s20] =	ssyncadd.s32 $0xFFFFC400  }
0x18: {  	_ =	swait.ge [sflag:s21], $0x3C00  }
0x19: {  	[sflag:s21] =	ssyncset.done $0x0  }
0x1a: {  	s24 =	sadd.s32 $0x1, s24;
	[sflag:s21] =	ssyncadd.s32 $0xFFFFC400  }
0x1b: {  	p0 =	sne.s32 s24, s5;
	_ =	swait.ge [sflag:s22], $0x3C00  }
.Ltmp1:
0x1c: {  	[sflag:s22] =	ssyncset.done $0x0;
	(pc) =	sbr.rel @!p0 .LBB2_5-.Ltmp1, $4  }
0x1d: {  	[sflag:s22] =	ssyncadd.s32 $0xFFFFC400  }
0x1e: {  	_ =	swait.ge [sflag:s23], $0x3C00  }
0x1f: {  	[sflag:s23] =	ssyncset.done $0x0  }
0x20: {  	[sflag:s23] =	ssyncadd.s32 $0xFFFFC400  }
.LBB2_1:
0x21: {  	[tilespmem:s2], [sflag:$0x9] =	stream.linear.gather [hbm4b:s4+s2], $0x12C0, $0x38;
	[tilespmem:$0x10300] =	vst v63  }
0x22: {  	_ =	swait.ge [sflag:s9], $0x12C0  }
0x23: {  	[sflag:s9] =	ssyncset.done $0x0  }
0x24: {  	[sflag:s9] =	ssyncadd.s32 $0xFFFFED40  }
0x25: {  	[tilespmem:s11], [sflag:$0x1] =	stream.indirect.gather [hbm4b:s3+s10], $0x80, s2, s10, $0xb8;
	[tilespmem:$0x10300] =	vst v63  }
0x26: {  	_ = 	snop  }
0x27: {  	[tilespmem:s12], [sflag:$0x2] =	stream.indirect.gather [hbm4b:s3+s10], $0x80, s10, s10, $0xb8;
	[tilespmem:$0x10300] =	vst v63  }
0x28: {  	_ = 	snop  }
0x29: {  	[tilespmem:s14], [sflag:$0x3] =	stream.indirect.gather [hbm4b:s3+s10], $0x80, s13, s10, $0xb8;
	[tilespmem:$0x10300] =	vst v63  }
0x2a: {  	s25 =	smov.u32 s8;
	s26 =	simm.s32 $0x0  }
0x2b: {  	[tilespmem:s16], [sflag:$0x4] =	stream.indirect.gather [hbm4b:s3+s10], $0x80, s15, s10, $0xb8;
	[tilespmem:$0x10300] =	vst v63  }
.LBB2_2:
0x2c: {  	_ =	swait.ge [sflag:s17], $0x3C00  }
0x2d: {  	[sflag:s17] =	ssyncset.done $0x0  }
0x2e: {  	s28 =	sadd.s32 $0xFFFFE980, s25;
	p0 =	seq.s32 s26, $0x4380;
	[sflag:s17] =	ssyncadd.s32 $0xFFFFC400  }
0x2f: {  	[hbm4b:s28+s2] =	stream.linear.scatter [tilespmem:s11], [sflag:$0x5], $0x3C00, $0x38;
	[tilespmem:$0x10300] =	vst v63  }
0x30: {  	s28 =	simm.s32 @p0 $0x2  }
0x31: {  	_ =	swait.ge @p0 [sflag:s28], $0x3C00  }
0x32: {  	[sflag:s28] =	ssyncset.done @p0 $0x0  }
0x33: {  	s29 =	simm.s32 @p0 $0x4F00;
	[sflag:s28] =	ssyncadd.s32 @p0 $0xFFFFC400;
	s28 =	simm.s32 @p0 $0x0  }
0x34: {  	[hbm4b:s6+s28] =	stream.linear.scatter @p0 [tilespmem:s29], [sflag:$0x6], $0x3C00, $0x38;
	[tilespmem:$0x10300] =	vst v63  }
0x35: {  	s28 =	simm.s32 @!p0 $0x5  }
0x36: {  	_ =	swait.ge @!p0 [sflag:s28], $0x3C00  }
0x37: {  	[sflag:s28] =	ssyncset.done @!p0 $0x0  }
0x38: {  	[sflag:s28] =	ssyncadd.s32 @!p0 $0xFFFFC400;
	s28 =	sshra.s32 @!p0 s26, $0x2  }
0x39: {  	s30 =	simm.s32 @!p0 $0x78;
	s31 =	simm.s32 @!p0 $0x1300;
	s29 =	sadd.s32 @!p0 $0x1E0, s28  }
0x3a: {  	[tilespmem:s31], [sflag:$0x1] =	stream.indirect.gather @!p0 [hbm4b:s3+s30], $0x80, s29, s30, $0xb8;
	[tilespmem:$0x10300] =	vst v63  }
0x3b: {  	s29 =	simm.s32 @!p0 $0x2  }
0x3c: {  	_ =	swait.ge @!p0 [sflag:s29], $0x3C00  }
0x3d: {  	s1 =	simm.s32 @!p0 $0x4F00;
	[sflag:s29] =	ssyncset.done @!p0 $0x0  }
0x3e: {  	s31 =	simm.s32 @!p0 $0x0;
	[sflag:s29] =	ssyncadd.s32 @!p0 $0xFFFFC400;
	s29 =	sadd.s32 @!p0 $0xFFFFF100, s25  }
0x3f: {  	[hbm4b:s29+s31] =	stream.linear.scatter @!p0 [tilespmem:s1], [sflag:$0x6], $0x3C00, $0x38;
	[tilespmem:$0x10300] =	vst v63  }
0x40: {  	s29 =	simm.s32 @!p0 $0x6  }
0x41: {  	_ =	swait.ge @!p0 [sflag:s29], $0x3C00  }
0x42: {  	[sflag:s29] =	ssyncset.done @!p0 $0x0  }
0x43: {  	s28 =	sadd.s32 @!p0 $0x258, s28;
	[sflag:s29] =	ssyncadd.s32 @!p0 $0xFFFFC400  }
0x44: {  	[tilespmem:s1], [sflag:$0x2] =	stream.indirect.gather @!p0 [hbm4b:s3+s30], $0x80, s28, s30, $0xb8;
	[tilespmem:$0x10300] =	vst v63  }
.Ltmp2:
0x45: {  	_ = 	snop;
	(pc) =	sbr.rel @p0 .LBB2_4-.Ltmp2, $4  }
0x46: {  	_ =	swait.ge [sflag:s18], $0x3C00  }
0x47: {  	[sflag:s18] =	ssyncset.done $0x0  }
0x48: {  	s31 =	sadd.s32 $0xFFFFF880, s25;
	[sflag:s18] =	ssyncadd.s32 $0xFFFFC400  }
0x49: {  	[hbm4b:s31+s2] =	stream.linear.scatter [tilespmem:s14], [sflag:$0x7], $0x3C00, $0x38;
	[tilespmem:$0x10300] =	vst v63  }
0x4a: {  	_ =	swait.ge [sflag:s22], $0x3C00  }
0x4b: {  	s1 =	sshra.s32 s26, $0x2;
	[sflag:s22] =	ssyncset.done $0x0  }
0x4c: {  	s28 =	sadd.s32 $0x2D0, s1;
	[sflag:s22] =	ssyncadd.s32 $0xFFFFC400  }
0x4d: {  	[tilespmem:s14], [sflag:$0x3] =	stream.indirect.gather [hbm4b:s3+s10], $0x80, s28, s10, $0xb8;
	[tilespmem:$0x10300] =	vst v63  }
0x4e: {  	_ =	swait.ge [sflag:s19], $0x3C00  }
0x4f: {  	[sflag:s19] =	ssyncset.done $0x0  }
0x50: {  	[sflag:s19] =	ssyncadd.s32 $0xFFFFC400  }
0x51: {  	[hbm4b:s25+s2] =	stream.linear.scatter [tilespmem:s16], [sflag:$0x8], $0x3C00, $0x38;
	[tilespmem:$0x10300] =	vst v63  }
.Ltmp3:
0x52: {  	_ = 	snop;
	(pc) =	sbr.rel .LBB2_2-.Ltmp3, $4  }
0x53: {  	_ =	swait.ge [sflag:s23], $0x3C00  }
0x54: {  	s26 =	sadd.s32 $0x780, s26;
	[sflag:s23] =	ssyncset.done $0x0  }
0x55: {  	s1 =	sadd.s32 $0x348, s1;
	s25 =	sadd.s32 $0x1E00, s25;
	[sflag:s23] =	ssyncadd.s32 $0xFFFFC400  }
0x56: {  	[tilespmem:s16], [sflag:$0x4] =	stream.indirect.gather [hbm4b:s3+s10], $0x80, s1, s10, $0xb8;
	[tilespmem:$0x10300] =	vst v63  }
.LBB2_5:
0x57: {  	_ =	sfence.sel $0x180000  }
0x58: {  	[bflag:$0x0] =	sbarrier.arrive $0xFFFF  }
0x59: {  	_ =	strace $0x9000004D  }
0x5a: {  	[bflag:$0x2] =	sbarrier.arrive $0xFFFF  }
0x5b: {  	p0 =	sne.s32 s0, $0x0;
	s0 =	rddreg [dreg:$0x1]  }
0x5c: {  	s0 =	sadd.s32 @!p0 $0x100000, s0  }
0x5d: {  	[sflag:s0] =	ssyncadd.tile.s32 @!p0 $0x1;
	_ =	shalt  }
.Lfunc_end2:
_tile_overlayer_lowered:
.L_overlay_start_2:
0x5e: {  	(tag) =	ssettag $0x2  }
0x5f: {  	s0 =	rddreg [dreg:$0x0];
	s2 =	stileid.u32  }
0x60: {  	s1 =	rddreg [dreg:$0x1];
	p0 =	sne.s32 s2, $0x0  }
0x61: {  	s3 =	rddreg [dreg:$0x2];
	[bflag:$0x3] =	sbarrier.arrive $0xFFFF;
	s2 =	simm.s32 @!p0 $0x1C09  }
0x62: {  	[timem:s3], [sflag:s2] =	dma.local @!p0 [hbm:s0], s1  }
0x63: {  	s0 =	simm.s32 @!p0 $0x9  }
0x64: {  	_ =	swait.ge @!p0 [sflag:s0], s1  }
0x65: {  	s1 =	ssub.s32 @!p0 $0x0, s1;
	[sflag:s0] =	ssyncset.done @!p0 $0x0  }
0x66: {  	[sflag:s0] =	ssyncadd.s32 @!p0 s1  }
0x67: {  	[bflag:$0x3] =	sbarrier.arrive $0xFFFF  }
0x68: {  	_ =	shalt  }

// kernel: kernel.13.cloned.1.call-start
scs
__scs_entry_jumppad:
0x0: {  	(pc) =	sbr.rel $0x88, $3  }
0x1: {  	(tag) =	ssettag $0x0;
	lr =	simm.s32 $0x1  }
0x2: {  	[smem:$0x3F96] =	sst lr;
	_ =	strace $0xD0000000  }
0x3: {  	_ = 	snop  }
0x4: {  	_ = 	snop  }
0x5: {  	_ = 	snop  }
0x6: {  	_ = 	snop  }
0x7: {  	_ = 	snop  }
__scs_overlays_trampoline_lowered:
0x8: {  	[smem:$0x3FA5] =	sst s0  }
0x9: {  	[smem:$0x3FA6] =	sst s1  }
0xa: {  	[smem:$0x3FA7] =	sst s2  }
0xb: {  	[smem:$0x3FA8] =	sst s3  }
0xc: {  	[smem:$0x3FA9] =	sst s4  }
0xd: {  	[smem:$0x3FAA] =	sst s5  }
0xe: {  	[smem:$0x3FAB] =	sst s6  }
0xf: {  	[smem:$0x3FAC] =	sst s7  }
0x10: {  	[smem:$0x3FAD] =	sst s8  }
0x11: {  	[smem:$0x3FAE] =	sst s9;
	s0 =	simm.s32 @!p0 $0x0  }
0x12: {  	s1 =	sld [smem:$0x3F94];
	s0 =	simm.s32 @p0 $0x1  }
0x13: {  	[smem:$0x3FAF] =	sst s0;
	s0 =	simm.s32 @!p1 $0x0  }
0x14: {  	s2 =	sld [smem:$0x3F93];
	s0 =	simm.s32 @p1 $0x1  }
0x15: {  	[smem:$0x3FB0] =	sst s0;
	s0 =	simm.s32 @!p2 $0x0  }
0x16: {  	s3 =	sld [smem:$0x3FDB];
	s0 =	simm.s32 @p2 $0x1  }
0x17: {  	s4 =	simm.s32 $0x1BF5;
	[smem:$0x3FB2] =	sst s0  }
0x18: {  	s0 =	sld [smem:$0x3F95];
	_ =	swait.ge [sflag:s4], $0x0  }
0x19: {  	s7 =	sld [smem:$0x3F96]  }
0x1a: {  	s8 =	sadd.s32 $0xFFFFE003, lr  }
0x1b: {  	s9 =	sadd.s32 $0xFFFFFEF7, lr;
	s5 =	simm.s32 $0xFFFFFFFF;
	p2 =	slt.u32 s8, $0xFFFFF086  }
0x1c: {  	p1 =	slt.u32 s9, $0xF7A;
	s5 =	simm.s32 @!p2 $0x0  }
0x1d: {  	s5 =	simm.s32 @p1 $0x1;
	p0 =	seq.s32 s7, s2  }
0x1e: {  	s7 =	smul.u32 @!p0 $0xF7A, s2;
	p2 =	seq.s32 @!p0 s5, $0x0  }
0x1f: {  	s9 =	smul.u32 $0xF7A, s1;
	s8 =	simm.s32 @!p0 $0x1BF5;
	p2 =	por !p2, p0  }
0x20: {  	[sflag:s8] =	ssyncset.s32 @!p0 $0xFFFFF086;
	s6 =	sadd.s32 @!p0 s3, s7;
	s7 =	simm.s32 @!p0 $0x108  }
0x21: {  	s3 =	sadd.s32 s3, s9;
	s6 =	sadd.s32 @!p0 $0x88, s6;
	s7 =	simm.s32 @p2 $0x1082  }
0x22: {  	[simem:s7], [sflag:s8] =	dma.local @!p0 [hbm:s6], $0xF7A  }
0x23: {  	s9 =	sor.u32 $0xD0000000, s2;
	s6 =	simm.s32 $0x108;
	_ =	swait.ge @!p0 [sflag:s8], $0x0  }
0x24: {  	s3 =	sadd.s32 $0x88, s3;
	s6 =	simm.s32 @!p1 $0x1082;
	[sflag:s4] =	ssyncset.s32 $0xFFFFF086  }
0x25: {  	[simem:s6], [sflag:s4] =	dma.local [hbm:s3], $0xF7A  }
0x26: {  	[smem:$0x3F96] =	sst s1;
	(tag) =	ssettag s2;
	_ =	strace s9  }
0x27: {  	s1 =	sld [smem:$0x3FA6]  }
0x28: {  	s2 =	sld [smem:$0x3FA7]  }
0x29: {  	s4 =	sld [smem:$0x3FA9]  }
0x2a: {  	p0 =	seq.s32 s5, $0x0;
	s5 =	sld [smem:$0x3FAA]  }
0x2b: {  	s6 =	sld [smem:$0x3FAB]  }
0x2c: {  	s7 =	sld [smem:$0x3FAC]  }
0x2d: {  	s3 =	simm.s32 $0x108;
	s8 =	sld [smem:$0x3FAD]  }
0x2e: {  	s3 =	simm.s32 @!p0 $0x1082;
	s9 =	sld [smem:$0x3FAE]  }
0x2f: {  	lr =	sadd.s32 s0, s3;
	s0 =	sld [smem:$0x3FA5]  }
0x30: {  	s3 =	sld [smem:$0x3FA8]  }
0x31: {  	[smem:$0x3FB1] =	sst s10  }
0x32: {  	s10 =	sld [smem:$0x3FAF];
	_ =	sdelay $0x3  }
0x33: {  	p0 =	seq.s32 s10, $0x1;
	s10 =	sld [smem:$0x3FB1];
	_ =	sdelay $0x3  }
0x34: {  	[smem:$0x3FB1] =	sst s10  }
0x35: {  	s10 =	sld [smem:$0x3FB0];
	_ =	sdelay $0x3  }
0x36: {  	p1 =	seq.s32 s10, $0x1;
	s10 =	sld [smem:$0x3FB1];
	_ =	sdelay $0x3  }
0x37: {  	[smem:$0x3FB1] =	sst s10  }
0x38: {  	s10 =	sld [smem:$0x3FB2]  }
0x39: {  	_ = 	snop;
	(pc) =	sbr.ind lr, $3  }
0x3a: {  	_ = 	snop  }
0x3b: {  	_ = 	snop  }
0x3c: {  	p2 =	seq.s32 s10, $0x1;
	s10 =	sld [smem:$0x3FB1]  }
0x3d: {  	_ =	shalt  }
0x3e: {  	_ =	shalt  }
0x3f: {  	_ =	shalt  }
0x40: {  	_ =	shalt  }
0x41: {  	_ =	shalt  }
0x42: {  	_ =	shalt  }
0x43: {  	_ =	shalt  }
0x44: {  	_ =	shalt  }
0x45: {  	_ =	shalt  }
0x46: {  	_ =	shalt  }
0x47: {  	_ =	shalt  }
0x48: {  	_ =	shalt  }
0x49: {  	_ =	shalt  }
0x4a: {  	_ =	shalt  }
0x4b: {  	_ =	shalt  }
0x4c: {  	_ =	shalt  }
0x4d: {  	_ =	shalt  }
0x4e: {  	_ =	shalt  }
0x4f: {  	_ =	shalt  }
0x50: {  	_ =	shalt  }
0x51: {  	_ =	shalt  }
0x52: {  	_ =	shalt  }
0x53: {  	_ =	shalt  }
0x54: {  	_ =	shalt  }
0x55: {  	_ =	shalt  }
0x56: {  	_ =	shalt  }
0x57: {  	_ =	shalt  }
0x58: {  	_ =	shalt  }
0x59: {  	_ =	shalt  }
0x5a: {  	_ =	shalt  }
0x5b: {  	_ =	shalt  }
0x5c: {  	_ =	shalt  }
0x5d: {  	_ =	shalt  }
0x5e: {  	_ =	shalt  }
0x5f: {  	_ =	shalt  }
0x60: {  	_ =	shalt  }
0x61: {  	_ =	shalt  }
0x62: {  	_ =	shalt  }
0x63: {  	_ =	shalt  }
0x64: {  	_ =	shalt  }
0x65: {  	_ =	shalt  }
0x66: {  	_ =	shalt  }
0x67: {  	_ =	shalt  }
0x68: {  	_ =	shalt  }
0x69: {  	_ =	shalt  }
0x6a: {  	_ =	shalt  }
0x6b: {  	_ =	shalt  }
0x6c: {  	_ =	shalt  }
0x6d: {  	_ =	shalt  }
0x6e: {  	_ =	shalt  }
0x6f: {  	_ =	shalt  }
0x70: {  	_ =	shalt  }
0x71: {  	_ =	shalt  }
0x72: {  	_ =	shalt  }
0x73: {  	_ =	shalt  }
0x74: {  	_ =	shalt  }
0x75: {  	_ =	shalt  }
0x76: {  	_ =	shalt  }
0x77: {  	_ =	shalt  }
0x78: {  	_ =	shalt  }
0x79: {  	_ =	shalt  }
0x7a: {  	_ =	shalt  }
0x7b: {  	_ =	shalt  }
0x7c: {  	_ =	shalt  }
0x7d: {  	_ =	shalt  }
0x7e: {  	_ =	shalt  }
0x7f: {  	_ =	shalt  }
0x80: {  	_ =	shalt  }
0x81: {  	_ =	shalt  }
0x82: {  	_ =	shalt  }
0x83: {  	_ =	shalt  }
0x84: {  	_ =	shalt  }
0x85: {  	_ =	shalt  }
0x86: {  	_ =	shalt  }
0x87: {  	_ =	shalt  }
.Lfunc_end0:
.L_simem_size_0:
called_computation.1_lowered:
.L_overlay_start_0:
0x88: {  	s2 =	sld [smem:$0x3FD9]  }
0x89: {  	s3 =	sld [smem:$0x3FFE];
	_ =	sdelay $0x1  }
0x8a: {  	s1 =	srdreg.scid  }
0x8b: {  	s0 =	sand.u32 $0x1, s1  }
0x8c: {  	s16 =	sshll.u32 s0, $0xA;
	s2 =	sadd.s32 s3, s2  }
0x8d: {  	s2 =	sadd.s32 s2, s16  }
0x8e: {  	[smem:$0x3FBD] =	sst s2  }
0x8f: {  	_ = 	snop  }
0x90: {  	(tm) =	ssettm $0x1  }
0x91: {  	s17 =	sld [smem:$0x3FFB];
	_ =	sdelay $0x3  }
0x92: {  	_ =	strace s17  }
0x93: {  	s2 =	sld [smem:$0x3FFC];
	_ =	sdelay $0x3  }
0x94: {  	_ =	strace s2  }
0x95: {  	s2 =	sld [smem:$0x3FFD];
	_ =	sdelay $0x3  }
0x96: {  	_ =	strace s2  }
0x97: {  	_ =	strace $0x8FFFFFFF  }
0x98: {  	s18 =	sld [smem:$0x3FDB];
	_ =	sdelay $0x1  }
0x99: {  	s19 =	simm.s32 $_scs_section_size  }
0x9a: {  	s4 =	simm.s32 $_size__tile_overlayer_lowered;
	s5 =	simm.s32 $_tile_overlayer_lowered  }
0x9b: {  	s22 =	simm.s32 $0x1BFF;
	s21 =	sshll.u32 s5, $0x1;
	s2 =	sadd.s32 s19, s18  }
0x9c: {  	s6 =	simm.s32 $0x0;
	s20 =	sshll.u32 s4, $0x1;
	s4 =	sadd.s32 s21, s2  }
0x9d: {  	[timem:s6], [sflag:s22] =	dma.local [hbm:s4], s20  }
0x9e: {  	_ =	swait.ge [sflag:s22], s20  }
0x9f: {  	s3 =	ssub.s32 $0x0, s20;
	[sflag:s22] =	ssyncset.done $0x0  }
0xa0: {  	[sflag:s22] =	ssyncadd.s32 s3;
	_ =	sdelay $0x1  }
0xa1: {  	s23 =	simm.s32 $0x1B8B  }
0xa2: {  	_ =	swait.ge [sflag:s23], $0x1  }
0xa3: {  	[sflag:s23] =	ssyncset.done $0x0  }
0xa4: {  	s25 =	simm.s32 $0x1B8E;
	s24 =	sld [smem:$0x3FFE];
	[sflag:s23] =	ssyncadd.s32 $0xFFFFFFFF  }
0xa5: {  	s26 =	simm.s32 $execute0_lowered;
	[smem:$0x3FD2] =	sst s25  }
0xa6: {  	s4 =	sshll.u32 s26, $0x1;
	_ =	strace $0x80000046;
	[dreg:$0x1] =	wrdreg $0xFFFFFFFF  }
0xa7: {  	s28 =	simm.s32 $_size_execute0_lowered;
	s2 =	sadd.s32 s2, s4;
	[dreg:$0x0] =	wrdreg $0x0  }
0xa8: {  	s4 =	sshll.u32 s28, $0x1;
	[dreg:$0x2] =	wrdreg s2  }
0xa9: {  	[dreg:$0x3] =	wrdreg s4  }
0xaa: {  	[dreg:$0x4] =	wrdreg $0xC0  }
0xab: {  	_ =	task [dreg:s6], $0x5FFFF  }
0xac: {  	[dreg:$0x1] =	wrdreg $0xFFFFFFFF  }
0xad: {  	[dreg:$0x0] =	wrdreg $0x60  }
0xae: {  	[dreg:$0x2] =	wrdreg s24  }
0xaf: {  	[dreg:$0x3] =	wrdreg $0xA  }
0xb0: {  	_ =	task.clear_ibuf [dreg:s6], $0x4FFFF;
	_ =	strace $0x90000046  }
0xb1: {  	s29 =	simm.s32 $0xA;
	_ =	strace $0x80000048  }
0xb2: {  	_ =	swait.ge [sflag:s29], $0x1  }
0xb3: {  	[sflag:s29] =	ssyncadd.s32 $0xFFFFFFFF  }
0xb4: {  	_ =	strace $0x90000048  }
0xb5: {  	_ =	sfence  }
0xb6: {  	s30 =	sld [smem:$0x0];
	_ =	sdelay $0x2  }
0xb7: {  	s31 =	sshll.u32 s1, $0xD;
	s1 =	sshrl.u32 s1, $0x2  }
0xb8: {  	s3 =	sand.u32 $0x4000, s31;
	s1 =	sadd.s32 s1, s30  }
0xb9: {  	s0 =	sor.u32 s3, s0;
	s1 =	sshll.u32 s1, $0x11  }
0xba: {  	s0 =	sor.u32 s1, s0  }
0xbb: {  	s0 =	sadd.s32 $0x8F2B, s0  }
0xbc: {  	[sflag:s0] =	ssyncadd.remote.s32 $0x1  }
0xbd: {  	_ =	sfence.sel $0xFFFF  }
0xbe: {  	[dreg:$0x0] =	wrdreg $0xFFFFFFFF;
	(pc) =	sbr.abs _section_cstart, $3  }
0xbf: {  	[dreg:$0x1] =	wrdreg $0xFFFFFFFF  }
0xc0: {  	_ =	task.clear_ibuf [dreg:s6], $0x2FFFF;
	_ =	strace $0x9FFFFFFF  }
0xc1: {  	(tm) =	ssettm $0x7FFFFFFF  }
tec
execute0_lowered:
.L_overlay_start_1:
0x0: {  	(tag) =	ssettag $0x1  }
0x1: {  	s1 =	srdreg.scid  }
0x2: {  	s0 =	stileid.u32;
	s4 =	rddreg [dreg:$0x0]  }
0x3: {  	s2 =	simm.s32 $0x0;
	s12 =	simm.s32 $0x4F00;
	s13 =	simm.s32 $0xF0  }
0x4: {  	s14 =	simm.s32 $0x8B00;
	s15 =	simm.s32 $0x168;
	s16 =	simm.s32 $0xC700  }
0x5: {  	s17 =	simm.s32 $0x1;
	s18 =	simm.s32 $0x3;
	s19 =	simm.s32 $0x4  }
0x6: {  	s20 =	simm.s32 $0x5;
	s21 =	simm.s32 $0x6;
	s22 =	simm.s32 $0x7  }
0x7: {  	s23 =	simm.s32 $0x8;
	s24 =	simm.s32 $0x0;
	s5 =	sand.u32 $0x1, s1  }
0x8: {  	s3 =	sshll.u32 s0, $0x1;
	[smem:$0x7FF] =	sst s2;
	s10 =	smul.u32 $0x25800, s0  }
0x9: {  	s11 =	sadd.s32 $0x123600, s4;
	s6 =	sor.u32 s5, s3;
	s29 =	smul.u32 $0x12C00, s5  }
0xa: {  	_ =	strace $0x80000047;
	s8 =	ssub.s32 $0x2, s5;
	s7 =	smul.u32 $0x12C0, s6  }
0xb: {  	s3 =	sadd.s32 $0xC3600, s4;
	s6 =	smul.u32 $0x12C00, s6;
	s9 =	sshrl.u32 s8, $0x1  }
.Ltmp0:
0xc: {  	s10 =	sadd.s32 s10, s11;
	s8 =	ssub.s32 s8, s9;
	(pc) =	sbr.rel .LBB2_1-.Ltmp0, $4  }
0xd: {  	s31 =	sadd.s32 s29, s10;
	s9 =	simm.s32 $0x9;
	s10 =	simm.s32 $0x78  }
0xe: {  	s7 =	sshrl.u32 s7, $0x3;
	s30 =	sadd.s32 s11, s6;
	s5 =	smax.u32 s8, $0x1  }
0xf: {  	s8 =	sadd.s32 $0x1680, s31;
	s11 =	simm.s32 $0x1300;
	s7 =	sadd.s32 s7, s4  }
0x10: {  	s6 =	sadd.s32 $0x11580, s30;
	s4 =	sadd.s32 $0x3600, s7;
	s7 =	sadd.s32 $0x12480, s30  }
.LBB2_4:
0x11: {  	_ =	swait.ge [sflag:s19], $0x3C00  }
0x12: {  	[sflag:s19] =	ssyncset.done $0x0  }
0x13: {  	[sflag:s19] =	ssyncadd.s32 $0xFFFFC400  }
0x14: {  	[hbm4b:s7+s2] =	stream.linear.scatter [tilespmem:s16], [sflag:$0x8], $0x3C00, $0x38;
	[tilespmem:$0x10300] =	vst v63  }
0x15: {  	_ =	swait.ge [sflag:s20], $0x3C00  }
0x16: {  	[sflag:s20] =	ssyncset.done $0x0  }
0x17: {  	[sflag:s20] =	ssyncadd.s32 $0xFFFFC400  }
0x18: {  	_ =	swait.ge [sflag:s21], $0x3C00  }
0x19: {  	[sflag:s21] =	ssyncset.done $0x0  }
0x1a: {  	s24 =	sadd.s32 $0x1, s24;
	[sflag:s21] =	ssyncadd.s32 $0xFFFFC400  }
0x1b: {  	p0 =	sne.s32 s24, s5;
	_ =	swait.ge [sflag:s22], $0x3C00  }
.Ltmp1:
0x1c: {  	[sflag:s22] =	ssyncset.done $0x0;
	(pc) =	sbr.rel @!p0 .LBB2_5-.Ltmp1, $4  }
0x1d: {  	[sflag:s22] =	ssyncadd.s32 $0xFFFFC400  }
0x1e: {  	_ =	swait.ge [sflag:s23], $0x3C00  }
0x1f: {  	[sflag:s23] =	ssyncset.done $0x0  }
0x20: {  	[sflag:s23] =	ssyncadd.s32 $0xFFFFC400  }
.LBB2_1:
0x21: {  	[tilespmem:s2], [sflag:$0x9] =	stream.linear.gather [hbm4b:s4+s2], $0x12C0, $0x38;
	[tilespmem:$0x10300] =	vst v63  }
0x22: {  	_ =	swait.ge [sflag:s9], $0x12C0  }
0x23: {  	[sflag:s9] =	ssyncset.done $0x0  }
0x24: {  	[sflag:s9] =	ssyncadd.s32 $0xFFFFED40  }
0x25: {  	[tilespmem:s11], [sflag:$0x1] =	stream.indirect.gather [hbm4b:s3+s10], $0x80, s2, s10, $0xb8;
	[tilespmem:$0x10300] =	vst v63  }
0x26: {  	_ = 	snop  }
0x27: {  	[tilespmem:s12], [sflag:$0x2] =	stream.indirect.gather [hbm4b:s3+s10], $0x80, s10, s10, $0xb8;
	[tilespmem:$0x10300] =	vst v63  }
0x28: {  	_ = 	snop  }
0x29: {  	[tilespmem:s14], [sflag:$0x3] =	stream.indirect.gather [hbm4b:s3+s10], $0x80, s13, s10, $0xb8;
	[tilespmem:$0x10300] =	vst v63  }
0x2a: {  	s25 =	smov.u32 s8;
	s26 =	simm.s32 $0x0  }
0x2b: {  	[tilespmem:s16], [sflag:$0x4] =	stream.indirect.gather [hbm4b:s3+s10], $0x80, s15, s10, $0xb8;
	[tilespmem:$0x10300] =	vst v63  }
.LBB2_2:
0x2c: {  	_ =	swait.ge [sflag:s17], $0x3C00  }
0x2d: {  	[sflag:s17] =	ssyncset.done $0x0  }
0x2e: {  	s28 =	sadd.s32 $0xFFFFE980, s25;
	p0 =	seq.s32 s26, $0x4380;
	[sflag:s17] =	ssyncadd.s32 $0xFFFFC400  }
0x2f: {  	[hbm4b:s28+s2] =	stream.linear.scatter [tilespmem:s11], [sflag:$0x5], $0x3C00, $0x38;
	[tilespmem:$0x10300] =	vst v63  }
0x30: {  	s28 =	simm.s32 @p0 $0x2  }
0x31: {  	_ =	swait.ge @p0 [sflag:s28], $0x3C00  }
0x32: {  	[sflag:s28] =	ssyncset.done @p0 $0x0  }
0x33: {  	s29 =	simm.s32 @p0 $0x4F00;
	[sflag:s28] =	ssyncadd.s32 @p0 $0xFFFFC400;
	s28 =	simm.s32 @p0 $0x0  }
0x34: {  	[hbm4b:s6+s28] =	stream.linear.scatter @p0 [tilespmem:s29], [sflag:$0x6], $0x3C00, $0x38;
	[tilespmem:$0x10300] =	vst v63  }
0x35: {  	s28 =	simm.s32 @!p0 $0x5  }
0x36: {  	_ =	swait.ge @!p0 [sflag:s28], $0x3C00  }
0x37: {  	[sflag:s28] =	ssyncset.done @!p0 $0x0  }
0x38: {  	[sflag:s28] =	ssyncadd.s32 @!p0 $0xFFFFC400;
	s28 =	sshra.s32 @!p0 s26, $0x2  }
0x39: {  	s30 =	simm.s32 @!p0 $0x78;
	s31 =	simm.s32 @!p0 $0x1300;
	s29 =	sadd.s32 @!p0 $0x1E0, s28  }
0x3a: {  	[tilespmem:s31], [sflag:$0x1] =	stream.indirect.gather @!p0 [hbm4b:s3+s30], $0x80, s29, s30, $0xb8;
	[tilespmem:$0x10300] =	vst v63  }
0x3b: {  	s29 =	simm.s32 @!p0 $0x2  }
0x3c: {  	_ =	swait.ge @!p0 [sflag:s29], $0x3C00  }
0x3d: {  	s1 =	simm.s32 @!p0 $0x4F00;
	[sflag:s29] =	ssyncset.done @!p0 $0x0  }
0x3e: {  	s31 =	simm.s32 @!p0 $0x0;
	[sflag:s29] =	ssyncadd.s32 @!p0 $0xFFFFC400;
	s29 =	sadd.s32 @!p0 $0xFFFFF100, s25  }
0x3f: {  	[hbm4b:s29+s31] =	stream.linear.scatter @!p0 [tilespmem:s1], [sflag:$0x6], $0x3C00, $0x38;
	[tilespmem:$0x10300] =	vst v63  }
0x40: {  	s29 =	simm.s32 @!p0 $0x6  }
0x41: {  	_ =	swait.ge @!p0 [sflag:s29], $0x3C00  }
0x42: {  	[sflag:s29] =	ssyncset.done @!p0 $0x0  }
0x43: {  	s28 =	sadd.s32 @!p0 $0x258, s28;
	[sflag:s29] =	ssyncadd.s32 @!p0 $0xFFFFC400  }
0x44: {  	[tilespmem:s1], [sflag:$0x2] =	stream.indirect.gather @!p0 [hbm4b:s3+s30], $0x80, s28, s30, $0xb8;
	[tilespmem:$0x10300] =	vst v63  }
.Ltmp2:
0x45: {  	_ = 	snop;
	(pc) =	sbr.rel @p0 .LBB2_4-.Ltmp2, $4  }
0x46: {  	_ =	swait.ge [sflag:s18], $0x3C00  }
0x47: {  	[sflag:s18] =	ssyncset.done $0x0  }
0x48: {  	s31 =	sadd.s32 $0xFFFFF880, s25;
	[sflag:s18] =	ssyncadd.s32 $0xFFFFC400  }
0x49: {  	[hbm4b:s31+s2] =	stream.linear.scatter [tilespmem:s14], [sflag:$0x7], $0x3C00, $0x38;
	[tilespmem:$0x10300] =	vst v63  }
0x4a: {  	_ =	swait.ge [sflag:s22], $0x3C00  }
0x4b: {  	s1 =	sshra.s32 s26, $0x2;
	[sflag:s22] =	ssyncset.done $0x0  }
0x4c: {  	s28 =	sadd.s32 $0x2D0, s1;
	[sflag:s22] =	ssyncadd.s32 $0xFFFFC400  }
0x4d: {  	[tilespmem:s14], [sflag:$0x3] =	stream.indirect.gather [hbm4b:s3+s10], $0x80, s28, s10, $0xb8;
	[tilespmem:$0x10300] =	vst v63  }
0x4e: {  	_ =	swait.ge [sflag:s19], $0x3C00  }
0x4f: {  	[sflag:s19] =	ssyncset.done $0x0  }
0x50: {  	[sflag:s19] =	ssyncadd.s32 $0xFFFFC400  }
0x51: {  	[hbm4b:s25+s2] =	stream.linear.scatter [tilespmem:s16], [sflag:$0x8], $0x3C00, $0x38;
	[tilespmem:$0x10300] =	vst v63  }
.Ltmp3:
0x52: {  	_ = 	snop;
	(pc) =	sbr.rel .LBB2_2-.Ltmp3, $4  }
0x53: {  	_ =	swait.ge [sflag:s23], $0x3C00  }
0x54: {  	s26 =	sadd.s32 $0x780, s26;
	[sflag:s23] =	ssyncset.done $0x0  }
0x55: {  	s1 =	sadd.s32 $0x348, s1;
	s25 =	sadd.s32 $0x1E00, s25;
	[sflag:s23] =	ssyncadd.s32 $0xFFFFC400  }
0x56: {  	[tilespmem:s16], [sflag:$0x4] =	stream.indirect.gather [hbm4b:s3+s10], $0x80, s1, s10, $0xb8;
	[tilespmem:$0x10300] =	vst v63  }
.LBB2_5:
0x57: {  	_ =	sfence.sel $0x180000  }
0x58: {  	[bflag:$0x0] =	sbarrier.arrive $0xFFFF  }
0x59: {  	_ =	strace $0x90000047  }
0x5a: {  	[bflag:$0x2] =	sbarrier.arrive $0xFFFF  }
0x5b: {  	p0 =	sne.s32 s0, $0x0;
	s0 =	rddreg [dreg:$0x1]  }
0x5c: {  	s0 =	sadd.s32 @!p0 $0x100000, s0  }
0x5d: {  	[sflag:s0] =	ssyncadd.tile.s32 @!p0 $0x1;
	_ =	shalt  }
.Lfunc_end2:
_tile_overlayer_lowered:
.L_overlay_start_2:
0x5e: {  	(tag) =	ssettag $0x2  }
0x5f: {  	s0 =	rddreg [dreg:$0x0];
	s2 =	stileid.u32  }
0x60: {  	s1 =	rddreg [dreg:$0x1];
	p0 =	sne.s32 s2, $0x0  }
0x61: {  	s3 =	rddreg [dreg:$0x2];
	[bflag:$0x3] =	sbarrier.arrive $0xFFFF;
	s2 =	simm.s32 @!p0 $0x1C09  }
0x62: {  	[timem:s3], [sflag:s2] =	dma.local @!p0 [hbm:s0], s1  }
0x63: {  	s0 =	simm.s32 @!p0 $0x9  }
0x64: {  	_ =	swait.ge @!p0 [sflag:s0], s1  }
0x65: {  	s1 =	ssub.s32 @!p0 $0x0, s1;
	[sflag:s0] =	ssyncset.done @!p0 $0x0  }
0x66: {  	[sflag:s0] =	ssyncadd.s32 @!p0 s1  }
0x67: {  	[bflag:$0x3] =	sbarrier.arrive $0xFFFF  }
0x68: {  	_ =	shalt  }

// kernel: kernel.16.cloned.1.call-start
scs
__scs_entry_jumppad:
0x0: {  	(pc) =	sbr.rel $0x88, $3  }
0x1: {  	(tag) =	ssettag $0x0;
	lr =	simm.s32 $0x1  }
0x2: {  	[smem:$0x3F96] =	sst lr;
	_ =	strace $0xD0000000  }
0x3: {  	_ = 	snop  }
0x4: {  	_ = 	snop  }
0x5: {  	_ = 	snop  }
0x6: {  	_ = 	snop  }
0x7: {  	_ = 	snop  }
__scs_overlays_trampoline_lowered:
0x8: {  	[smem:$0x3FA5] =	sst s0  }
0x9: {  	[smem:$0x3FA6] =	sst s1  }
0xa: {  	[smem:$0x3FA7] =	sst s2  }
0xb: {  	[smem:$0x3FA8] =	sst s3  }
0xc: {  	[smem:$0x3FA9] =	sst s4  }
0xd: {  	[smem:$0x3FAA] =	sst s5  }
0xe: {  	[smem:$0x3FAB] =	sst s6  }
0xf: {  	[smem:$0x3FAC] =	sst s7  }
0x10: {  	[smem:$0x3FAD] =	sst s8  }
0x11: {  	[smem:$0x3FAE] =	sst s9;
	s0 =	simm.s32 @!p0 $0x0  }
0x12: {  	s1 =	sld [smem:$0x3F94];
	s0 =	simm.s32 @p0 $0x1  }
0x13: {  	[smem:$0x3FAF] =	sst s0;
	s0 =	simm.s32 @!p1 $0x0  }
0x14: {  	s2 =	sld [smem:$0x3F93];
	s0 =	simm.s32 @p1 $0x1  }
0x15: {  	[smem:$0x3FB0] =	sst s0;
	s0 =	simm.s32 @!p2 $0x0  }
0x16: {  	s3 =	sld [smem:$0x3FDB];
	s0 =	simm.s32 @p2 $0x1  }
0x17: {  	s4 =	simm.s32 $0x1BF5;
	[smem:$0x3FB2] =	sst s0  }
0x18: {  	s0 =	sld [smem:$0x3F95];
	_ =	swait.ge [sflag:s4], $0x0  }
0x19: {  	s7 =	sld [smem:$0x3F96]  }
0x1a: {  	s8 =	sadd.s32 $0xFFFFE003, lr  }
0x1b: {  	s9 =	sadd.s32 $0xFFFFFEF7, lr;
	s5 =	simm.s32 $0xFFFFFFFF;
	p2 =	slt.u32 s8, $0xFFFFF086  }
0x1c: {  	p1 =	slt.u32 s9, $0xF7A;
	s5 =	simm.s32 @!p2 $0x0  }
0x1d: {  	s5 =	simm.s32 @p1 $0x1;
	p0 =	seq.s32 s7, s2  }
0x1e: {  	s7 =	smul.u32 @!p0 $0xF7A, s2;
	p2 =	seq.s32 @!p0 s5, $0x0  }
0x1f: {  	s9 =	smul.u32 $0xF7A, s1;
	s8 =	simm.s32 @!p0 $0x1BF5;
	p2 =	por !p2, p0  }
0x20: {  	[sflag:s8] =	ssyncset.s32 @!p0 $0xFFFFF086;
	s6 =	sadd.s32 @!p0 s3, s7;
	s7 =	simm.s32 @!p0 $0x108  }
0x21: {  	s3 =	sadd.s32 s3, s9;
	s6 =	sadd.s32 @!p0 $0x88, s6;
	s7 =	simm.s32 @p2 $0x1082  }
0x22: {  	[simem:s7], [sflag:s8] =	dma.local @!p0 [hbm:s6], $0xF7A  }
0x23: {  	s9 =	sor.u32 $0xD0000000, s2;
	s6 =	simm.s32 $0x108;
	_ =	swait.ge @!p0 [sflag:s8], $0x0  }
0x24: {  	s3 =	sadd.s32 $0x88, s3;
	s6 =	simm.s32 @!p1 $0x1082;
	[sflag:s4] =	ssyncset.s32 $0xFFFFF086  }
0x25: {  	[simem:s6], [sflag:s4] =	dma.local [hbm:s3], $0xF7A  }
0x26: {  	[smem:$0x3F96] =	sst s1;
	(tag) =	ssettag s2;
	_ =	strace s9  }
0x27: {  	s1 =	sld [smem:$0x3FA6]  }
0x28: {  	s2 =	sld [smem:$0x3FA7]  }
0x29: {  	s4 =	sld [smem:$0x3FA9]  }
0x2a: {  	p0 =	seq.s32 s5, $0x0;
	s5 =	sld [smem:$0x3FAA]  }
0x2b: {  	s6 =	sld [smem:$0x3FAB]  }
0x2c: {  	s7 =	sld [smem:$0x3FAC]  }
0x2d: {  	s3 =	simm.s32 $0x108;
	s8 =	sld [smem:$0x3FAD]  }
0x2e: {  	s3 =	simm.s32 @!p0 $0x1082;
	s9 =	sld [smem:$0x3FAE]  }
0x2f: {  	lr =	sadd.s32 s0, s3;
	s0 =	sld [smem:$0x3FA5]  }
0x30: {  	s3 =	sld [smem:$0x3FA8]  }
0x31: {  	[smem:$0x3FB1] =	sst s10  }
0x32: {  	s10 =	sld [smem:$0x3FAF];
	_ =	sdelay $0x3  }
0x33: {  	p0 =	seq.s32 s10, $0x1;
	s10 =	sld [smem:$0x3FB1];
	_ =	sdelay $0x3  }
0x34: {  	[smem:$0x3FB1] =	sst s10  }
0x35: {  	s10 =	sld [smem:$0x3FB0];
	_ =	sdelay $0x3  }
0x36: {  	p1 =	seq.s32 s10, $0x1;
	s10 =	sld [smem:$0x3FB1];
	_ =	sdelay $0x3  }
0x37: {  	[smem:$0x3FB1] =	sst s10  }
0x38: {  	s10 =	sld [smem:$0x3FB2]  }
0x39: {  	_ = 	snop;
	(pc) =	sbr.ind lr, $3  }
0x3a: {  	_ = 	snop  }
0x3b: {  	_ = 	snop  }
0x3c: {  	p2 =	seq.s32 s10, $0x1;
	s10 =	sld [smem:$0x3FB1]  }
0x3d: {  	_ =	shalt  }
0x3e: {  	_ =	shalt  }
0x3f: {  	_ =	shalt  }
0x40: {  	_ =	shalt  }
0x41: {  	_ =	shalt  }
0x42: {  	_ =	shalt  }
0x43: {  	_ =	shalt  }
0x44: {  	_ =	shalt  }
0x45: {  	_ =	shalt  }
0x46: {  	_ =	shalt  }
0x47: {  	_ =	shalt  }
0x48: {  	_ =	shalt  }
0x49: {  	_ =	shalt  }
0x4a: {  	_ =	shalt  }
0x4b: {  	_ =	shalt  }
0x4c: {  	_ =	shalt  }
0x4d: {  	_ =	shalt  }
0x4e: {  	_ =	shalt  }
0x4f: {  	_ =	shalt  }
0x50: {  	_ =	shalt  }
0x51: {  	_ =	shalt  }
0x52: {  	_ =	shalt  }
0x53: {  	_ =	shalt  }
0x54: {  	_ =	shalt  }
0x55: {  	_ =	shalt  }
0x56: {  	_ =	shalt  }
0x57: {  	_ =	shalt  }
0x58: {  	_ =	shalt  }
0x59: {  	_ =	shalt  }
0x5a: {  	_ =	shalt  }
0x5b: {  	_ =	shalt  }
0x5c: {  	_ =	shalt  }
0x5d: {  	_ =	shalt  }
0x5e: {  	_ =	shalt  }
0x5f: {  	_ =	shalt  }
0x60: {  	_ =	shalt  }
0x61: {  	_ =	shalt  }
0x62: {  	_ =	shalt  }
0x63: {  	_ =	shalt  }
0x64: {  	_ =	shalt  }
0x65: {  	_ =	shalt  }
0x66: {  	_ =	shalt  }
0x67: {  	_ =	shalt  }
0x68: {  	_ =	shalt  }
0x69: {  	_ =	shalt  }
0x6a: {  	_ =	shalt  }
0x6b: {  	_ =	shalt  }
0x6c: {  	_ =	shalt  }
0x6d: {  	_ =	shalt  }
0x6e: {  	_ =	shalt  }
0x6f: {  	_ =	shalt  }
0x70: {  	_ =	shalt  }
0x71: {  	_ =	shalt  }
0x72: {  	_ =	shalt  }
0x73: {  	_ =	shalt  }
0x74: {  	_ =	shalt  }
0x75: {  	_ =	shalt  }
0x76: {  	_ =	shalt  }
0x77: {  	_ =	shalt  }
0x78: {  	_ =	shalt  }
0x79: {  	_ =	shalt  }
0x7a: {  	_ =	shalt  }
0x7b: {  	_ =	shalt  }
0x7c: {  	_ =	shalt  }
0x7d: {  	_ =	shalt  }
0x7e: {  	_ =	shalt  }
0x7f: {  	_ =	shalt  }
0x80: {  	_ =	shalt  }
0x81: {  	_ =	shalt  }
0x82: {  	_ =	shalt  }
0x83: {  	_ =	shalt  }
0x84: {  	_ =	shalt  }
0x85: {  	_ =	shalt  }
0x86: {  	_ =	shalt  }
0x87: {  	_ =	shalt  }
.Lfunc_end0:
.L_simem_size_0:
called_computation.2_lowered:
.L_overlay_start_0:
0x88: {  	s2 =	sld [smem:$0x3FD9]  }
0x89: {  	s3 =	sld [smem:$0x3FFE];
	_ =	sdelay $0x1  }
0x8a: {  	s1 =	srdreg.scid  }
0x8b: {  	s0 =	sand.u32 $0x1, s1  }
0x8c: {  	s17 =	sshll.u32 s0, $0xA;
	s2 =	sadd.s32 s3, s2  }
0x8d: {  	s2 =	sadd.s32 s2, s17  }
0x8e: {  	[smem:$0x3FBD] =	sst s2  }
0x8f: {  	_ = 	snop  }
0x90: {  	s18 =	sld [smem:$0x3FD0];
	(tm) =	ssettm $0x1  }
0x91: {  	s19 =	sld [smem:$0x3FFB];
	_ =	sdelay $0x3  }
0x92: {  	_ =	strace s19  }
0x93: {  	s2 =	sld [smem:$0x3FFC];
	_ =	sdelay $0x3  }
0x94: {  	_ =	strace s2  }
0x95: {  	s2 =	sld [smem:$0x3FFD];
	_ =	sdelay $0x3  }
0x96: {  	_ =	strace s2  }
0x97: {  	_ =	strace $0x8FFFFFFF  }
0x98: {  	s20 =	sld [smem:$0x3FDB];
	_ =	sdelay $0x1  }
0x99: {  	s4 =	simm.s32 $_scs_section_size  }
0x9a: {  	s5 =	simm.s32 $_size__tile_overlayer_lowered;
	s6 =	simm.s32 $_tile_overlayer_lowered  }
0x9b: {  	s7 =	simm.s32 $0x1BFF;
	s21 =	sshll.u32 s6, $0x1;
	s4 =	sadd.s32 s4, s20  }
0x9c: {  	s22 =	simm.s32 $0x0;
	s5 =	sshll.u32 s5, $0x1;
	s6 =	sadd.s32 s21, s4  }
0x9d: {  	[timem:s22], [sflag:s7] =	dma.local [hbm:s6], s5  }
0x9e: {  	_ =	swait.ge [sflag:s7], s5  }
0x9f: {  	s5 =	ssub.s32 $0x0, s5;
	[sflag:s7] =	ssyncset.done $0x0  }
0xa0: {  	[sflag:s7] =	ssyncadd.s32 s5;
	_ =	sdelay $0x1  }
0xa1: {  	s23 =	simm.s32 $0x1B8B  }
0xa2: {  	_ =	swait.ge [sflag:s23], $0x1  }
0xa3: {  	[sflag:s23] =	ssyncset.done $0x0  }
0xa4: {  	[sflag:s23] =	ssyncadd.s32 $0xFFFFFFFF  }
0xa5: {  	s5 =	sld [smem:$0x0]  }
0xa6: {  	s6 =	sand.u32 $0xFFFFFFFE, s1  }
0xa7: {  	p0 =	sne.s32 s1, s6  }
0xa8: {  	s6 =	sshll.u32 @p0 s6, $0xE  }
0xa9: {  	s6 =	sadd.s32 @p0 $0x11B8D, s6;
	s7 =	sshll.u32 @p0 s5, $0x11  }
0xaa: {  	s6 =	sor.u32 @p0 s7, s6  }
0xab: {  	[sflag:s6] =	ssyncadd.remote.s32 @p0 $0x1;
	_ =	sdelay $0x1  }
0xac: {  	s6 =	simm.s32 @p0 $0x1B8D  }
0xad: {  	_ =	swait.eq @p0 [sflag:s6], $0x1  }
0xae: {  	[sflag:s6] =	ssyncadd.s32 @p0 $0xFFFFFFFF  }
0xaf: {  	s7 =	sshll.u32 @!p0 s1, $0xE  }
0xb0: {  	s7 =	sor.u32 @!p0 $0x4000, s7;
	s6 =	simm.s32 @!p0 $0x1B8D  }
0xb1: {  	s5 =	sshll.u32 @!p0 s5, $0x11;
	s7 =	sadd.s32 @!p0 $0x11B8D, s7;
	_ =	swait.eq @!p0 [sflag:s6], $0x1  }
0xb2: {  	s5 =	sor.u32 @!p0 s5, s7;
	[sflag:s6] =	ssyncadd.s32 @!p0 $0xFFFFFFFF  }
0xb3: {  	s25 =	simm.s32 $0x1B8E;
	s24 =	sld [smem:$0x3FFE];
	[sflag:s5] =	ssyncadd.remote.s32 @!p0 $0x1  }
0xb4: {  	s26 =	simm.s32 $execute0_lowered;
	[smem:$0x3FD2] =	sst s25  }
0xb5: {  	s6 =	sshll.u32 s26, $0x1;
	_ =	strace $0x80000049;
	[dreg:$0x1] =	wrdreg $0xFFFFFFFF  }
0xb6: {  	s28 =	simm.s32 $_size_execute0_lowered;
	s4 =	sadd.s32 s4, s6;
	[dreg:$0x0] =	wrdreg $0x0  }
0xb7: {  	s6 =	sshll.u32 s28, $0x1;
	[dreg:$0x2] =	wrdreg s4  }
0xb8: {  	[dreg:$0x3] =	wrdreg s6  }
0xb9: {  	[dreg:$0x4] =	wrdreg $0xC0  }
0xba: {  	_ =	task [dreg:s22], $0x5FFFF  }
0xbb: {  	[dreg:$0x1] =	wrdreg $0xFFFFFFFF  }
0xbc: {  	[dreg:$0x0] =	wrdreg $0x60  }
0xbd: {  	[dreg:$0x2] =	wrdreg s24  }
0xbe: {  	[dreg:$0x3] =	wrdreg s18  }
0xbf: {  	[dreg:$0x4] =	wrdreg $0xB  }
0xc0: {  	_ =	task.clear_ibuf [dreg:s22], $0x5FFFF;
	_ =	strace $0x90000049  }
0xc1: {  	s29 =	simm.s32 $0xB;
	_ =	strace $0x8000004B  }
0xc2: {  	_ =	swait.ge [sflag:s29], $0x1  }
0xc3: {  	[sflag:s29] =	ssyncadd.s32 $0xFFFFFFFF  }
0xc4: {  	_ =	strace $0x9000004B  }
0xc5: {  	_ =	sfence  }
0xc6: {  	s30 =	sld [smem:$0x0];
	_ =	sdelay $0x2  }
0xc7: {  	s31 =	sshll.u32 s1, $0xD;
	s1 =	sshrl.u32 s1, $0x2  }
0xc8: {  	s4 =	sand.u32 $0x4000, s31;
	s1 =	sadd.s32 s1, s30  }
0xc9: {  	s0 =	sor.u32 s4, s0;
	s1 =	sshll.u32 s1, $0x11  }
0xca: {  	s0 =	sor.u32 s1, s0  }
0xcb: {  	s0 =	sadd.s32 $0x8F2B, s0  }
0xcc: {  	[sflag:s0] =	ssyncadd.remote.s32 $0x1  }
0xcd: {  	_ =	sfence.sel $0xFFFF  }
0xce: {  	[dreg:$0x0] =	wrdreg $0xFFFFFFFF;
	(pc) =	sbr.abs _section_cstart, $3  }
0xcf: {  	[dreg:$0x1] =	wrdreg $0xFFFFFFFF  }
0xd0: {  	_ =	task.clear_ibuf [dreg:s22], $0x2FFFF;
	_ =	strace $0x9FFFFFFF  }
0xd1: {  	(tm) =	ssettm $0x7FFFFFFF  }
tec
execute0_lowered:
.L_overlay_start_1:
0x0: {  	(tag) =	ssettag $0x1  }
0x1: {  	s3 =	rddreg [dreg:$0x0];
	s1 =	srdreg.scid  }
0x2: {  	s0 =	stileid.u32;
	s5 =	rddreg [dreg:$0x1]  }
0x3: {  	s2 =	simm.s32 $0x0;
	s4 =	sand.u32 $0x1, s1;
	s6 =	sshll.u32 s0, $0x1  }
0x4: {  	s9 =	simm.s32 $0xE580;
	s10 =	simm.s32 $0x0;
	s6 =	sor.u32 s4, s6  }
0x5: {  	s1 =	rddreg [dreg:$0x2];
	s4 =	ssub.s32 $0x2, s4;
	s7 =	smul.u32 $0x4B0, s6  }
0x6: {  	[smem:$0x7FF] =	sst s2;
	s8 =	sshrl.u32 s4, $0x1;
	s6 =	smul.u32 $0x1380, s6  }
0x7: {  	_ =	strace $0x8000004A;
	s8 =	ssub.s32 s4, s8;
	s7 =	sadd.s32 s7, s3  }
0x8: {  	s3 =	sadd.s32 $0x8200, s3;
	s5 =	sadd.s32 s5, s6;
	s6 =	smax.u32 s8, $0x1  }
0x9: {  	s8 =	simm.s32 $0xC000;
	s4 =	sadd.s32 $0x9A00, s7;
	s7 =	simm.s32 $0x1  }
.LBB2_1:
0xa: {  	[tilespmem:s2], [sflag:$0x1] =	stream.linear.gather [hbm4b:s3+s2], $0xC000, $0x38;
	[tilespmem:$0x18180] =	vst v63  }
0xb: {  	_ =	swait.ge [sflag:s7], $0xC000  }
0xc: {  	[sflag:s7] =	ssyncset.done $0x0  }
0xd: {  	[sflag:s7] =	ssyncadd.s32 $0xFFFF4000  }
0xe: {  	[tilespmem:s8], [sflag:$0x1] =	stream.linear.gather [hbm4b:s4+s2], $0x2580, $0x38;
	[tilespmem:$0x18180] =	vst v63  }
0xf: {  	_ =	swait.ge [sflag:s7], $0x2580  }
0x10: {  	[sflag:s7] =	ssyncset.done $0x0  }
0x11: {  	s11 =	simm.s32 $0x0;
	[sflag:s7] =	ssyncadd.s32 $0xFFFFDA80  }
0x12: {  	v0 =	vld [tilespmem:s11+$0xC000];
	_ =	sdelay $0x7  }
0x13: {  	v1 =	vld.idx.msk [tilespmem:v0+s2+$0x0], $0xffff  }
0x14: {  	v2 =	vadd.s32 $0x1, v0;
	_ =	sdelay $0x1  }
0x15: {  	s31 =	sand.u32 $0x70, s2;
	s12 =	sand.u32 $0x1E00, s2  }
0x16: {  	s15 =	sor.u32 s31, s12  }
0x17: {  	[tilespmem:s15+$0xE580] =	vst v1  }
0x18: {  	v1 =	vld.idx.msk [tilespmem:v2+s2+$0x0], $0xffff  }
0x19: {  	v2 =	vadd.s32 $0x2, v0;
	_ =	sdelay $0x3  }
0x1a: {  	[tilespmem:s15+$0xE600] =	vst v1  }
0x1b: {  	v1 =	vld.idx.msk [tilespmem:v2+s2+$0x0], $0xffff  }
0x1c: {  	v0 =	vadd.s32 $0x3, v0;
	_ =	sdelay $0x3  }
0x1d: {  	[tilespmem:s15+$0xE680] =	vst v1  }
0x1e: {  	v0 =	vld.idx.msk [tilespmem:v0+s2+$0x0], $0xffff;
	_ =	sdelay $0x2  }
0x1f: {  	s14 =	simm.s32 $0x20;
	s13 =	simm.s32 $0x40;
	s12 =	simm.s32 $0x10  }
.LBB2_2:
0x20: {  	p0 =	sne.s32 s14, $0x630  }
0x21: {  	s11 =	sshra.s32 s13, $0x2;
	[tilespmem:s15+$0xE700] =	vst v0;
	s15 =	smov.u32 s14;
	s14 =	sadd.s32 $0x10, s14  }
0x22: {  	v0 =	vld [tilespmem:s11+$0xC000];
	_ =	sdelay $0x6  }
0x23: {  	s11 =	simm.s32 $0x0  }
0x24: {  	v1 =	vld.idx.msk [tilespmem:v0+s11+$0x0], $0xffff;
	_ =	sdelay $0x1  }
0x25: {  	v2 =	vadd.s32 $0x1, v0;
	_ =	sdelay $0x1  }
0x26: {  	s16 =	sand.u32 $0x70, s12;
	s17 =	sand.u32 $0x1E00, s13;
	s12 =	smov.u32 s15  }
0x27: {  	s15 =	sor.u32 s16, s17  }
0x28: {  	[tilespmem:s15+$0xE580] =	vst v1  }
0x29: {  	v1 =	vld.idx.msk [tilespmem:v2+s11+$0x0], $0xffff;
	_ =	sdelay $0x1  }
0x2a: {  	v2 =	vadd.s32 $0x2, v0;
	_ =	sdelay $0x3  }
0x2b: {  	[tilespmem:s15+$0xE600] =	vst v1  }
0x2c: {  	v1 =	vld.idx.msk [tilespmem:v2+s11+$0x0], $0xffff;
	_ =	sdelay $0x1  }
0x2d: {  	v0 =	vadd.s32 $0x3, v0;
	_ =	sdelay $0x3  }
0x2e: {  	[tilespmem:s15+$0xE680] =	vst v1  }
0x2f: {  	v0 =	vld.idx.msk [tilespmem:v0+s11+$0x0], $0xffff  }
.Ltmp0:
0x30: {  	(pc) =	sbr.rel @p0 .LBB2_2-.Ltmp0, $2  }
0x31: {  	_ =	sdelay $0x2  }
0x32: {  	s13 =	sadd.s32 $0x40, s13  }
0x33: {  	s14 =	sshra.s32 s13, $0x2;
	[tilespmem:s15+$0xE700] =	vst v0  }
0x34: {  	v0 =	vld [tilespmem:s14+$0xC000];
	_ =	sdelay $0x7  }
0x35: {  	v1 =	vld.idx.msk [tilespmem:v0+s11+$0x0], $0xffff  }
0x36: {  	v2 =	vadd.s32 $0x1, v0;
	_ =	sdelay $0x1  }
0x37: {  	s12 =	sand.u32 $0x70, s12;
	s31 =	sand.u32 $0x1E00, s13  }
0x38: {  	s13 =	sor.u32 s12, s31  }
0x39: {  	[tilespmem:s13+$0xE580] =	vst v1  }
0x3a: {  	v1 =	vld.idx.msk [tilespmem:v2+s11+$0x0], $0xffff  }
0x3b: {  	v2 =	vadd.s32 $0x2, v0;
	_ =	sdelay $0x3  }
0x3c: {  	[tilespmem:s13+$0xE600] =	vst v1  }
0x3d: {  	v1 =	vld.idx.msk [tilespmem:v2+s11+$0x0], $0xffff  }
0x3e: {  	v0 =	vadd.s32 $0x3, v0;
	_ =	sdelay $0x3  }
0x3f: {  	[tilespmem:s13+$0xE680] =	vst v1  }
0x40: {  	p2 =	por $0x1, $0x1;
	v0 =	vld.idx.msk [tilespmem:v0+s11+$0x0], $0xffff  }
.Ltmp1:
0x41: {  	_ = 	snop;
	(pc) =	sbr.rel @!p2 .LBB2_8-.Ltmp1, $3  }
0x42: {  	_ =	sdelay $0x1  }
0x43: {  	p0 =	por $0x0, $0x0;
	s15 =	simm.s32 $0x0  }
0x44: {  	p1 =	por $0x0, $0x0;
	s12 =	simm.s32 $0x40;
	[tilespmem:s13+$0xE700] =	vst v0;
	s13 =	simm.s32 $0x0  }
0x45: {  	s13 =	simm.s32 $0x0  }
0x46: {  	v0 =	vld [tilespmem:s13+$0xC640];
	_ =	sdelay $0x7  }
0x47: {  	v1 =	vld.idx.msk [tilespmem:v0+s11+$0x0], $0xffff  }
0x48: {  	v2 =	vadd.s32 $0x1, v0;
	_ =	sdelay $0x1  }
0x49: {  	s31 =	sand.u32 $0x70, s11;
	s14 =	sand.u32 $0x1E00, s11  }
0x4a: {  	s14 =	sor.u32 s31, s14  }
0x4b: {  	[tilespmem:s14+$0xFF80] =	vst v1  }
0x4c: {  	v1 =	vld.idx.msk [tilespmem:v2+s11+$0x0], $0xffff  }
0x4d: {  	v2 =	vadd.s32 $0x2, v0;
	_ =	sdelay $0x3  }
0x4e: {  	[tilespmem:s14+$0x10000] =	vst v1  }
0x4f: {  	v1 =	vld.idx.msk [tilespmem:v2+s11+$0x0], $0xffff  }
0x50: {  	p2 =	por $0x1, $0x1;
	v0 =	vadd.s32 $0x3, v0  }
.Ltmp2:
0x51: {  	_ = 	snop;
	(pc) =	sbr.rel @!p2 .LBB2_5-.Ltmp2, $3  }
0x52: {  	_ =	sdelay $0x1  }
0x53: {  	[tilespmem:s14+$0x10080] =	vst v1  }
0x54: {  	s15 =	simm.s32 $0x80;
	p1 =	por $0x1, $0x1;
	s13 =	simm.s32 $0x0;
	v0 =	vld.idx.msk [tilespmem:v0+s11+$0x0], $0xffff  }
.LBB2_6:
0x55: {  	_ =	sdelay $0x2  }
0x56: {  	s16 =	sshra.s32 s12, $0x2  }
0x57: {  	s13 =	sadd.s32 $0x10, s13;
	s17 =	sadd.s32 $0x40, s15;
	[tilespmem:s14+$0x10100] =	vst v0;
	s14 =	smov.u32 s15  }
0x58: {  	p2 =	sne.s32 s15, $0x18C0;
	v0 =	vld [tilespmem:s16+$0xC640];
	_ =	sdelay $0x7  }
0x59: {  	v1 =	vld.idx.msk [tilespmem:v0+s11+$0x0], $0xffff;
	_ =	sdelay $0x1  }
0x5a: {  	v2 =	vadd.s32 $0x1, v0;
	_ =	sdelay $0x1  }
0x5b: {  	s15 =	sand.u32 $0x70, s13;
	s16 =	sand.u32 $0x1E00, s12;
	s12 =	smov.u32 s14  }
0x5c: {  	s14 =	sor.u32 s15, s16  }
0x5d: {  	[tilespmem:s14+$0xFF80] =	vst v1  }
0x5e: {  	v1 =	vld.idx.msk [tilespmem:v2+s11+$0x0], $0xffff;
	_ =	sdelay $0x1  }
0x5f: {  	v2 =	vadd.s32 $0x2, v0;
	_ =	sdelay $0x3  }
0x60: {  	[tilespmem:s14+$0x10000] =	vst v1  }
0x61: {  	v1 =	vld.idx.msk [tilespmem:v2+s11+$0x0], $0xffff;
	_ =	sdelay $0x1  }
0x62: {  	v0 =	vadd.s32 $0x3, v0  }
.Ltmp3:
0x63: {  	(pc) =	sbr.rel @p2 .LBB2_6-.Ltmp3, $3  }
0x64: {  	_ =	sdelay $0x1  }
0x65: {  	[tilespmem:s14+$0x10080] =	vst v1  }
0x66: {  	s15 =	smov.u32 s17;
	v0 =	vld.idx.msk [tilespmem:v0+s11+$0x0], $0xffff  }
0x67: {  	s15 =	smov.u32 s12  }
.LBB2_8:
0x68: {  	_ =	sdelay $0x2  }
0x69: {  	s12 =	sshra.s32 s15, $0x2;
	[tilespmem:s14+$0x10100] =	vst @p1 v0  }
0x6a: {  	v0 =	vld [tilespmem:s12+$0xC640];
	_ =	sdelay $0x7  }
0x6b: {  	v1 =	vld.idx.msk [tilespmem:v0+s11+$0x0], $0xffff  }
0x6c: {  	s12 =	sadd.s32 @p1 $0x10, s13;
	s13 =	simm.s32 $0x0;
	v2 =	vadd.s32 $0x1, v0  }
0x6d: {  	s13 =	smov.u32 @p1 s12  }
0x6e: {  	s31 =	sand.u32 $0x1E00, s15;
	s12 =	sand.u32 $0x70, s13  }
0x6f: {  	s12 =	sor.u32 s12, s31  }
0x70: {  	[tilespmem:s12+$0xFF80] =	vst v1  }
0x71: {  	v1 =	vld.idx.msk [tilespmem:v2+s11+$0x0], $0xffff  }
0x72: {  	v2 =	vadd.s32 $0x2, v0;
	_ =	sdelay $0x3  }
0x73: {  	[tilespmem:s12+$0x10000] =	vst v1  }
0x74: {  	v1 =	vld.idx.msk [tilespmem:v2+s11+$0x0], $0xffff  }
0x75: {  	v0 =	vadd.s32 $0x3, v0;
	_ =	sdelay $0x3  }
0x76: {  	[tilespmem:s12+$0x10080] =	vst v1  }
0x77: {  	p1 =	por $0x1, $0x1;
	v0 =	vld.idx.msk [tilespmem:v0+s11+$0x0], $0xffff  }
.Ltmp4:
0x78: {  	_ = 	snop;
	(pc) =	sbr.rel @!p1 .LBB2_13-.Ltmp4, $2  }
0x79: {  	_ =	sdelay $0x2  }
0x7a: {  	s14 =	simm.s32 $0x0;
	s13 =	simm.s32 $0x0;
	[tilespmem:s12+$0x10100] =	vst v0;
	s12 =	simm.s32 $0x10  }
0x7b: {  	s13 =	sand.u32 $0x7F0, s11  }
0x7c: {  	v0 =	vld [tilespmem:s13+$0xCC80];
	_ =	sdelay $0x6  }
0x7d: {  	s13 =	simm.s32 $0x0  }
0x7e: {  	v1 =	vld.idx.msk [tilespmem:v0+s13+$0x0], $0xffff  }
0x7f: {  	v2 =	vadd.s32 $0x1, v0;
	_ =	sdelay $0x1  }
0x80: {  	s14 =	sand.u32 $0x70, s11;
	s15 =	sand.u32 $0x1E00, s11  }
0x81: {  	s15 =	sor.u32 s14, s15  }
0x82: {  	[tilespmem:s15+$0x11980] =	vst v1  }
0x83: {  	v1 =	vld.idx.msk [tilespmem:v2+s13+$0x0], $0xffff  }
0x84: {  	v2 =	vadd.s32 $0x2, v0;
	_ =	sdelay $0x3  }
0x85: {  	[tilespmem:s15+$0x11A00] =	vst v1  }
0x86: {  	v1 =	vld.idx.msk [tilespmem:v2+s13+$0x0], $0xffff  }
0x87: {  	p1 =	por $0x1, $0x1;
	v0 =	vadd.s32 $0x3, v0  }
.Ltmp5:
0x88: {  	_ = 	snop;
	(pc) =	sbr.rel @!p1 .LBB2_10-.Ltmp5, $3  }
0x89: {  	_ =	sdelay $0x1  }
0x8a: {  	[tilespmem:s15+$0x11A80] =	vst v1  }
0x8b: {  	s16 =	simm.s32 $0x20;
	p0 =	por $0x1, $0x1;
	s14 =	simm.s32 $0x0;
	v0 =	vld.idx.msk [tilespmem:v0+s13+$0x0], $0xffff  }
.LBB2_11:
0x8c: {  	_ =	sdelay $0x2  }
0x8d: {  	s17 =	sand.u32 $0x7F0, s12  }
0x8e: {  	s14 =	sadd.s32 $0x40, s14;
	s18 =	sadd.s32 $0x10, s16;
	[tilespmem:s15+$0x11B00] =	vst v0;
	s15 =	smov.u32 s16  }
0x8f: {  	p1 =	sne.s32 s16, $0x630;
	v0 =	vld [tilespmem:s17+$0xCC80];
	_ =	sdelay $0x7  }
0x90: {  	v1 =	vld.idx.msk [tilespmem:v0+s13+$0x0], $0xffff;
	_ =	sdelay $0x1  }
0x91: {  	v2 =	vadd.s32 $0x1, v0;
	_ =	sdelay $0x1  }
0x92: {  	s16 =	sand.u32 $0x70, s12;
	s17 =	sand.u32 $0x1E00, s14;
	s12 =	smov.u32 s15  }
0x93: {  	s15 =	sor.u32 s16, s17  }
0x94: {  	[tilespmem:s15+$0x11980] =	vst v1  }
0x95: {  	v1 =	vld.idx.msk [tilespmem:v2+s13+$0x0], $0xffff;
	_ =	sdelay $0x1  }
0x96: {  	v2 =	vadd.s32 $0x2, v0;
	_ =	sdelay $0x3  }
0x97: {  	[tilespmem:s15+$0x11A00] =	vst v1  }
0x98: {  	v1 =	vld.idx.msk [tilespmem:v2+s13+$0x0], $0xffff;
	_ =	sdelay $0x1  }
0x99: {  	v0 =	vadd.s32 $0x3, v0  }
.Ltmp6:
0x9a: {  	(pc) =	sbr.rel @p1 .LBB2_11-.Ltmp6, $3  }
0x9b: {  	_ =	sdelay $0x1  }
0x9c: {  	[tilespmem:s15+$0x11A80] =	vst v1  }
0x9d: {  	s16 =	smov.u32 s18;
	v0 =	vld.idx.msk [tilespmem:v0+s13+$0x0], $0xffff  }
0x9e: {  	s13 =	smov.u32 s12  }
.LBB2_13:
0x9f: {  	_ =	sdelay $0x2  }
0xa0: {  	s12 =	sand.u32 $0x7F0, s13;
	[tilespmem:s15+$0x11B00] =	vst @p0 v0  }
0xa1: {  	v0 =	vld [tilespmem:s12+$0xCC80];
	_ =	sdelay $0x6  }
0xa2: {  	s12 =	simm.s32 $0x0  }
0xa3: {  	v1 =	vld.idx.msk [tilespmem:v0+s12+$0x0], $0xffff  }
0xa4: {  	s14 =	sadd.s32 @p0 $0x40, s14;
	v2 =	vadd.s32 $0x1, v0  }
0xa5: {  	s11 =	smov.u32 @p0 s14  }
0xa6: {  	s31 =	sand.u32 $0x70, s13;
	s11 =	sand.u32 $0x1E00, s11  }
0xa7: {  	s13 =	sor.u32 s31, s11  }
0xa8: {  	[tilespmem:s13+$0x11980] =	vst v1  }
0xa9: {  	v1 =	vld.idx.msk [tilespmem:v2+s12+$0x0], $0xffff  }
0xaa: {  	v2 =	vadd.s32 $0x2, v0;
	_ =	sdelay $0x3  }
0xab: {  	[tilespmem:s13+$0x11A00] =	vst v1  }
0xac: {  	v1 =	vld.idx.msk [tilespmem:v2+s12+$0x0], $0xffff  }
0xad: {  	v0 =	vadd.s32 $0x3, v0;
	_ =	sdelay $0x3  }
0xae: {  	[tilespmem:s13+$0x11A80] =	vst v1  }
0xaf: {  	p2 =	por $0x1, $0x1;
	v0 =	vld.idx.msk [tilespmem:v0+s12+$0x0], $0xffff  }
.Ltmp7:
0xb0: {  	_ = 	snop;
	(pc) =	sbr.rel @!p2 .LBB2_18-.Ltmp7, $3  }
0xb1: {  	_ =	sdelay $0x1  }
0xb2: {  	p1 =	por $0x0, $0x0;
	s11 =	simm.s32 $0x40  }
0xb3: {  	p0 =	por $0x0, $0x0;
	s15 =	simm.s32 $0x0;
	[tilespmem:s13+$0x11B00] =	vst v0;
	s13 =	simm.s32 $0x0  }
0xb4: {  	s13 =	simm.s32 $0x0  }
0xb5: {  	v0 =	vld [tilespmem:s13+$0xD2C0];
	_ =	sdelay $0x7  }
0xb6: {  	v1 =	vld.idx.msk [tilespmem:v0+s12+$0x0], $0xffff  }
0xb7: {  	v2 =	vadd.s32 $0x1, v0;
	_ =	sdelay $0x1  }
0xb8: {  	s31 =	sand.u32 $0x70, s12;
	s14 =	sand.u32 $0x1E00, s12  }
0xb9: {  	s14 =	sor.u32 s31, s14  }
0xba: {  	[tilespmem:s14+$0x13380] =	vst v1  }
0xbb: {  	v1 =	vld.idx.msk [tilespmem:v2+s12+$0x0], $0xffff  }
0xbc: {  	v2 =	vadd.s32 $0x2, v0;
	_ =	sdelay $0x3  }
0xbd: {  	[tilespmem:s14+$0x13400] =	vst v1  }
0xbe: {  	v1 =	vld.idx.msk [tilespmem:v2+s12+$0x0], $0xffff  }
0xbf: {  	p2 =	por $0x1, $0x1;
	v0 =	vadd.s32 $0x3, v0  }
.Ltmp8:
0xc0: {  	_ = 	snop;
	(pc) =	sbr.rel @!p2 .LBB2_15-.Ltmp8, $3  }
0xc1: {  	_ =	sdelay $0x1  }
0xc2: {  	[tilespmem:s14+$0x13480] =	vst v1  }
0xc3: {  	s15 =	simm.s32 $0x80;
	p1 =	por $0x1, $0x1;
	s13 =	simm.s32 $0x0;
	v0 =	vld.idx.msk [tilespmem:v0+s12+$0x0], $0xffff  }
.LBB2_16:
0xc4: {  	_ =	sdelay $0x2  }
0xc5: {  	s16 =	sshra.s32 s11, $0x2  }
0xc6: {  	s13 =	sadd.s32 $0x10, s13;
	s17 =	sadd.s32 $0x40, s15;
	[tilespmem:s14+$0x13500] =	vst v0;
	s14 =	smov.u32 s15  }
0xc7: {  	p2 =	sne.s32 s15, $0x18C0;
	v0 =	vld [tilespmem:s16+$0xD2C0];
	_ =	sdelay $0x7  }
0xc8: {  	v1 =	vld.idx.msk [tilespmem:v0+s12+$0x0], $0xffff;
	_ =	sdelay $0x1  }
0xc9: {  	v2 =	vadd.s32 $0x1, v0;
	_ =	sdelay $0x1  }
0xca: {  	s15 =	sand.u32 $0x70, s13;
	s16 =	sand.u32 $0x1E00, s11;
	s11 =	smov.u32 s14  }
0xcb: {  	s14 =	sor.u32 s15, s16  }
0xcc: {  	[tilespmem:s14+$0x13380] =	vst v1  }
0xcd: {  	v1 =	vld.idx.msk [tilespmem:v2+s12+$0x0], $0xffff;
	_ =	sdelay $0x1  }
0xce: {  	v2 =	vadd.s32 $0x2, v0;
	_ =	sdelay $0x3  }
0xcf: {  	[tilespmem:s14+$0x13400] =	vst v1  }
0xd0: {  	v1 =	vld.idx.msk [tilespmem:v2+s12+$0x0], $0xffff;
	_ =	sdelay $0x1  }
0xd1: {  	v0 =	vadd.s32 $0x3, v0  }
.Ltmp9:
0xd2: {  	(pc) =	sbr.rel @p2 .LBB2_16-.Ltmp9, $3  }
0xd3: {  	_ =	sdelay $0x1  }
0xd4: {  	[tilespmem:s14+$0x13480] =	vst v1  }
0xd5: {  	s15 =	smov.u32 s17;
	v0 =	vld.idx.msk [tilespmem:v0+s12+$0x0], $0xffff  }
0xd6: {  	s15 =	smov.u32 s11  }
.LBB2_18:
0xd7: {  	_ =	sdelay $0x2  }
0xd8: {  	s11 =	sshra.s32 s15, $0x2;
	[tilespmem:s14+$0x13500] =	vst @p1 v0  }
0xd9: {  	v0 =	vld [tilespmem:s11+$0xD2C0];
	_ =	sdelay $0x7  }
0xda: {  	v1 =	vld.idx.msk [tilespmem:v0+s12+$0x0], $0xffff  }
0xdb: {  	s11 =	sadd.s32 @p1 $0x10, s13;
	s13 =	simm.s32 $0x0;
	v2 =	vadd.s32 $0x1, v0  }
0xdc: {  	s13 =	smov.u32 @p1 s11  }
0xdd: {  	s31 =	sand.u32 $0x1E00, s15;
	s11 =	sand.u32 $0x70, s13  }
0xde: {  	s11 =	sor.u32 s11, s31  }
0xdf: {  	[tilespmem:s11+$0x13380] =	vst v1  }
0xe0: {  	v1 =	vld.idx.msk [tilespmem:v2+s12+$0x0], $0xffff  }
0xe1: {  	v2 =	vadd.s32 $0x2, v0;
	_ =	sdelay $0x3  }
0xe2: {  	[tilespmem:s11+$0x13400] =	vst v1  }
0xe3: {  	v1 =	vld.idx.msk [tilespmem:v2+s12+$0x0], $0xffff  }
0xe4: {  	v0 =	vadd.s32 $0x3, v0;
	_ =	sdelay $0x3  }
0xe5: {  	[tilespmem:s11+$0x13480] =	vst v1  }
0xe6: {  	p1 =	por $0x1, $0x1;
	v0 =	vld.idx.msk [tilespmem:v0+s12+$0x0], $0xffff  }
.Ltmp10:
0xe7: {  	_ = 	snop;
	(pc) =	sbr.rel @!p1 .LBB2_23-.Ltmp10, $2  }
0xe8: {  	_ =	sdelay $0x2  }
0xe9: {  	s14 =	simm.s32 $0x0;
	s13 =	simm.s32 $0x0;
	[tilespmem:s11+$0x13500] =	vst v0;
	s11 =	simm.s32 $0x10  }
0xea: {  	s13 =	sand.u32 $0x7F0, s12  }
0xeb: {  	v0 =	vld [tilespmem:s13+$0xD900];
	_ =	sdelay $0x6  }
0xec: {  	s13 =	simm.s32 $0x0  }
0xed: {  	v1 =	vld.idx.msk [tilespmem:v0+s13+$0x0], $0xffff  }
0xee: {  	v2 =	vadd.s32 $0x1, v0;
	_ =	sdelay $0x1  }
0xef: {  	s14 =	sand.u32 $0x70, s12;
	s15 =	sand.u32 $0x1E00, s12  }
0xf0: {  	s15 =	sor.u32 s14, s15  }
0xf1: {  	[tilespmem:s15+$0x14D80] =	vst v1  }
0xf2: {  	v1 =	vld.idx.msk [tilespmem:v2+s13+$0x0], $0xffff  }
0xf3: {  	v2 =	vadd.s32 $0x2, v0;
	_ =	sdelay $0x3  }
0xf4: {  	[tilespmem:s15+$0x14E00] =	vst v1  }
0xf5: {  	v1 =	vld.idx.msk [tilespmem:v2+s13+$0x0], $0xffff  }
0xf6: {  	p1 =	por $0x1, $0x1;
	v0 =	vadd.s32 $0x3, v0  }
.Ltmp11:
0xf7: {  	_ = 	snop;
	(pc) =	sbr.rel @!p1 .LBB2_20-.Ltmp11, $3  }
0xf8: {  	_ =	sdelay $0x1  }
0xf9: {  	[tilespmem:s15+$0x14E80] =	vst v1  }
0xfa: {  	s16 =	simm.s32 $0x20;
	p0 =	por $0x1, $0x1;
	s14 =	simm.s32 $0x0;
	v0 =	vld.idx.msk [tilespmem:v0+s13+$0x0], $0xffff  }
.LBB2_21:
0xfb: {  	_ =	sdelay $0x2  }
0xfc: {  	s17 =	sand.u32 $0x7F0, s11  }
0xfd: {  	s14 =	sadd.s32 $0x40, s14;
	s18 =	sadd.s32 $0x10, s16;
	[tilespmem:s15+$0x14F00] =	vst v0;
	s15 =	smov.u32 s16  }
0xfe: {  	p1 =	sne.s32 s16, $0x630;
	v0 =	vld [tilespmem:s17+$0xD900];
	_ =	sdelay $0x7  }
0xff: {  	v1 =	vld.idx.msk [tilespmem:v0+s13+$0x0], $0xffff;
	_ =	sdelay $0x1  }
0x100: {  	v2 =	vadd.s32 $0x1, v0;
	_ =	sdelay $0x1  }
0x101: {  	s16 =	sand.u32 $0x70, s11;
	s17 =	sand.u32 $0x1E00, s14;
	s11 =	smov.u32 s15  }
0x102: {  	s15 =	sor.u32 s16, s17  }
0x103: {  	[tilespmem:s15+$0x14D80] =	vst v1  }
0x104: {  	v1 =	vld.idx.msk [tilespmem:v2+s13+$0x0], $0xffff;
	_ =	sdelay $0x1  }
0x105: {  	v2 =	vadd.s32 $0x2, v0;
	_ =	sdelay $0x3  }
0x106: {  	[tilespmem:s15+$0x14E00] =	vst v1  }
0x107: {  	v1 =	vld.idx.msk [tilespmem:v2+s13+$0x0], $0xffff;
	_ =	sdelay $0x1  }
0x108: {  	v0 =	vadd.s32 $0x3, v0  }
.Ltmp12:
0x109: {  	(pc) =	sbr.rel @p1 .LBB2_21-.Ltmp12, $3  }
0x10a: {  	_ =	sdelay $0x1  }
0x10b: {  	[tilespmem:s15+$0x14E80] =	vst v1  }
0x10c: {  	s16 =	smov.u32 s18;
	v0 =	vld.idx.msk [tilespmem:v0+s13+$0x0], $0xffff  }
0x10d: {  	s13 =	smov.u32 s11  }
.LBB2_23:
0x10e: {  	_ =	sdelay $0x2  }
0x10f: {  	s11 =	sand.u32 $0x7F0, s13;
	[tilespmem:s15+$0x14F00] =	vst @p0 v0  }
0x110: {  	v0 =	vld [tilespmem:s11+$0xD900];
	_ =	sdelay $0x6  }
0x111: {  	s11 =	simm.s32 $0x0  }
0x112: {  	v1 =	vld.idx.msk [tilespmem:v0+s11+$0x0], $0xffff  }
0x113: {  	s14 =	sadd.s32 @p0 $0x40, s14;
	v2 =	vadd.s32 $0x1, v0  }
0x114: {  	s12 =	smov.u32 @p0 s14  }
0x115: {  	s31 =	sand.u32 $0x70, s13;
	s12 =	sand.u32 $0x1E00, s12  }
0x116: {  	s13 =	sor.u32 s31, s12  }
0x117: {  	[tilespmem:s13+$0x14D80] =	vst v1  }
0x118: {  	v1 =	vld.idx.msk [tilespmem:v2+s11+$0x0], $0xffff  }
0x119: {  	v2 =	vadd.s32 $0x2, v0;
	_ =	sdelay $0x3  }
0x11a: {  	[tilespmem:s13+$0x14E00] =	vst v1  }
0x11b: {  	v1 =	vld.idx.msk [tilespmem:v2+s11+$0x0], $0xffff  }
0x11c: {  	v0 =	vadd.s32 $0x3, v0;
	_ =	sdelay $0x3  }
0x11d: {  	[tilespmem:s13+$0x14E80] =	vst v1  }
0x11e: {  	p1 =	por $0x1, $0x1;
	v0 =	vld.idx.msk [tilespmem:v0+s11+$0x0], $0xffff  }
.Ltmp13:
0x11f: {  	_ = 	snop;
	(pc) =	sbr.rel @!p1 .LBB2_28-.Ltmp13, $3  }
0x120: {  	_ =	sdelay $0x1  }
0x121: {  	s12 =	simm.s32 $0x40  }
0x122: {  	p0 =	por $0x0, $0x0;
	s15 =	simm.s32 $0x0;
	[tilespmem:s13+$0x14F00] =	vst v0;
	s13 =	simm.s32 $0x0  }
0x123: {  	s13 =	simm.s32 $0x0  }
0x124: {  	v0 =	vld [tilespmem:s13+$0xDF40];
	_ =	sdelay $0x7  }
0x125: {  	v1 =	vld.idx.msk [tilespmem:v0+s2+$0x0], $0xffff  }
0x126: {  	v2 =	vadd.s32 $0x1, v0;
	_ =	sdelay $0x1  }
0x127: {  	s31 =	sand.u32 $0x70, s11;
	s14 =	sand.u32 $0x1E00, s11  }
0x128: {  	s14 =	sor.u32 s31, s14  }
0x129: {  	[tilespmem:s14+$0x16780] =	vst v1  }
0x12a: {  	v1 =	vld.idx.msk [tilespmem:v2+s2+$0x0], $0xffff  }
0x12b: {  	v2 =	vadd.s32 $0x2, v0;
	_ =	sdelay $0x3  }
0x12c: {  	[tilespmem:s14+$0x16800] =	vst v1  }
0x12d: {  	v1 =	vld.idx.msk [tilespmem:v2+s2+$0x0], $0xffff  }
0x12e: {  	p1 =	por $0x1, $0x1;
	v0 =	vadd.s32 $0x3, v0  }
.Ltmp14:
0x12f: {  	_ = 	snop;
	(pc) =	sbr.rel @!p1 .LBB2_25-.Ltmp14, $3  }
0x130: {  	_ =	sdelay $0x1  }
0x131: {  	[tilespmem:s14+$0x16880] =	vst v1  }
0x132: {  	s15 =	simm.s32 $0x80;
	p0 =	por $0x1, $0x1;
	s13 =	simm.s32 $0x0;
	v0 =	vld.idx.msk [tilespmem:v0+s2+$0x0], $0xffff  }
.LBB2_26:
0x133: {  	_ =	sdelay $0x2  }
0x134: {  	s16 =	sshra.s32 s12, $0x2  }
0x135: {  	s13 =	sadd.s32 $0x10, s13;
	s17 =	sadd.s32 $0x40, s15;
	[tilespmem:s14+$0x16900] =	vst v0;
	s14 =	smov.u32 s15  }
0x136: {  	p1 =	sne.s32 s15, $0x18C0;
	v0 =	vld [tilespmem:s16+$0xDF40];
	_ =	sdelay $0x7  }
0x137: {  	v1 =	vld.idx.msk [tilespmem:v0+s2+$0x0], $0xffff;
	_ =	sdelay $0x1  }
0x138: {  	v2 =	vadd.s32 $0x1, v0;
	_ =	sdelay $0x1  }
0x139: {  	s15 =	sand.u32 $0x70, s13;
	s16 =	sand.u32 $0x1E00, s12;
	s12 =	smov.u32 s14  }
0x13a: {  	s14 =	sor.u32 s15, s16  }
0x13b: {  	[tilespmem:s14+$0x16780] =	vst v1  }
0x13c: {  	v1 =	vld.idx.msk [tilespmem:v2+s2+$0x0], $0xffff;
	_ =	sdelay $0x1  }
0x13d: {  	v2 =	vadd.s32 $0x2, v0;
	_ =	sdelay $0x3  }
0x13e: {  	[tilespmem:s14+$0x16800] =	vst v1  }
0x13f: {  	v1 =	vld.idx.msk [tilespmem:v2+s2+$0x0], $0xffff;
	_ =	sdelay $0x1  }
0x140: {  	v0 =	vadd.s32 $0x3, v0  }
.Ltmp15:
0x141: {  	(pc) =	sbr.rel @p1 .LBB2_26-.Ltmp15, $3  }
0x142: {  	_ =	sdelay $0x1  }
0x143: {  	[tilespmem:s14+$0x16880] =	vst v1  }
0x144: {  	s15 =	smov.u32 s17;
	v0 =	vld.idx.msk [tilespmem:v0+s2+$0x0], $0xffff  }
0x145: {  	s15 =	smov.u32 s12  }
.LBB2_28:
0x146: {  	_ =	sdelay $0x2  }
0x147: {  	s12 =	sshra.s32 s15, $0x2;
	[tilespmem:s14+$0x16900] =	vst @p0 v0  }
0x148: {  	v0 =	vld [tilespmem:s12+$0xDF40];
	_ =	sdelay $0x7  }
0x149: {  	v1 =	vld.idx.msk [tilespmem:v0+s2+$0x0], $0xffff  }
0x14a: {  	s12 =	sadd.s32 @p0 $0x10, s13;
	v2 =	vadd.s32 $0x1, v0  }
0x14b: {  	s11 =	smov.u32 @p0 s12  }
0x14c: {  	s31 =	sand.u32 $0x1E00, s15;
	s11 =	sand.u32 $0x70, s11  }
0x14d: {  	s11 =	sor.u32 s11, s31  }
0x14e: {  	[tilespmem:s11+$0x16780] =	vst v1  }
0x14f: {  	v1 =	vld.idx.msk [tilespmem:v2+s2+$0x0], $0xffff  }
0x150: {  	v63 =	vadd.s32 $0x2, v0;
	_ =	sdelay $0x3  }
0x151: {  	[tilespmem:s11+$0x16800] =	vst v1  }
0x152: {  	v1 =	vld.idx.msk [tilespmem:v63+s2+$0x0], $0xffff  }
0x153: {  	v0 =	vadd.s32 $0x3, v0;
	_ =	sdelay $0x3  }
0x154: {  	[tilespmem:s11+$0x16880] =	vst v1  }
0x155: {  	v0 =	vld.idx.msk [tilespmem:v0+s2+$0x0], $0xffff;
	_ =	sdelay $0x3  }
0x156: {  	s10 =	sadd.s32 $0x1, s10  }
0x157: {  	p0 =	sne.s32 s10, s6;
	[tilespmem:s11+$0x16900] =	vst v0  }
0x158: {  	[hbm4b:s5+s2] =	stream.linear.scatter [tilespmem:s9], [sflag:$0x1], $0x9C00, $0x38;
	[tilespmem:$0x18180] =	vst v63  }
.Ltmp16:
0x159: {  	_ = 	snop;
	(pc) =	sbr.rel @p0 .LBB2_1-.Ltmp16, $4  }
.Ltmp17:
0x15a: {  	_ = 	snop;
	(pc) =	sbr.rel @!p0 .LBB2_29-.Ltmp17, $4  }
0x15b: {  	_ =	swait.ge [sflag:s7], $0x9C00  }
0x15c: {  	[sflag:s7] =	ssyncset.done $0x0  }
0x15d: {  	[sflag:s7] =	ssyncadd.s32 $0xFFFF6400  }
0x15e: {  	_ = 	snop  }
.LBB2_5:
.Ltmp18:
0x15f: {  	(pc) =	sbr.rel .LBB2_8-.Ltmp18, $2  }
0x160: {  	_ =	sdelay $0x2  }
0x161: {  	s15 =	simm.s32 $0x40;
	s13 =	simm.s32 $0x0  }
.LBB2_10:
.Ltmp19:
0x162: {  	(pc) =	sbr.rel .LBB2_13-.Ltmp19, $2  }
0x163: {  	_ =	sdelay $0x2  }
0x164: {  	s13 =	simm.s32 $0x10;
	s14 =	simm.s32 $0x0  }
.LBB2_15:
.Ltmp20:
0x165: {  	(pc) =	sbr.rel .LBB2_18-.Ltmp20, $2  }
0x166: {  	_ =	sdelay $0x2  }
0x167: {  	s15 =	simm.s32 $0x40;
	s13 =	simm.s32 $0x0  }
.LBB2_20:
.Ltmp21:
0x168: {  	(pc) =	sbr.rel .LBB2_23-.Ltmp21, $2  }
0x169: {  	_ =	sdelay $0x2  }
0x16a: {  	s13 =	simm.s32 $0x10;
	s14 =	simm.s32 $0x0  }
.LBB2_25:
.Ltmp22:
0x16b: {  	(pc) =	sbr.rel .LBB2_28-.Ltmp22, $2  }
0x16c: {  	_ =	sdelay $0x2  }
0x16d: {  	s15 =	simm.s32 $0x40;
	s13 =	simm.s32 $0x0  }
.LBB2_29:
0x16e: {  	_ =	sfence.sel $0x180000  }
0x16f: {  	[bflag:$0x0] =	sbarrier.arrive $0xFFFF  }
0x170: {  	p0 =	sne.s32 s0, $0x0;
	_ =	strace $0x9000004A  }
0x171: {  	s0 =	sadd.s32 @!p0 $0x100000, s1;
	[bflag:$0x2] =	sbarrier.arrive $0xFFFF  }
0x172: {  	[sflag:s0] =	ssyncadd.tile.s32 @!p0 $0x1;
	_ =	shalt  }
.Lfunc_end2:
_tile_overlayer_lowered:
.L_overlay_start_2:
0x173: {  	(tag) =	ssettag $0x2  }
0x174: {  	s0 =	rddreg [dreg:$0x0];
	s2 =	stileid.u32  }
0x175: {  	s1 =	rddreg [dreg:$0x1];
	p0 =	sne.s32 s2, $0x0  }
0x176: {  	s3 =	rddreg [dreg:$0x2];
	[bflag:$0x3] =	sbarrier.arrive $0xFFFF;
	s2 =	simm.s32 @!p0 $0x1C01  }
0x177: {  	[timem:s3], [sflag:s2] =	dma.local @!p0 [hbm:s0], s1  }
0x178: {  	s0 =	simm.s32 @!p0 $0x1  }
0x179: {  	_ =	swait.ge @!p0 [sflag:s0], s1  }
0x17a: {  	s1 =	ssub.s32 @!p0 $0x0, s1;
	[sflag:s0] =	ssyncset.done @!p0 $0x0  }
0x17b: {  	[sflag:s0] =	ssyncadd.s32 @!p0 s1  }
0x17c: {  	[bflag:$0x3] =	sbarrier.arrive $0xFFFF  }
0x17d: {  	_ =	shalt  }

</sc_bundles>
